<compile_context>
chip_gen: v7x
topology: tpu7x:2x2x1
jax: 0.10.2.dev20260603
libtpu: 0.0.44.dev20260713+nightly
codegen_flags: <defaults>
</compile_context>

<pallas_src>
import functools
import jax
import jax.numpy as jnp
from jax import lax
from jax.experimental import pallas as pl
from jax.experimental.pallas import tpu as pltpu
from jax.experimental.pallas import tpu_sc as plsc

F_IN = 64
F_H = 64
N_OUT = 68
N_TOTAL = 327680
NSEG = 16384

NC, NS = 2, 16
NW = NC * NS
NODES_PER_W = N_TOTAL // NW
CHUNK = 512
NCHUNKS = NODES_PER_W // CHUNK
SEG_PER_TILE = NSEG // NS
R_W = 16
CHUNK_A = 128
NCHUNKS_A = NODES_PER_W // CHUNK_A

_mesh = plsc.VectorSubcoreMesh(core_axis_name="c", subcore_axis_name="s")


ZB = 128
NZB = SEG_PER_TILE // ZB


@functools.partial(
    pl.kernel, mesh=_mesh,
    out_type=[
        jax.ShapeDtypeStruct((NC * NSEG, F_IN), jnp.float32),
        jax.ShapeDtypeStruct((NC * NSEG, 16), jnp.float32),
    ],
    scratch_types=[
        pltpu.VMEM((CHUNK_A, F_IN), jnp.float32),
        pltpu.VMEM((CHUNK_A,), jnp.int32),
        pltpu.VMEM((CHUNK_A, 16), jnp.float32),
        pltpu.VMEM_SHARED((NSEG, F_IN), jnp.float32),
        pltpu.VMEM_SHARED((NSEG, 16), jnp.float32),
    ],
)
def _sc_segsum_x(x_hbm, ids_hbm, zeros_hbm, zeros16_hbm, ones_hbm,
                 s_out, cnt_out, xbuf, ibuf, obuf, s_sh, cnt_sh):
    cid = lax.axis_index("c")
    sid = lax.axis_index("s")
    wid = sid * NC + cid
    row0 = pl.multiple_of(sid * SEG_PER_TILE, 8)

    pltpu.sync_copy(zeros_hbm, xbuf)
    pltpu.sync_copy(zeros16_hbm, obuf)

    def zinit(k, _):
        r = pl.multiple_of(row0 + k * ZB, 8)
        pltpu.sync_copy(xbuf.at[pl.ds(0, ZB)], s_sh.at[pl.ds(r, ZB)])
        pltpu.sync_copy(obuf.at[pl.ds(0, ZB)], cnt_sh.at[pl.ds(r, ZB)])
        return ()

    lax.fori_loop(0, NZB, zinit, ())
    pltpu.sync_copy(ones_hbm, obuf)
    plsc.subcore_barrier()

    base = wid * NODES_PER_W

    def body(c, _):
        off = pl.multiple_of(base + c * CHUNK_A, 8)
        pltpu.sync_copy(x_hbm.at[pl.ds(off, CHUNK_A)], xbuf)
        pltpu.sync_copy(ids_hbm.at[pl.ds(off, CHUNK_A)], ibuf)
        pltpu.sync_copy(xbuf, s_sh.at[ibuf], add=True)
        pltpu.sync_copy(obuf, cnt_sh.at[ibuf], add=True)
        return ()

    lax.fori_loop(0, NCHUNKS_A, body, ())
    plsc.subcore_barrier()

    def drain(k, _):
        r = pl.multiple_of(row0 + k * ZB, 8)
        o = pl.multiple_of(cid * NSEG + row0 + k * ZB, 8)
        pltpu.sync_copy(s_sh.at[pl.ds(r, ZB)], xbuf.at[pl.ds(0, ZB)])
        pltpu.sync_copy(xbuf.at[pl.ds(0, ZB)], s_out.at[pl.ds(o, ZB)])
        pltpu.sync_copy(cnt_sh.at[pl.ds(r, ZB)], obuf.at[pl.ds(0, ZB)])
        pltpu.sync_copy(obuf.at[pl.ds(0, ZB)], cnt_out.at[pl.ds(o, ZB)])
        return ()

    lax.fori_loop(0, NZB, drain, ())


@functools.partial(
    pl.kernel, mesh=_mesh,
    out_type=jax.ShapeDtypeStruct((NC, NSEG, R_W), jnp.float32),
    scratch_types=[
        pltpu.VMEM((CHUNK, R_W), jnp.float32),
        pltpu.VMEM((CHUNK,), jnp.int32),
        pltpu.VMEM_SHARED((NSEG, R_W), jnp.float32),
    ],
)
def _sc_segsum_r(r_hbm, ids_hbm, zerosr_hbm, d_out, rbuf, ibuf, d_sh):
    cid = lax.axis_index("c")
    sid = lax.axis_index("s")
    wid = sid * NC + cid
    row0 = pl.multiple_of(sid * SEG_PER_TILE, 8)
    pltpu.sync_copy(zerosr_hbm, rbuf.at[pl.ds(0, SEG_PER_TILE // 2)])
    pltpu.sync_copy(rbuf.at[pl.ds(0, SEG_PER_TILE // 2)],
                    d_sh.at[pl.ds(row0, SEG_PER_TILE // 2)])
    r1 = pl.multiple_of(row0 + SEG_PER_TILE // 2, 8)
    pltpu.sync_copy(rbuf.at[pl.ds(0, SEG_PER_TILE // 2)],
                    d_sh.at[pl.ds(r1, SEG_PER_TILE // 2)])
    plsc.subcore_barrier()

    base = wid * NODES_PER_W

    @pl.loop(0, NCHUNKS)
    def body(c):
        off = pl.multiple_of(base + c * CHUNK, 8)
        pltpu.sync_copy(r_hbm.at[pl.ds(off, CHUNK)], rbuf)
        pltpu.sync_copy(ids_hbm.at[pl.ds(off, CHUNK)], ibuf)
        pltpu.sync_copy(rbuf, d_sh.at[ibuf], add=True)

    plsc.subcore_barrier()
    pltpu.sync_copy(d_sh.at[pl.ds(row0, SEG_PER_TILE)],
                    rbuf.at[pl.ds(0, SEG_PER_TILE)])
    pltpu.sync_copy(rbuf.at[pl.ds(0, SEG_PER_TILE)],
                    d_out.at[cid, pl.ds(row0, SEG_PER_TILE)])


def _make_sc_gather(width, chunk):
    nchunks = NODES_PER_W // chunk

    @functools.partial(
        pl.kernel, mesh=_mesh,
        out_type=jax.ShapeDtypeStruct((N_TOTAL, width), jnp.float32),
        scratch_types=[
            pltpu.VMEM((chunk,), jnp.int32),
            pltpu.VMEM((chunk, width), jnp.float32),
            pltpu.VMEM_SHARED((NSEG, width), jnp.float32),
        ],
    )
    def gather(table_hbm, ids_hbm, out_hbm, ibuf, rows, tbl_sh):
        cid = lax.axis_index("c")
        sid = lax.axis_index("s")
        wid = sid * NC + cid
        row0 = pl.multiple_of(sid * SEG_PER_TILE, 8)
        pltpu.sync_copy(table_hbm.at[pl.ds(row0, SEG_PER_TILE)],
                        tbl_sh.at[pl.ds(row0, SEG_PER_TILE)])
        plsc.subcore_barrier()
        base = wid * NODES_PER_W

        def body(c, _):
            off = pl.multiple_of(base + c * chunk, 8)
            pltpu.sync_copy(ids_hbm.at[pl.ds(off, chunk)], ibuf)
            pltpu.sync_copy(tbl_sh.at[ibuf], rows)
            pltpu.sync_copy(rows, out_hbm.at[pl.ds(off, chunk)])
            return ()

        lax.fori_loop(0, nchunks, body, ())

    return gather


_sc_gather64 = _make_sc_gather(F_IN, 256)
_sc_gather16 = _make_sc_gather(16, 512)


def _make_sc_gather_hbm(chunk):
    nchunks = NODES_PER_W // chunk

    @functools.partial(
        pl.kernel, mesh=_mesh,
        out_type=jax.ShapeDtypeStruct((N_TOTAL, 128), jnp.float32),
        scratch_types=[
            pltpu.VMEM((chunk,), jnp.int32),
            pltpu.VMEM((chunk, 128), jnp.float32),
            pltpu.SemaphoreType.DMA,
        ],
    )
    def gather(table_hbm, ids_hbm, out_hbm, ibuf, rows, sem):
        cid = lax.axis_index("c")
        sid = lax.axis_index("s")
        wid = sid * NC + cid
        base = wid * NODES_PER_W

        @pl.loop(0, nchunks)
        def body(c):
            off = pl.multiple_of(base + c * chunk, 8)
            pltpu.sync_copy(ids_hbm.at[pl.ds(off, chunk)], ibuf)
            pltpu.async_copy(table_hbm.at[ibuf], rows, sem).wait()
            pltpu.sync_copy(rows, out_hbm.at[pl.ds(off, chunk)])

    return gather


_sc_gather128 = _make_sc_gather_hbm(256)


_TCA_BLK = 2048
_TCA_GRID = N_TOTAL // _TCA_BLK


def _tca_body(x_ref, w1t_ref, acc_ref):
    @pl.when(pl.program_id(0) == 0)
    def _():
        acc_ref[...] = jnp.zeros_like(acc_ref)

    a = jnp.dot(x_ref[...], w1t_ref[...], preferred_element_type=jnp.float32)
    acc_ref[0:1, :] += jnp.sum(a * a, axis=0, keepdims=True)


def _tc_suma2(x, w1t):
    return pl.pallas_call(
        _tca_body,
        grid=(_TCA_GRID,),
        in_specs=[
            pl.BlockSpec((_TCA_BLK, F_IN), lambda i: (i, 0)),
            pl.BlockSpec((F_IN, F_H), lambda i: (0, 0)),
        ],
        out_specs=pl.BlockSpec((8, F_H), lambda i: (0, 0)),
        out_shape=jax.ShapeDtypeStruct((8, F_H), jnp.float32),
    )(x, w1t)


_TCB_SB = 1024
_TCB_NB = NSEG // _TCB_SB


def _tcb_body(sp_ref, cp_ref, nxf_ref, w1t_ref, w2t_ref, whtt_ref,
              gh_ref, bh_ref, ght_ref, bht_ref, wxtt_ref, bxt_ref, sa2_ref,
              btab_ref, zend_ref, scale_ref, acc_ref):
    p = pl.program_id(0)
    j = pl.program_id(1)

    @pl.when((p == 0) & (j == 0))
    def _():
        acc_ref[...] = jnp.zeros_like(acc_ref)

    S = sp_ref[0] + sp_ref[1]
    x_end = S * (1.0 / nxf_ref[...])
    B = jnp.dot(x_end, w2t_ref[...], preferred_element_type=jnp.float32)
    C = jnp.dot(x_end, whtt_ref[...], preferred_element_type=jnp.float32)

    @pl.when(p == 0)
    def _():
        cnt = cp_ref[0, :, 0:1] + cp_ref[1, :, 0:1]
        segsumA = jnp.dot(S, w1t_ref[...], preferred_element_type=jnp.float32)
        acc_ref[0:1, :] += jnp.sum(S, axis=0, keepdims=True)
        acc_ref[1:2, :] += jnp.sum(cnt * B, axis=0, keepdims=True)
        acc_ref[2:3, :] += jnp.sum(segsumA * B, axis=0, keepdims=True)
        acc_ref[3:4, :] += jnp.sum(cnt * B * B, axis=0, keepdims=True)
        acc_ref[4:5, :] += jnp.sum(C, axis=0, keepdims=True)
        acc_ref[5:6, :] += jnp.sum(C * C, axis=0, keepdims=True)

    @pl.when((p == 1) & (j == 0))
    def _():
        n = jnp.float32(N_TOTAL)
        sumA = jnp.dot(acc_ref[0:1, :], w1t_ref[...],
                       preferred_element_type=jnp.float32)
        m = (sumA + acc_ref[1:2, :]) / n
        v = (sa2_ref[0:1, :] + 2.0 * acc_ref[2:3, :] + acc_ref[3:4, :]) / n \
            - m * m
        scale = gh_ref[...] * lax.rsqrt(v + 1e-5)
        shift = bh_ref[...] - m * scale
        nseg = jnp.float32(NSEG)
        mt = acc_ref[4:5, :] / nseg
        vt = acc_ref[5:6, :] / nseg - mt * mt
        scale_t = ght_ref[...] * lax.rsqrt(vt + 1e-5)
        shift_t = bht_ref[...] - mt * scale_t
        acc_ref[0:1, :] = scale
        acc_ref[1:2, :] = shift
        acc_ref[2:3, :] = scale_t
        acc_ref[3:4, :] = shift_t
        scale_ref[...] = jnp.broadcast_to(scale, scale_ref.shape)

    @pl.when(p == 1)
    def _():
        bt = B * acc_ref[0:1, :] + acc_ref[1:2, :]
        btab_ref[...] = jnp.concatenate(
            [bt, jnp.zeros((bt.shape[0], 128 - F_H), jnp.float32)], axis=1)
        t = jnp.maximum(C * acc_ref[2:3, :] + acc_ref[3:4, :], 0.0)
        zend_ref[...] = jnp.exp(
            jnp.dot(t, wxtt_ref[...], preferred_element_type=jnp.float32)
            + bxt_ref[...])


def _tc_tables(sp, cp, nxf, w1t, w2t, whtt, gh, bh, ght, bht, wxtt, bxt, sa2):
    full = lambda shape: pl.BlockSpec(shape, lambda p, j: tuple(0 for _ in shape))
    return pl.pallas_call(
        _tcb_body,
        grid=(2, _TCB_NB),
        in_specs=[
            pl.BlockSpec((2, _TCB_SB, F_IN), lambda p, j: (0, j, 0)),
            pl.BlockSpec((2, _TCB_SB, 16), lambda p, j: (0, j, 0)),
            pl.BlockSpec((_TCB_SB, 1), lambda p, j: (j, 0)),
            full((F_IN, F_H)), full((F_IN, F_H)), full((F_IN, F_H)),
            full((1, F_H)), full((1, F_H)), full((1, F_H)), full((1, F_H)),
            full((F_H, 1)), full((1, 1)), full((8, F_H)),
        ],
        out_specs=[
            pl.BlockSpec((_TCB_SB, 128), lambda p, j: (j, 0)),
            pl.BlockSpec((_TCB_SB, 1), lambda p, j: (j, 0)),
            pl.BlockSpec((8, F_H), lambda p, j: (0, 0)),
        ],
        out_shape=[
            jax.ShapeDtypeStruct((NSEG, 128), jnp.float32),
            jax.ShapeDtypeStruct((NSEG, 1), jnp.float32),
            jax.ShapeDtypeStruct((8, F_H), jnp.float32),
        ],
        scratch_shapes=[pltpu.VMEM((8, F_H), jnp.float32)],
    )(sp, cp, nxf, w1t, w2t, whtt, gh, bh, ght, bht, wxtt, bxt, sa2)


_TCC_BLK = 2048
_TCC_GRID = N_TOTAL // _TCC_BLK


def _tcc_body(x_ref, g_ref, w1t_ref, scale_ref, wxt_ref, bx_ref,
              z_ref, r_ref):
    a = jnp.dot(x_ref[...], w1t_ref[...], preferred_element_type=jnp.float32)
    h = jnp.maximum(a * scale_ref[0:1, :] + g_ref[:, 0:F_H], 0.0)
    z = jnp.exp(jnp.dot(h, wxt_ref[...], preferred_element_type=jnp.float32)
                + bx_ref[...])
    z_ref[...] = z
    r = jnp.sum(z, axis=1, keepdims=True)
    r_ref[...] = jnp.broadcast_to(r, r_ref.shape)


def _tc_main(x, g, w1t, scale, wxt, bx):
    return pl.pallas_call(
        _tcc_body,
        grid=(_TCC_GRID,),
        in_specs=[
            pl.BlockSpec((_TCC_BLK, F_IN), lambda i: (i, 0)),
            pl.BlockSpec((_TCC_BLK, 128), lambda i: (i, 0)),
            pl.BlockSpec((F_IN, F_H), lambda i: (0, 0)),
            pl.BlockSpec((8, F_H), lambda i: (0, 0)),
            pl.BlockSpec((F_H, N_OUT), lambda i: (0, 0)),
            pl.BlockSpec((1, N_OUT), lambda i: (0, 0)),
        ],
        out_specs=[
            pl.BlockSpec((_TCC_BLK, N_OUT), lambda i: (i, 0)),
            pl.BlockSpec((_TCC_BLK, R_W), lambda i: (i, 0)),
        ],
        out_shape=[
            jax.ShapeDtypeStruct((N_TOTAL, N_OUT), jnp.float32),
            jax.ShapeDtypeStruct((N_TOTAL, R_W), jnp.float32),
        ],
    )(x, g, w1t, scale, wxt, bx)


def _tcd_body(dp_ref, zend_ref, dtab_ref, end_ref):
    d = dp_ref[0, :, 0:1] + dp_ref[1, :, 0:1] + zend_ref[...]
    dtab_ref[...] = jnp.broadcast_to(d, dtab_ref.shape)
    end_ref[...] = zend_ref[...] / d


def _tc_denoms(dp, zend):
    full = lambda shape: pl.BlockSpec(shape, lambda: tuple(0 for _ in shape))
    return pl.pallas_call(
        _tcd_body,
        in_specs=[full((NC, NSEG, R_W)), full((NSEG, 1))],
        out_specs=[full((NSEG, 128)), full((NSEG, 1))],
        out_shape=[
            jax.ShapeDtypeStruct((NSEG, 128), jnp.float32),
            jax.ShapeDtypeStruct((NSEG, 1), jnp.float32),
        ],
    )(dp, zend)


_TCE_BLK = 2048
_TCE_GRID = N_TOTAL // _TCE_BLK


def _tce_body(z_ref, dg_ref, conn_ref, ap_ref):
    sm = z_ref[...] * (1.0 / dg_ref[:, 0:1])
    conn_ref[...] = sm[:, 0:4]
    ap_ref[...] = sm[:, 4:N_OUT]


def _tc_norm(z, dg):
    return pl.pallas_call(
        _tce_body,
        grid=(_TCE_GRID,),
        in_specs=[
            pl.BlockSpec((_TCE_BLK, N_OUT), lambda i: (i, 0)),
            pl.BlockSpec((_TCE_BLK, 128), lambda i: (i, 0)),
        ],
        out_specs=[
            pl.BlockSpec((_TCE_BLK, 4), lambda i: (i, 0)),
            pl.BlockSpec((_TCE_BLK, F_H), lambda i: (i, 0)),
        ],
        out_shape=[
            jax.ShapeDtypeStruct((N_TOTAL, 4), jnp.float32),
            jax.ShapeDtypeStruct((N_TOTAL, F_H), jnp.float32),
        ],
    )(z, dg)


@jax.jit
def kernel(X, NX, NX_rep, W_h, gamma_h, beta_h, W_ht, gamma_ht, beta_ht,
           W_x, b_x, W_xt, b_xt):
    ids = NX_rep.astype(jnp.int32)
    zeros = jnp.zeros((CHUNK_A, F_IN), jnp.float32)
    zeros16 = jnp.zeros((CHUNK_A, 16), jnp.float32)
    ones16 = jnp.ones((CHUNK_A, 16), jnp.float32)

    ssum = jax.ops.segment_sum(X, ids, num_segments=NSEG)
    csum = jax.ops.segment_sum(jnp.ones((N_TOTAL,)), ids, num_segments=NSEG)
    s_parts = jnp.stack([ssum, jnp.zeros_like(ssum)])
    cnt_parts = jnp.broadcast_to(
        jnp.stack([csum, jnp.zeros_like(csum)])[:, :, None], (NC, NSEG, 16))
    sa2 = _tc_suma2(X, W_h[:, :F_IN].T)

    nxf = NX.astype(jnp.float32).reshape(NSEG, 1)
    btab, zend, scale = _tc_tables(
        s_parts, cnt_parts, nxf,
        W_h[:, :F_IN].T, W_h[:, F_IN:].T, W_ht.T,
        gamma_h.reshape(1, F_H), beta_h.reshape(1, F_H),
        gamma_ht.reshape(1, F_H), beta_ht.reshape(1, F_H),
        W_xt.T, b_xt.reshape(1, 1), sa2)

    g = _sc_gather128(btab, ids)
    z, r16 = _tc_main(X, g, W_h[:, :F_IN].T, scale, W_x.T,
                      b_x.reshape(1, N_OUT))

    dsum = jax.ops.segment_sum(r16[:, 0], ids, num_segments=NSEG)
    d_parts = jnp.broadcast_to(
        jnp.stack([dsum, jnp.zeros_like(dsum)])[:, :, None], (NC, NSEG, R_W))
    dtab, end_col = _tc_denoms(d_parts, zend)
    dg = _sc_gather128(dtab, ids)
    connect, ap_flat = _tc_norm(z, dg)

    append = ap_flat.reshape(N_TOTAL, 16, 4)
    end = end_col.reshape(NSEG)
    return (append, connect, end)

# --- scband reference (transcript-rebuilt; emitter-appended) ---
"""Pipeline reference for scband-policy-16621523435651 (READ-ONLY COPY).

The authoritative reference and input builder live on the scoring server;
editing this copy changes nothing except your own understanding.
"""

import jax, jax.numpy as jnp
import numpy as np

F_IN = 64
F_H = 64
N_A = 16
N_B = 4
K = 1
N_TOT = 327680
N_SEG = 16384


def _bn(y, gamma, beta):
    m = jnp.mean(y, axis=0)
    v = jnp.var(y, axis=0)
    return (y - m) / jnp.sqrt(v + 1e-5) * gamma + beta


def setup_inputs(seed: int = 0):
    key = jax.random.key(seed)
    ks = jax.random.split(key, 10)
    X = jax.random.normal(ks[0], (N_TOT, F_IN), dtype=jnp.float32)
    NX_rep = jnp.sort(jax.random.randint(ks[1], (N_TOT,), 0, N_SEG, dtype=jnp.int32))
    NX = jnp.maximum(jnp.bincount(NX_rep, length=N_SEG), 1)

    def lin_w(k, fo, fi):
        b = 1.0 / np.sqrt(fi)
        return jax.random.uniform(k, (fo, fi), minval=-b, maxval=b, dtype=jnp.float32)

    def lin_b(k, fo, fi):
        b = 1.0 / np.sqrt(fi)
        return jax.random.uniform(k, (fo,), minval=-b, maxval=b, dtype=jnp.float32)

    W_h = lin_w(ks[2], F_H * K, F_IN * 2)
    gamma_h = jnp.ones((F_H * K,), jnp.float32)
    beta_h = jnp.zeros((F_H * K,), jnp.float32)
    W_ht = lin_w(ks[3], F_H * K, F_IN)
    gamma_ht = jnp.ones((F_H * K,), jnp.float32)
    beta_ht = jnp.zeros((F_H * K,), jnp.float32)
    W_x = lin_w(ks[4], N_B + N_B * N_A, F_H)
    b_x = lin_b(ks[5], N_B + N_B * N_A, F_H)
    W_xt = lin_w(ks[6], 1, F_H)
    b_xt = lin_b(ks[7], 1, F_H)
    return {"X": X, "NX": NX, "NX_rep": NX_rep, "W_h": W_h, "gamma_h": gamma_h,
            "beta_h": beta_h, "W_ht": W_ht, "gamma_ht": gamma_ht, "beta_ht": beta_ht,
            "W_x": W_x, "b_x": b_x, "W_xt": W_xt, "b_xt": b_xt}


def reference(X, NX, NX_rep, W_h, gamma_h, beta_h, W_ht, gamma_ht, beta_ht, W_x, b_x, W_xt, b_xt):
    n_seg = NX.shape[0]
    X_end = jax.ops.segment_sum(X, NX_rep, num_segments=n_seg) / NX[:, None].astype(jnp.float32)
    Xc = jnp.concatenate([X, X_end[NX_rep]], axis=1)
    X_h = jax.nn.relu(_bn(Xc @ W_h.T, gamma_h, beta_h)).reshape(-1, F_H)
    X_h_end = jax.nn.relu(_bn(X_end @ W_ht.T, gamma_ht, beta_ht)).reshape(-1, F_H)
    X_x = jnp.exp(X_h @ W_x.T + b_x).reshape(-1, K, N_B + N_B * N_A)
    X_x_end = jnp.exp(X_h_end @ W_xt.T + b_xt).reshape(-1, K, 1)
    X_sum = jnp.sum(jax.ops.segment_sum(X_x, NX_rep, num_segments=n_seg), axis=-1, keepdims=True) + X_x_end
    X_sum_gathered = X_sum[NX_rep]
    X_softmax = X_x / X_sum_gathered
    X_softmax_end = X_x_end / X_sum
    X_softmax = jnp.squeeze(X_softmax, axis=1)
    X_softmax_end = jnp.squeeze(X_softmax_end, axis=1)
    connect = X_softmax[:, :N_B]
    append = X_softmax[:, N_B:].reshape(-1, N_A, N_B)
    end = jnp.squeeze(X_softmax_end, axis=-1)
    return (append, connect, end)

if __name__ == "__main__":
    import jax
    _d = setup_inputs()
    print(jax.jit(kernel)(*tuple(_d.values())))

</pallas_src>

<mosaic_0001>
#map = affine_map<(d0, d1) -> (0, 0)>
#map1 = affine_map<(d0, d1) -> (0)>
module attributes {stable_mosaic.version = 14 : i64} {
  func.func @gather(%arg0: i32, %arg1: i32, %arg2: memref<16384x128xf32, #tpu.memory_space<hbm>>, %arg3: memref<327680xi32, #tpu.memory_space<hbm>>, %arg4: memref<327680x128xf32, #tpu.memory_space<hbm>>, %arg5: memref<256xi32, #tpu.memory_space<vmem>>, %arg6: memref<256x128xf32, #tpu.memory_space<vmem>>, %arg7: memref<!tpu.dma_semaphore, #tpu.memory_space<semaphore_mem>>) attributes {dimension_semantics = [#tpu.dimension_semantics<core_parallel>, #tpu.dimension_semantics<subcore_parallel>], iteration_bounds = array<i64: 2, 16>, scalar_prefetch = 0 : i64, scratch_operands = 3 : i64, tpu.core_type = #tpu.core_type<sc_vector_subcore>, window_params = [{transform_indices = #map}, {transform_indices = #map1}, {transform_indices = #map}]} {
    %mul3A = arith.constant 2 : i32
    %mul3A_0 = arith.muli %arg1, %mul3A : i32
    %add3A = arith.addi %mul3A_0, %arg0 : i32
    %mul3A_1 = arith.constant 10240 : i32
    %mul3A_2 = arith.muli %add3A, %mul3A_1 : i32
    %scan3A = arith.constant 0 : i32
    %scan3A_3 = arith.constant 40 : i32
    %scan3A_4 = arith.addi %scan3A, %scan3A_3 : i32
    %scan3A_5 = arith.constant 1 : i32
    scf.for %scan3A_7 = %scan3A to %scan3A_4 step %scan3A_5  : i32 {
      %mul3A_8 = arith.constant 1 : i32
      %mul3A_9 = arith.muli %scan3A_7, %mul3A_8 : i32
      %add3A_10 = arith.constant 0 : i32
      %add3A_11 = arith.addi %add3A_10, %mul3A_9 : i32
      %mul3A_12 = arith.constant 256 : i32
      %mul3A_13 = arith.muli %add3A_11, %mul3A_12 : i32
      %add3A_14 = arith.addi %mul3A_2, %mul3A_13 : i32
      %multiple_of3A = tpu.assume_multiple %add3A_14, 8 : i32
      "tpu.region"() ({
        %run_scoped3A = tpu.sem_alloc : memref<!tpu.dma_semaphore, #tpu.memory_space<semaphore_mem>>
        %dma_start3A_19 = tpu.memref_slice %arg3[%multiple_of3A] : memref<327680xi32, #tpu.memory_space<hbm>> -> memref<256xi32, #tpu.memory_space<hbm>>
        %dma_start3A_20 = tpu.memref_slice %arg3[%multiple_of3A] : memref<327680xi32, #tpu.memory_space<hbm>> -> memref<256xi32, #tpu.memory_space<hbm>>
        tpu.enqueue_dma source(%dma_start3A_20 : memref<256xi32, #tpu.memory_space<hbm>>) target(%arg5 : memref<256xi32, #tpu.memory_space<vmem>>) target_semaphore(%run_scoped3A : memref<!tpu.dma_semaphore, #tpu.memory_space<semaphore_mem>>)
        %dma_wait3A_21 = tpu.memref_slice %arg3[%multiple_of3A] : memref<327680xi32, #tpu.memory_space<hbm>> -> memref<256xi32, #tpu.memory_space<hbm>>
        %dma_wait3A_22 = tpu.memref_slice %arg3[%multiple_of3A] : memref<327680xi32, #tpu.memory_space<hbm>> -> memref<256xi32, #tpu.memory_space<hbm>>
        tpu.wait_dma2 semaphore(%run_scoped3A : memref<!tpu.dma_semaphore, #tpu.memory_space<semaphore_mem>>) src(%dma_wait3A_22 : memref<256xi32, #tpu.memory_space<hbm>>) dst(%arg5 : memref<256xi32, #tpu.memory_space<vmem>>)
        tpu.yield
      }) : () -> ()
      %dma_start3A = arith.constant 0 : i32
      %dma_start3A_15 = arith.constant 0 : i32
      %dma_start3A_16 = tpu.memref_slice %arg2[%dma_start3A, %dma_start3A_15] : memref<16384x128xf32, #tpu.memory_space<hbm>> -> memref<16384x128xf32, #tpu.memory_space<hbm>>
      tpu.enqueue_indirect_dma source(%dma_start3A_16 : memref<16384x128xf32, #tpu.memory_space<hbm>>) target(%arg6 : memref<256x128xf32, #tpu.memory_space<vmem>>) offsets(%arg5 : memref<256xi32, #tpu.memory_space<vmem>>) semaphore(%arg7 : memref<!tpu.dma_semaphore, #tpu.memory_space<semaphore_mem>>)
      %dma_wait3A = arith.constant 0 : i32
      %dma_wait3A_17 = arith.constant 0 : i32
      %dma_wait3A_18 = tpu.memref_slice %arg2[%dma_wait3A, %dma_wait3A_17] : memref<16384x128xf32, #tpu.memory_space<hbm>> -> memref<16384x128xf32, #tpu.memory_space<hbm>>
      tpu.wait_indirect_dma semaphore(%arg7 : memref<!tpu.dma_semaphore, #tpu.memory_space<semaphore_mem>>) src(%dma_wait3A_18 : memref<16384x128xf32, #tpu.memory_space<hbm>>) dst(%arg6 : memref<256x128xf32, #tpu.memory_space<vmem>>)
      "tpu.region"() ({
        %run_scoped3A = tpu.sem_alloc : memref<!tpu.dma_semaphore, #tpu.memory_space<semaphore_mem>>
        %dma_start3A_19 = arith.constant 0 : i32
        %dma_start3A_20 = tpu.memref_slice %arg4[%multiple_of3A, %dma_start3A_19] : memref<327680x128xf32, #tpu.memory_space<hbm>> -> memref<256x128xf32, #tpu.memory_space<hbm>>
        %dma_start3A_21 = arith.constant 0 : i32
        %dma_start3A_22 = tpu.memref_slice %arg4[%multiple_of3A, %dma_start3A_21] : memref<327680x128xf32, #tpu.memory_space<hbm>> -> memref<256x128xf32, #tpu.memory_space<hbm>>
        tpu.enqueue_dma source(%arg6 : memref<256x128xf32, #tpu.memory_space<vmem>>) target(%dma_start3A_22 : memref<256x128xf32, #tpu.memory_space<hbm>>) target_semaphore(%run_scoped3A : memref<!tpu.dma_semaphore, #tpu.memory_space<semaphore_mem>>)
        %dma_wait3A_23 = arith.constant 0 : i32
        %dma_wait3A_24 = tpu.memref_slice %arg4[%multiple_of3A, %dma_wait3A_23] : memref<327680x128xf32, #tpu.memory_space<hbm>> -> memref<256x128xf32, #tpu.memory_space<hbm>>
        %dma_wait3A_25 = arith.constant 0 : i32
        %dma_wait3A_26 = tpu.memref_slice %arg4[%multiple_of3A, %dma_wait3A_25] : memref<327680x128xf32, #tpu.memory_space<hbm>> -> memref<256x128xf32, #tpu.memory_space<hbm>>
        tpu.wait_dma2 semaphore(%run_scoped3A : memref<!tpu.dma_semaphore, #tpu.memory_space<semaphore_mem>>) src(%arg6 : memref<256x128xf32, #tpu.memory_space<vmem>>) dst(%dma_wait3A_26 : memref<256x128xf32, #tpu.memory_space<hbm>>)
        tpu.yield
      }) : () -> ()
    }
    %scan3A_6 = arith.constant 40 : i32
    return
  }
}

#map = affine_map<(d0, d1) -> (0, 0)>
#map1 = affine_map<(d0, d1) -> (0)>
module attributes {stable_mosaic.version = 14 : i64} {
  func.func @gather(%arg0: i32, %arg1: i32, %arg2: memref<16384x128xf32, #tpu.memory_space<hbm>>, %arg3: memref<327680xi32, #tpu.memory_space<hbm>>, %arg4: memref<327680x128xf32, #tpu.memory_space<hbm>>, %arg5: memref<256xi32, #tpu.memory_space<vmem>>, %arg6: memref<256x128xf32, #tpu.memory_space<vmem>>, %arg7: memref<!tpu.dma_semaphore, #tpu.memory_space<semaphore_mem>>) attributes {dimension_semantics = [#tpu.dimension_semantics<core_parallel>, #tpu.dimension_semantics<subcore_parallel>], iteration_bounds = array<i64: 2, 16>, scalar_prefetch = 0 : i64, scratch_operands = 3 : i64, tpu.core_type = #tpu.core_type<sc_vector_subcore>, window_params = [{transform_indices = #map}, {transform_indices = #map1}, {transform_indices = #map}]} {
    %mul3A = arith.constant 2 : i32
    %mul3A_0 = arith.muli %arg1, %mul3A : i32
    %add3A = arith.addi %mul3A_0, %arg0 : i32
    %mul3A_1 = arith.constant 10240 : i32
    %mul3A_2 = arith.muli %add3A, %mul3A_1 : i32
    %scan3A = arith.constant 0 : i32
    %scan3A_3 = arith.constant 40 : i32
    %scan3A_4 = arith.addi %scan3A, %scan3A_3 : i32
    %scan3A_5 = arith.constant 1 : i32
    scf.for %scan3A_7 = %scan3A to %scan3A_4 step %scan3A_5  : i32 {
      %mul3A_8 = arith.constant 1 : i32
      %mul3A_9 = arith.muli %scan3A_7, %mul3A_8 : i32
      %add3A_10 = arith.constant 0 : i32
      %add3A_11 = arith.addi %add3A_10, %mul3A_9 : i32
      %mul3A_12 = arith.constant 256 : i32
      %mul3A_13 = arith.muli %add3A_11, %mul3A_12 : i32
      %add3A_14 = arith.addi %mul3A_2, %mul3A_13 : i32
      %multiple_of3A = tpu.assume_multiple %add3A_14, 8 : i32
      "tpu.region"() ({
        %run_scoped3A = tpu.sem_alloc : memref<!tpu.dma_semaphore, #tpu.memory_space<semaphore_mem>>
        %dma_start3A_19 = tpu.memref_slice %arg3[%multiple_of3A] : memref<327680xi32, #tpu.memory_space<hbm>> -> memref<256xi32, #tpu.memory_space<hbm>>
        %dma_start3A_20 = tpu.memref_slice %arg3[%multiple_of3A] : memref<327680xi32, #tpu.memory_space<hbm>> -> memref<256xi32, #tpu.memory_space<hbm>>
        tpu.enqueue_dma source(%dma_start3A_20 : memref<256xi32, #tpu.memory_space<hbm>>) target(%arg5 : memref<256xi32, #tpu.memory_space<vmem>>) target_semaphore(%run_scoped3A : memref<!tpu.dma_semaphore, #tpu.memory_space<semaphore_mem>>)
        %dma_wait3A_21 = tpu.memref_slice %arg3[%multiple_of3A] : memref<327680xi32, #tpu.memory_space<hbm>> -> memref<256xi32, #tpu.memory_space<hbm>>
        %dma_wait3A_22 = tpu.memref_slice %arg3[%multiple_of3A] : memref<327680xi32, #tpu.memory_space<hbm>> -> memref<256xi32, #tpu.memory_space<hbm>>
        tpu.wait_dma2 semaphore(%run_scoped3A : memref<!tpu.dma_semaphore, #tpu.memory_space<semaphore_mem>>) src(%dma_wait3A_22 : memref<256xi32, #tpu.memory_space<hbm>>) dst(%arg5 : memref<256xi32, #tpu.memory_space<vmem>>)
        tpu.yield
      }) : () -> ()
      %dma_start3A = arith.constant 0 : i32
      %dma_start3A_15 = arith.constant 0 : i32
      %dma_start3A_16 = tpu.memref_slice %arg2[%dma_start3A, %dma_start3A_15] : memref<16384x128xf32, #tpu.memory_space<hbm>> -> memref<16384x128xf32, #tpu.memory_space<hbm>>
      tpu.enqueue_indirect_dma source(%dma_start3A_16 : memref<16384x128xf32, #tpu.memory_space<hbm>>) target(%arg6 : memref<256x128xf32, #tpu.memory_space<vmem>>) offsets(%arg5 : memref<256xi32, #tpu.memory_space<vmem>>) semaphore(%arg7 : memref<!tpu.dma_semaphore, #tpu.memory_space<semaphore_mem>>)
      %dma_wait3A = arith.constant 0 : i32
      %dma_wait3A_17 = arith.constant 0 : i32
      %dma_wait3A_18 = tpu.memref_slice %arg2[%dma_wait3A, %dma_wait3A_17] : memref<16384x128xf32, #tpu.memory_space<hbm>> -> memref<16384x128xf32, #tpu.memory_space<hbm>>
      tpu.wait_indirect_dma semaphore(%arg7 : memref<!tpu.dma_semaphore, #tpu.memory_space<semaphore_mem>>) src(%dma_wait3A_18 : memref<16384x128xf32, #tpu.memory_space<hbm>>) dst(%arg6 : memref<256x128xf32, #tpu.memory_space<vmem>>)
      "tpu.region"() ({
        %run_scoped3A = tpu.sem_alloc : memref<!tpu.dma_semaphore, #tpu.memory_space<semaphore_mem>>
        %dma_start3A_19 = arith.constant 0 : i32
        %dma_start3A_20 = tpu.memref_slice %arg4[%multiple_of3A, %dma_start3A_19] : memref<327680x128xf32, #tpu.memory_space<hbm>> -> memref<256x128xf32, #tpu.memory_space<hbm>>
        %dma_start3A_21 = arith.constant 0 : i32
        %dma_start3A_22 = tpu.memref_slice %arg4[%multiple_of3A, %dma_start3A_21] : memref<327680x128xf32, #tpu.memory_space<hbm>> -> memref<256x128xf32, #tpu.memory_space<hbm>>
        tpu.enqueue_dma source(%arg6 : memref<256x128xf32, #tpu.memory_space<vmem>>) target(%dma_start3A_22 : memref<256x128xf32, #tpu.memory_space<hbm>>) target_semaphore(%run_scoped3A : memref<!tpu.dma_semaphore, #tpu.memory_space<semaphore_mem>>)
        %dma_wait3A_23 = arith.constant 0 : i32
        %dma_wait3A_24 = tpu.memref_slice %arg4[%multiple_of3A, %dma_wait3A_23] : memref<327680x128xf32, #tpu.memory_space<hbm>> -> memref<256x128xf32, #tpu.memory_space<hbm>>
        %dma_wait3A_25 = arith.constant 0 : i32
        %dma_wait3A_26 = tpu.memref_slice %arg4[%multiple_of3A, %dma_wait3A_25] : memref<327680x128xf32, #tpu.memory_space<hbm>> -> memref<256x128xf32, #tpu.memory_space<hbm>>
        tpu.wait_dma2 semaphore(%run_scoped3A : memref<!tpu.dma_semaphore, #tpu.memory_space<semaphore_mem>>) src(%arg6 : memref<256x128xf32, #tpu.memory_space<vmem>>) dst(%dma_wait3A_26 : memref<256x128xf32, #tpu.memory_space<hbm>>)
        tpu.yield
      }) : () -> ()
    }
    %scan3A_6 = arith.constant 40 : i32
    return
  }
}

module attributes {stable_mosaic.version = 14 : i64} {
  func.func @_tca_body(%arg0: i32, %arg1: memref<2048x64xf32, #tpu.memory_space<vmem>>, %arg2: memref<64x64xf32, #tpu.memory_space<vmem>>, %arg3: memref<8x64xf32, #tpu.memory_space<vmem>>) attributes {dimension_semantics = [#tpu.dimension_semantics<arbitrary>], iteration_bounds = array<i64: 160>, scalar_prefetch = 0 : i64, scratch_operands = 0 : i64, tpu.core_type = #tpu.core_type<tc>, window_params = [{transform_indices = @transform_0, window_bounds = array<i64: 2048, 64>}, {pipeline_mode = #tpu.pipeline_mode<synchronous>, transform_indices = @transform_1, window_bounds = array<i64: 64, 64>}, {pipeline_mode = #tpu.pipeline_mode<synchronous>, transform_indices = @transform_2, window_bounds = array<i64: 8, 64>}]} {
    %eq3A = arith.constant 0 : i32
    %eq3A_0 = arith.cmpi eq, %arg0, %eq3A : i32
    %convert_element_type3A = arith.extui %eq3A_0 : i1 to i32
    %cond3A = arith.constant 0 : i32
    %cond3A_1 = arith.cmpi ne, %convert_element_type3A, %cond3A : i32
    scf.if %cond3A_1 {
      %broadcast_in_dim3A_14 = arith.constant 0.000000e+00 : f32
      %broadcast_in_dim3A_15 = vector.broadcast %broadcast_in_dim3A_14 : f32 to vector<8x64xf32>
      %swap3A_16 = arith.constant 0 : index
      %swap3A_17 = arith.constant 0 : index
      %swap3A_18 = vector.load %arg3[%swap3A_16, %swap3A_17] : memref<8x64xf32, #tpu.memory_space<vmem>>, vector<8x64xf32>
      tpu.vector_store %arg3[%swap3A_16, %swap3A_17], %broadcast_in_dim3A_15 {strides = array<i32>} : memref<8x64xf32, #tpu.memory_space<vmem>>, vector<8x64xf32>,
    } else {
    }
    %get3A = arith.constant 0 : index
    %get3A_2 = arith.constant 0 : index
    %get3A_3 = vector.load %arg1[%get3A, %get3A_2] : memref<2048x64xf32, #tpu.memory_space<vmem>>, vector<2048x64xf32>
    %get3A_4 = arith.constant 0 : index
    %get3A_5 = arith.constant 0 : index
    %get3A_6 = vector.load %arg2[%get3A_4, %get3A_5] : memref<64x64xf32, #tpu.memory_space<vmem>>, vector<64x64xf32>
    %dot_general3A = arith.constant dense<0.000000e+00> : vector<2048x64xf32>
    %dot_general3A_7 = tpu.matmul %get3A_3, %get3A_6, %dot_general3A {dimension_numbers = #tpu.dot_dimension_numbers<[1], [0], [0], [1], [0, 0, 1, 1], [], []>, transpose_lhs_hint = false} : vector<2048x64xf32>, vector<64x64xf32>, vector<2048x64xf32> -> vector<2048x64xf32>
    %get3A_8 = arith.constant 0 : index
    %get3A_9 = arith.constant 0 : index
    %get3A_10 = vector.load %arg3[%get3A_8, %get3A_9] : memref<8x64xf32, #tpu.memory_space<vmem>>, vector<1x64xf32>
    %mul3A = arith.mulf %dot_general3A_7, %dot_general3A_7 : vector<2048x64xf32>
    %reduce_sum3A = arith.constant dense<0.000000e+00> : vector<64xf32>
    %reduce_sum3A_11 = vector.multi_reduction <add>, %mul3A, %reduce_sum3A [0] : vector<2048x64xf32> to vector<64xf32>
    %broadcast_in_dim3A = vector.shape_cast %reduce_sum3A_11 : vector<64xf32> to vector<1x64xf32>
    %add3A = arith.addf %get3A_10, %broadcast_in_dim3A : vector<1x64xf32>
    %swap3A = arith.constant 0 : index
    %swap3A_12 = arith.constant 0 : index
    %swap3A_13 = vector.load %arg3[%swap3A, %swap3A_12] : memref<8x64xf32, #tpu.memory_space<vmem>>, vector<1x64xf32>
    tpu.vector_store %arg3[%swap3A, %swap3A_12], %add3A {strides = array<i32>} : memref<8x64xf32, #tpu.memory_space<vmem>>, vector<1x64xf32>,
    return
  }
  func.func @transform_0(%arg0: i32) -> (i32, i32) {
    %c0_i32 = arith.constant 0 : i32
    %c0_i32_0 = arith.constant 0 : i32
    return %arg0, %c0_i32 : i32, i32
  }
  func.func @transform_1(%arg0: i32) -> (i32, i32) {
    %c0_i32 = arith.constant 0 : i32
    %c0_i32_0 = arith.constant 0 : i32
    %c0_i32_1 = arith.constant 0 : i32
    return %c0_i32, %c0_i32_0 : i32, i32
  }
  func.func @transform_2(%arg0: i32) -> (i32, i32) {
    %c0_i32 = arith.constant 0 : i32
    %c0_i32_0 = arith.constant 0 : i32
    %c0_i32_1 = arith.constant 0 : i32
    return %c0_i32, %c0_i32_0 : i32, i32
  }
}

module attributes {stable_mosaic.version = 14 : i64} {
  func.func @_tcb_body(%arg0: i32, %arg1: i32, %arg2: memref<2x1024x64xf32, #tpu.memory_space<vmem>>, %arg3: memref<2x1024x16xf32, #tpu.memory_space<vmem>>, %arg4: memref<1024x1xf32, #tpu.memory_space<vmem>>, %arg5: memref<64x64xf32, #tpu.memory_space<vmem>>, %arg6: memref<64x64xf32, #tpu.memory_space<vmem>>, %arg7: memref<64x64xf32, #tpu.memory_space<vmem>>, %arg8: memref<1x64xf32, #tpu.memory_space<vmem>>, %arg9: memref<1x64xf32, #tpu.memory_space<vmem>>, %arg10: memref<1x64xf32, #tpu.memory_space<vmem>>, %arg11: memref<1x64xf32, #tpu.memory_space<vmem>>, %arg12: memref<64x1xf32, #tpu.memory_space<vmem>>, %arg13: memref<1x1xf32, #tpu.memory_space<vmem>>, %arg14: memref<8x64xf32, #tpu.memory_space<vmem>>, %arg15: memref<1024x128xf32, #tpu.memory_space<vmem>>, %arg16: memref<1024x1xf32, #tpu.memory_space<vmem>>, %arg17: memref<8x64xf32, #tpu.memory_space<vmem>>, %arg18: memref<8x64xf32, #tpu.memory_space<vmem>>) attributes {dimension_semantics = [#tpu.dimension_semantics<arbitrary>, #tpu.dimension_semantics<arbitrary>], iteration_bounds = array<i64: 2, 16>, scalar_prefetch = 0 : i64, scratch_operands = 1 : i64, tpu.core_type = #tpu.core_type<tc>, window_params = [{transform_indices = @transform_0, window_bounds = array<i64: 2, 1024, 64>}, {transform_indices = @transform_1, window_bounds = array<i64: 2, 1024, 16>}, {transform_indices = @transform_2, window_bounds = array<i64: 1024, 1>}, {pipeline_mode = #tpu.pipeline_mode<synchronous>, transform_indices = @transform_3, window_bounds = array<i64: 64, 64>}, {pipeline_mode = #tpu.pipeline_mode<synchronous>, transform_indices = @transform_4, window_bounds = array<i64: 64, 64>}, {pipeline_mode = #tpu.pipeline_mode<synchronous>, transform_indices = @transform_5, window_bounds = array<i64: 64, 64>}, {pipeline_mode = #tpu.pipeline_mode<synchronous>, transform_indices = @transform_6, window_bounds = array<i64: 1, 64>}, {pipeline_mode = #tpu.pipeline_mode<synchronous>, transform_indices = @transform_7, window_bounds = array<i64: 1, 64>}, {pipeline_mode = #tpu.pipeline_mode<synchronous>, transform_indices = @transform_8, window_bounds = array<i64: 1, 64>}, {pipeline_mode = #tpu.pipeline_mode<synchronous>, transform_indices = @transform_9, window_bounds = array<i64: 1, 64>}, {pipeline_mode = #tpu.pipeline_mode<synchronous>, transform_indices = @transform_10, window_bounds = array<i64: 64, 1>}, {pipeline_mode = #tpu.pipeline_mode<synchronous>, transform_indices = @transform_11, window_bounds = array<i64: 1, 1>}, {pipeline_mode = #tpu.pipeline_mode<synchronous>, transform_indices = @transform_12, window_bounds = array<i64: 8, 64>}, {transform_indices = @transform_13, window_bounds = array<i64: 1024, 128>}, {transform_indices = @transform_14, window_bounds = array<i64: 1024, 1>}, {pipeline_mode = #tpu.pipeline_mode<synchronous>, transform_indices = @transform_15, window_bounds = array<i64: 8, 64>}]} {
    %eq3A = arith.constant 0 : i32
    %eq3A_0 = arith.cmpi eq, %arg0, %eq3A : i32
    %eq3A_1 = arith.constant 0 : i32
    %eq3A_2 = arith.cmpi eq, %arg1, %eq3A_1 : i32
    %and3A = arith.andi %eq3A_0, %eq3A_2 : i1
    %convert_element_type3A = arith.extui %and3A : i1 to i32
    %cond3A = arith.constant 0 : i32
    %cond3A_3 = arith.cmpi ne, %convert_element_type3A, %cond3A : i32
    scf.if %cond3A_3 {
      %broadcast_in_dim3A = arith.constant 0.000000e+00 : f32
      %broadcast_in_dim3A_46 = vector.broadcast %broadcast_in_dim3A : f32 to vector<8x64xf32>
      %swap3A = arith.constant 0 : index
      %swap3A_47 = arith.constant 0 : index
      %swap3A_48 = vector.load %arg18[%swap3A, %swap3A_47] : memref<8x64xf32, #tpu.memory_space<vmem>>, vector<8x64xf32>
      tpu.vector_store %arg18[%swap3A, %swap3A_47], %broadcast_in_dim3A_46 {strides = array<i32>} : memref<8x64xf32, #tpu.memory_space<vmem>>, vector<8x64xf32>,
    } else {
    }
    %get3A = arith.constant 0 : index
    %get3A_4 = arith.constant 0 : index
    %get3A_5 = arith.constant 0 : index
    %get3A_6 = vector.load %arg2[%get3A, %get3A_4, %get3A_5] : memref<2x1024x64xf32, #tpu.memory_space<vmem>>, vector<1x1024x64xf32>
    %get3A_7 = vector.shape_cast %get3A_6 : vector<1x1024x64xf32> to vector<1024x64xf32>
    %get3A_8 = arith.constant 1 : index
    %get3A_9 = arith.constant 0 : index
    %get3A_10 = arith.constant 0 : index
    %get3A_11 = vector.load %arg2[%get3A_8, %get3A_9, %get3A_10] : memref<2x1024x64xf32, #tpu.memory_space<vmem>>, vector<1x1024x64xf32>
    %get3A_12 = vector.shape_cast %get3A_11 : vector<1x1024x64xf32> to vector<1024x64xf32>
    %add3A = arith.addf %get3A_7, %get3A_12 : vector<1024x64xf32>
    %get3A_13 = arith.constant 0 : index
    %get3A_14 = arith.constant 0 : index
    %get3A_15 = vector.load %arg4[%get3A_13, %get3A_14] : memref<1024x1xf32, #tpu.memory_space<vmem>>, vector<1024x1xf32>
    %div3A = arith.constant 1.000000e+00 : f32
    %div3A_16 = vector.broadcast %div3A : f32 to vector<1024x1xf32>
    %div3A_17 = arith.divf %div3A_16, %get3A_15 : vector<1024x1xf32>
    %mul3A = vector.broadcast %div3A_17 : vector<1024x1xf32> to vector<1024x64xf32>
    %mul3A_18 = arith.mulf %add3A, %mul3A : vector<1024x64xf32>
    %get3A_19 = arith.constant 0 : index
    %get3A_20 = arith.constant 0 : index
    %get3A_21 = vector.load %arg6[%get3A_19, %get3A_20] : memref<64x64xf32, #tpu.memory_space<vmem>>, vector<64x64xf32>
    %dot_general3A = arith.constant dense<0.000000e+00> : vector<1024x64xf32>
    %dot_general3A_22 = tpu.matmul %mul3A_18, %get3A_21, %dot_general3A {dimension_numbers = #tpu.dot_dimension_numbers<[1], [0], [0], [1], [0, 0, 1, 1], [], []>, transpose_lhs_hint = false} : vector<1024x64xf32>, vector<64x64xf32>, vector<1024x64xf32> -> vector<1024x64xf32>
    %get3A_23 = arith.constant 0 : index
    %get3A_24 = arith.constant 0 : index
    %get3A_25 = vector.load %arg7[%get3A_23, %get3A_24] : memref<64x64xf32, #tpu.memory_space<vmem>>, vector<64x64xf32>
    %dot_general3A_26 = arith.constant dense<0.000000e+00> : vector<1024x64xf32>
    %dot_general3A_27 = tpu.matmul %mul3A_18, %get3A_25, %dot_general3A_26 {dimension_numbers = #tpu.dot_dimension_numbers<[1], [0], [0], [1], [0, 0, 1, 1], [], []>, transpose_lhs_hint = false} : vector<1024x64xf32>, vector<64x64xf32>, vector<1024x64xf32> -> vector<1024x64xf32>
    %eq3A_28 = arith.constant 0 : i32
    %eq3A_29 = arith.cmpi eq, %arg0, %eq3A_28 : i32
    %convert_element_type3A_30 = arith.extui %eq3A_29 : i1 to i32
    %cond3A_31 = arith.constant 0 : i32
    %cond3A_32 = arith.cmpi ne, %convert_element_type3A_30, %cond3A_31 : i32
    scf.if %cond3A_32 {
      %get3A_46 = arith.constant 0 : index
      %get3A_47 = arith.constant 0 : index
      %get3A_48 = arith.constant 0 : index
      %get3A_49 = vector.load %arg3[%get3A_46, %get3A_47, %get3A_48] : memref<2x1024x16xf32, #tpu.memory_space<vmem>>, vector<1x1024x1xf32>
      %get3A_50 = vector.shape_cast %get3A_49 : vector<1x1024x1xf32> to vector<1024x1xf32>
      %get3A_51 = arith.constant 1 : index
      %get3A_52 = arith.constant 0 : index
      %get3A_53 = arith.constant 0 : index
      %get3A_54 = vector.load %arg3[%get3A_51, %get3A_52, %get3A_53] : memref<2x1024x16xf32, #tpu.memory_space<vmem>>, vector<1x1024x1xf32>
      %get3A_55 = vector.shape_cast %get3A_54 : vector<1x1024x1xf32> to vector<1024x1xf32>
      %add3A_56 = arith.addf %get3A_50, %get3A_55 : vector<1024x1xf32>
      %get3A_57 = arith.constant 0 : index
      %get3A_58 = arith.constant 0 : index
      %get3A_59 = vector.load %arg5[%get3A_57, %get3A_58] : memref<64x64xf32, #tpu.memory_space<vmem>>, vector<64x64xf32>
      %dot_general3A_60 = arith.constant dense<0.000000e+00> : vector<1024x64xf32>
      %dot_general3A_61 = tpu.matmul %add3A, %get3A_59, %dot_general3A_60 {dimension_numbers = #tpu.dot_dimension_numbers<[1], [0], [0], [1], [0, 0, 1, 1], [], []>, transpose_lhs_hint = false} : vector<1024x64xf32>, vector<64x64xf32>, vector<1024x64xf32> -> vector<1024x64xf32>
      %get3A_62 = arith.constant 0 : index
      %get3A_63 = arith.constant 0 : index
      %get3A_64 = vector.load %arg18[%get3A_62, %get3A_63] : memref<8x64xf32, #tpu.memory_space<vmem>>, vector<1x64xf32>
      %reduce_sum3A = arith.constant dense<0.000000e+00> : vector<64xf32>
      %reduce_sum3A_65 = vector.multi_reduction <add>, %add3A, %reduce_sum3A [0] : vector<1024x64xf32> to vector<64xf32>
      %broadcast_in_dim3A = vector.shape_cast %reduce_sum3A_65 : vector<64xf32> to vector<1x64xf32>
      %add3A_66 = arith.addf %get3A_64, %broadcast_in_dim3A : vector<1x64xf32>
      %swap3A = arith.constant 0 : index
      %swap3A_67 = arith.constant 0 : index
      %swap3A_68 = vector.load %arg18[%swap3A, %swap3A_67] : memref<8x64xf32, #tpu.memory_space<vmem>>, vector<1x64xf32>
      tpu.vector_store %arg18[%swap3A, %swap3A_67], %add3A_66 {strides = array<i32>} : memref<8x64xf32, #tpu.memory_space<vmem>>, vector<1x64xf32>,
      %get3A_69 = arith.constant 1 : index
      %get3A_70 = arith.constant 0 : index
      %get3A_71 = vector.load %arg18[%get3A_69, %get3A_70] : memref<8x64xf32, #tpu.memory_space<vmem>>, vector<1x64xf32>
      %mul3A_72 = vector.broadcast %add3A_56 : vector<1024x1xf32> to vector<1024x64xf32>
      %mul3A_73 = arith.mulf %mul3A_72, %dot_general3A_22 : vector<1024x64xf32>
      %reduce_sum3A_74 = arith.constant dense<0.000000e+00> : vector<64xf32>
      %reduce_sum3A_75 = vector.multi_reduction <add>, %mul3A_73, %reduce_sum3A_74 [0] : vector<1024x64xf32> to vector<64xf32>
      %broadcast_in_dim3A_76 = vector.shape_cast %reduce_sum3A_75 : vector<64xf32> to vector<1x64xf32>
      %add3A_77 = arith.addf %get3A_71, %broadcast_in_dim3A_76 : vector<1x64xf32>
      %swap3A_78 = arith.constant 1 : index
      %swap3A_79 = arith.constant 0 : index
      %swap3A_80 = vector.load %arg18[%swap3A_78, %swap3A_79] : memref<8x64xf32, #tpu.memory_space<vmem>>, vector<1x64xf32>
      tpu.vector_store %arg18[%swap3A_78, %swap3A_79], %add3A_77 {strides = array<i32>} : memref<8x64xf32, #tpu.memory_space<vmem>>, vector<1x64xf32>,
      %get3A_81 = arith.constant 2 : index
      %get3A_82 = arith.constant 0 : index
      %get3A_83 = vector.load %arg18[%get3A_81, %get3A_82] : memref<8x64xf32, #tpu.memory_space<vmem>>, vector<1x64xf32>
      %mul3A_84 = arith.mulf %dot_general3A_61, %dot_general3A_22 : vector<1024x64xf32>
      %reduce_sum3A_85 = arith.constant dense<0.000000e+00> : vector<64xf32>
      %reduce_sum3A_86 = vector.multi_reduction <add>, %mul3A_84, %reduce_sum3A_85 [0] : vector<1024x64xf32> to vector<64xf32>
      %broadcast_in_dim3A_87 = vector.shape_cast %reduce_sum3A_86 : vector<64xf32> to vector<1x64xf32>
      %add3A_88 = arith.addf %get3A_83, %broadcast_in_dim3A_87 : vector<1x64xf32>
      %swap3A_89 = arith.constant 2 : index
      %swap3A_90 = arith.constant 0 : index
      %swap3A_91 = vector.load %arg18[%swap3A_89, %swap3A_90] : memref<8x64xf32, #tpu.memory_space<vmem>>, vector<1x64xf32>
      tpu.vector_store %arg18[%swap3A_89, %swap3A_90], %add3A_88 {strides = array<i32>} : memref<8x64xf32, #tpu.memory_space<vmem>>, vector<1x64xf32>,
      %get3A_92 = arith.constant 3 : index
      %get3A_93 = arith.constant 0 : index
      %get3A_94 = vector.load %arg18[%get3A_92, %get3A_93] : memref<8x64xf32, #tpu.memory_space<vmem>>, vector<1x64xf32>
      %mul3A_95 = vector.broadcast %add3A_56 : vector<1024x1xf32> to vector<1024x64xf32>
      %mul3A_96 = arith.mulf %mul3A_95, %dot_general3A_22 : vector<1024x64xf32>
      %mul3A_97 = arith.mulf %mul3A_96, %dot_general3A_22 : vector<1024x64xf32>
      %reduce_sum3A_98 = arith.constant dense<0.000000e+00> : vector<64xf32>
      %reduce_sum3A_99 = vector.multi_reduction <add>, %mul3A_97, %reduce_sum3A_98 [0] : vector<1024x64xf32> to vector<64xf32>
      %broadcast_in_dim3A_100 = vector.shape_cast %reduce_sum3A_99 : vector<64xf32> to vector<1x64xf32>
      %add3A_101 = arith.addf %get3A_94, %broadcast_in_dim3A_100 : vector<1x64xf32>
      %swap3A_102 = arith.constant 3 : index
      %swap3A_103 = arith.constant 0 : index
      %swap3A_104 = vector.load %arg18[%swap3A_102, %swap3A_103] : memref<8x64xf32, #tpu.memory_space<vmem>>, vector<1x64xf32>
      tpu.vector_store %arg18[%swap3A_102, %swap3A_103], %add3A_101 {strides = array<i32>} : memref<8x64xf32, #tpu.memory_space<vmem>>, vector<1x64xf32>,
      %get3A_105 = arith.constant 4 : index
      %get3A_106 = arith.constant 0 : index
      %get3A_107 = vector.load %arg18[%get3A_105, %get3A_106] : memref<8x64xf32, #tpu.memory_space<vmem>>, vector<1x64xf32>
      %reduce_sum3A_108 = arith.constant dense<0.000000e+00> : vector<64xf32>
      %reduce_sum3A_109 = vector.multi_reduction <add>, %dot_general3A_27, %reduce_sum3A_108 [0] : vector<1024x64xf32> to vector<64xf32>
      %broadcast_in_dim3A_110 = vector.shape_cast %reduce_sum3A_109 : vector<64xf32> to vector<1x64xf32>
      %add3A_111 = arith.addf %get3A_107, %broadcast_in_dim3A_110 : vector<1x64xf32>
      %swap3A_112 = arith.constant 4 : index
      %swap3A_113 = arith.constant 0 : index
      %swap3A_114 = vector.load %arg18[%swap3A_112, %swap3A_113] : memref<8x64xf32, #tpu.memory_space<vmem>>, vector<1x64xf32>
      tpu.vector_store %arg18[%swap3A_112, %swap3A_113], %add3A_111 {strides = array<i32>} : memref<8x64xf32, #tpu.memory_space<vmem>>, vector<1x64xf32>,
      %get3A_115 = arith.constant 5 : index
      %get3A_116 = arith.constant 0 : index
      %get3A_117 = vector.load %arg18[%get3A_115, %get3A_116] : memref<8x64xf32, #tpu.memory_space<vmem>>, vector<1x64xf32>
      %mul3A_118 = arith.mulf %dot_general3A_27, %dot_general3A_27 : vector<1024x64xf32>
      %reduce_sum3A_119 = arith.constant dense<0.000000e+00> : vector<64xf32>
      %reduce_sum3A_120 = vector.multi_reduction <add>, %mul3A_118, %reduce_sum3A_119 [0] : vector<1024x64xf32> to vector<64xf32>
      %broadcast_in_dim3A_121 = vector.shape_cast %reduce_sum3A_120 : vector<64xf32> to vector<1x64xf32>
      %add3A_122 = arith.addf %get3A_117, %broadcast_in_dim3A_121 : vector<1x64xf32>
      %swap3A_123 = arith.constant 5 : index
      %swap3A_124 = arith.constant 0 : index
      %swap3A_125 = vector.load %arg18[%swap3A_123, %swap3A_124] : memref<8x64xf32, #tpu.memory_space<vmem>>, vector<1x64xf32>
      tpu.vector_store %arg18[%swap3A_123, %swap3A_124], %add3A_122 {strides = array<i32>} : memref<8x64xf32, #tpu.memory_space<vmem>>, vector<1x64xf32>,
    } else {
    }
    %eq3A_33 = arith.constant 1 : i32
    %eq3A_34 = arith.cmpi eq, %arg0, %eq3A_33 : i32
    %eq3A_35 = arith.constant 0 : i32
    %eq3A_36 = arith.cmpi eq, %arg1, %eq3A_35 : i32
    %and3A_37 = arith.andi %eq3A_34, %eq3A_36 : i1
    %convert_element_type3A_38 = arith.extui %and3A_37 : i1 to i32
    %cond3A_39 = arith.constant 0 : i32
    %cond3A_40 = arith.cmpi ne, %convert_element_type3A_38, %cond3A_39 : i32
    scf.if %cond3A_40 {
      %get3A_46 = arith.constant 0 : index
      %get3A_47 = arith.constant 0 : index
      %get3A_48 = vector.load %arg18[%get3A_46, %get3A_47] : memref<8x64xf32, #tpu.memory_space<vmem>>, vector<1x64xf32>
      %get3A_49 = arith.constant 0 : index
      %get3A_50 = arith.constant 0 : index
      %get3A_51 = vector.load %arg5[%get3A_49, %get3A_50] : memref<64x64xf32, #tpu.memory_space<vmem>>, vector<64x64xf32>
      %dot_general3A_52 = arith.constant dense<0.000000e+00> : vector<1x64xf32>
      %dot_general3A_53 = tpu.matmul %get3A_48, %get3A_51, %dot_general3A_52 {dimension_numbers = #tpu.dot_dimension_numbers<[1], [0], [0], [1], [0, 0, 1, 1], [], []>, transpose_lhs_hint = false} : vector<1x64xf32>, vector<64x64xf32>, vector<1x64xf32> -> vector<1x64xf32>
      %get3A_54 = arith.constant 1 : index
      %get3A_55 = arith.constant 0 : index
      %get3A_56 = vector.load %arg18[%get3A_54, %get3A_55] : memref<8x64xf32, #tpu.memory_space<vmem>>, vector<1x64xf32>
      %add3A_57 = arith.addf %dot_general3A_53, %get3A_56 : vector<1x64xf32>
      %div3A_58 = arith.constant 3.276800e+05 : f32
      %div3A_59 = vector.broadcast %div3A_58 : f32 to vector<1x64xf32>
      %div3A_60 = arith.divf %add3A_57, %div3A_59 : vector<1x64xf32>
      %get3A_61 = arith.constant 0 : index
      %get3A_62 = arith.constant 0 : index
      %get3A_63 = vector.load %arg14[%get3A_61, %get3A_62] : memref<8x64xf32, #tpu.memory_space<vmem>>, vector<1x64xf32>
      %get3A_64 = arith.constant 2 : index
      %get3A_65 = arith.constant 0 : index
      %get3A_66 = vector.load %arg18[%get3A_64, %get3A_65] : memref<8x64xf32, #tpu.memory_space<vmem>>, vector<1x64xf32>
      %mul3A_67 = arith.constant 2.000000e+00 : f32
      %mul3A_68 = vector.broadcast %mul3A_67 : f32 to vector<1x64xf32>
      %mul3A_69 = arith.mulf %mul3A_68, %get3A_66 : vector<1x64xf32>
      %add3A_70 = arith.addf %get3A_63, %mul3A_69 : vector<1x64xf32>
      %get3A_71 = arith.constant 3 : index
      %get3A_72 = arith.constant 0 : index
      %get3A_73 = vector.load %arg18[%get3A_71, %get3A_72] : memref<8x64xf32, #tpu.memory_space<vmem>>, vector<1x64xf32>
      %add3A_74 = arith.addf %add3A_70, %get3A_73 : vector<1x64xf32>
      %div3A_75 = arith.constant 3.276800e+05 : f32
      %div3A_76 = vector.broadcast %div3A_75 : f32 to vector<1x64xf32>
      %div3A_77 = arith.divf %add3A_74, %div3A_76 : vector<1x64xf32>
      %mul3A_78 = arith.mulf %div3A_60, %div3A_60 : vector<1x64xf32>
      %sub3A = arith.subf %div3A_77, %mul3A_78 : vector<1x64xf32>
      %get3A_79 = arith.constant 0 : index
      %get3A_80 = arith.constant 0 : index
      %get3A_81 = vector.load %arg8[%get3A_79, %get3A_80] : memref<1x64xf32, #tpu.memory_space<vmem>>, vector<1x64xf32>
      %add3A_82 = arith.constant 9.99999974E-6 : f32
      %add3A_83 = vector.broadcast %add3A_82 : f32 to vector<1x64xf32>
      %add3A_84 = arith.addf %sub3A, %add3A_83 : vector<1x64xf32>
      %rsqrt3A = math.rsqrt %add3A_84 : vector<1x64xf32>
      %mul3A_85 = arith.mulf %get3A_81, %rsqrt3A : vector<1x64xf32>
      %get3A_86 = arith.constant 0 : index
      %get3A_87 = arith.constant 0 : index
      %get3A_88 = vector.load %arg9[%get3A_86, %get3A_87] : memref<1x64xf32, #tpu.memory_space<vmem>>, vector<1x64xf32>
      %mul3A_89 = arith.mulf %div3A_60, %mul3A_85 : vector<1x64xf32>
      %sub3A_90 = arith.subf %get3A_88, %mul3A_89 : vector<1x64xf32>
      %get3A_91 = arith.constant 4 : index
      %get3A_92 = arith.constant 0 : index
      %get3A_93 = vector.load %arg18[%get3A_91, %get3A_92] : memref<8x64xf32, #tpu.memory_space<vmem>>, vector<1x64xf32>
      %div3A_94 = arith.constant 1.638400e+04 : f32
      %div3A_95 = vector.broadcast %div3A_94 : f32 to vector<1x64xf32>
      %div3A_96 = arith.divf %get3A_93, %div3A_95 : vector<1x64xf32>
      %get3A_97 = arith.constant 5 : index
      %get3A_98 = arith.constant 0 : index
      %get3A_99 = vector.load %arg18[%get3A_97, %get3A_98] : memref<8x64xf32, #tpu.memory_space<vmem>>, vector<1x64xf32>
      %div3A_100 = arith.constant 1.638400e+04 : f32
      %div3A_101 = vector.broadcast %div3A_100 : f32 to vector<1x64xf32>
      %div3A_102 = arith.divf %get3A_99, %div3A_101 : vector<1x64xf32>
      %mul3A_103 = arith.mulf %div3A_96, %div3A_96 : vector<1x64xf32>
      %sub3A_104 = arith.subf %div3A_102, %mul3A_103 : vector<1x64xf32>
      %get3A_105 = arith.constant 0 : index
      %get3A_106 = arith.constant 0 : index
      %get3A_107 = vector.load %arg10[%get3A_105, %get3A_106] : memref<1x64xf32, #tpu.memory_space<vmem>>, vector<1x64xf32>
      %add3A_108 = arith.constant 9.99999974E-6 : f32
      %add3A_109 = vector.broadcast %add3A_108 : f32 to vector<1x64xf32>
      %add3A_110 = arith.addf %sub3A_104, %add3A_109 : vector<1x64xf32>
      %rsqrt3A_111 = math.rsqrt %add3A_110 : vector<1x64xf32>
      %mul3A_112 = arith.mulf %get3A_107, %rsqrt3A_111 : vector<1x64xf32>
      %get3A_113 = arith.constant 0 : index
      %get3A_114 = arith.constant 0 : index
      %get3A_115 = vector.load %arg11[%get3A_113, %get3A_114] : memref<1x64xf32, #tpu.memory_space<vmem>>, vector<1x64xf32>
      %mul3A_116 = arith.mulf %div3A_96, %mul3A_112 : vector<1x64xf32>
      %sub3A_117 = arith.subf %get3A_115, %mul3A_116 : vector<1x64xf32>
      %swap3A = arith.constant 0 : index
      %swap3A_118 = arith.constant 0 : index
      %swap3A_119 = vector.load %arg18[%swap3A, %swap3A_118] : memref<8x64xf32, #tpu.memory_space<vmem>>, vector<1x64xf32>
      tpu.vector_store %arg18[%swap3A, %swap3A_118], %mul3A_85 {strides = array<i32>} : memref<8x64xf32, #tpu.memory_space<vmem>>, vector<1x64xf32>,
      %swap3A_120 = arith.constant 1 : index
      %swap3A_121 = arith.constant 0 : index
      %swap3A_122 = vector.load %arg18[%swap3A_120, %swap3A_121] : memref<8x64xf32, #tpu.memory_space<vmem>>, vector<1x64xf32>
      tpu.vector_store %arg18[%swap3A_120, %swap3A_121], %sub3A_90 {strides = array<i32>} : memref<8x64xf32, #tpu.memory_space<vmem>>, vector<1x64xf32>,
      %swap3A_123 = arith.constant 2 : index
      %swap3A_124 = arith.constant 0 : index
      %swap3A_125 = vector.load %arg18[%swap3A_123, %swap3A_124] : memref<8x64xf32, #tpu.memory_space<vmem>>, vector<1x64xf32>
      tpu.vector_store %arg18[%swap3A_123, %swap3A_124], %mul3A_112 {strides = array<i32>} : memref<8x64xf32, #tpu.memory_space<vmem>>, vector<1x64xf32>,
      %swap3A_126 = arith.constant 3 : index
      %swap3A_127 = arith.constant 0 : index
      %swap3A_128 = vector.load %arg18[%swap3A_126, %swap3A_127] : memref<8x64xf32, #tpu.memory_space<vmem>>, vector<1x64xf32>
      tpu.vector_store %arg18[%swap3A_126, %swap3A_127], %sub3A_117 {strides = array<i32>} : memref<8x64xf32, #tpu.memory_space<vmem>>, vector<1x64xf32>,
      %broadcast_in_dim3A = vector.shape_cast %mul3A_85 : vector<1x64xf32> to vector<1x64xf32>
      %broadcast_in_dim3A_129 = vector.broadcast %broadcast_in_dim3A : vector<1x64xf32> to vector<8x64xf32>
      %swap3A_130 = arith.constant 0 : index
      %swap3A_131 = arith.constant 0 : index
      %swap3A_132 = vector.load %arg17[%swap3A_130, %swap3A_131] : memref<8x64xf32, #tpu.memory_space<vmem>>, vector<8x64xf32>
      tpu.vector_store %arg17[%swap3A_130, %swap3A_131], %broadcast_in_dim3A_129 {strides = array<i32>} : memref<8x64xf32, #tpu.memory_space<vmem>>, vector<8x64xf32>,
    } else {
    }
    %eq3A_41 = arith.constant 1 : i32
    %eq3A_42 = arith.cmpi eq, %arg0, %eq3A_41 : i32
    %convert_element_type3A_43 = arith.extui %eq3A_42 : i1 to i32
    %cond3A_44 = arith.constant 0 : i32
    %cond3A_45 = arith.cmpi ne, %convert_element_type3A_43, %cond3A_44 : i32
    scf.if %cond3A_45 {
      %get3A_46 = arith.constant 0 : index
      %get3A_47 = arith.constant 0 : index
      %get3A_48 = vector.load %arg18[%get3A_46, %get3A_47] : memref<8x64xf32, #tpu.memory_space<vmem>>, vector<1x64xf32>
      %mul3A_49 = vector.broadcast %get3A_48 : vector<1x64xf32> to vector<1024x64xf32>
      %mul3A_50 = arith.mulf %dot_general3A_22, %mul3A_49 : vector<1024x64xf32>
      %get3A_51 = arith.constant 1 : index
      %get3A_52 = arith.constant 0 : index
      %get3A_53 = vector.load %arg18[%get3A_51, %get3A_52] : memref<8x64xf32, #tpu.memory_space<vmem>>, vector<1x64xf32>
      %add3A_54 = vector.broadcast %get3A_53 : vector<1x64xf32> to vector<1024x64xf32>
      %add3A_55 = arith.addf %mul3A_50, %add3A_54 : vector<1024x64xf32>
      %broadcast_in_dim3A = arith.constant 0.000000e+00 : f32
      %broadcast_in_dim3A_56 = vector.broadcast %broadcast_in_dim3A : f32 to vector<1024x64xf32>
      %concatenate3A = tpu.concatenate %add3A_55, %broadcast_in_dim3A_56 in 1 : vector<1024x64xf32>, vector<1024x64xf32> -> vector<1024x128xf32>
      %swap3A = arith.constant 0 : index
      %swap3A_57 = arith.constant 0 : index
      %swap3A_58 = vector.load %arg15[%swap3A, %swap3A_57] : memref<1024x128xf32, #tpu.memory_space<vmem>>, vector<1024x128xf32>
      tpu.vector_store %arg15[%swap3A, %swap3A_57], %concatenate3A {strides = array<i32>} : memref<1024x128xf32, #tpu.memory_space<vmem>>, vector<1024x128xf32>,
      %get3A_59 = arith.constant 2 : index
      %get3A_60 = arith.constant 0 : index
      %get3A_61 = vector.load %arg18[%get3A_59, %get3A_60] : memref<8x64xf32, #tpu.memory_space<vmem>>, vector<1x64xf32>
      %mul3A_62 = vector.broadcast %get3A_61 : vector<1x64xf32> to vector<1024x64xf32>
      %mul3A_63 = arith.mulf %dot_general3A_27, %mul3A_62 : vector<1024x64xf32>
      %get3A_64 = arith.constant 3 : index
      %get3A_65 = arith.constant 0 : index
      %get3A_66 = vector.load %arg18[%get3A_64, %get3A_65] : memref<8x64xf32, #tpu.memory_space<vmem>>, vector<1x64xf32>
      %add3A_67 = vector.broadcast %get3A_66 : vector<1x64xf32> to vector<1024x64xf32>
      %add3A_68 = arith.addf %mul3A_63, %add3A_67 : vector<1024x64xf32>
      %max3A = arith.constant 0.000000e+00 : f32
      %max3A_69 = vector.broadcast %max3A : f32 to vector<1024x64xf32>
      %max3A_70 = arith.maximumf %add3A_68, %max3A_69 : vector<1024x64xf32>
      %get3A_71 = arith.constant 0 : index
      %get3A_72 = arith.constant 0 : index
      %get3A_73 = vector.load %arg12[%get3A_71, %get3A_72] : memref<64x1xf32, #tpu.memory_space<vmem>>, vector<64x1xf32>
      %dot_general3A_74 = arith.constant dense<0.000000e+00> : vector<1024x1xf32>
      %dot_general3A_75 = tpu.matmul %max3A_70, %get3A_73, %dot_general3A_74 {dimension_numbers = #tpu.dot_dimension_numbers<[1], [0], [0], [1], [0, 0, 1, 1], [], []>, transpose_lhs_hint = false} : vector<1024x64xf32>, vector<64x1xf32>, vector<1024x1xf32> -> vector<1024x1xf32>
      %get3A_76 = arith.constant 0 : index
      %get3A_77 = arith.constant 0 : index
      %get3A_78 = vector.load %arg13[%get3A_76, %get3A_77] : memref<1x1xf32, #tpu.memory_space<vmem>>, vector<1x1xf32>
      %add3A_79 = vector.broadcast %get3A_78 : vector<1x1xf32> to vector<1024x1xf32>
      %add3A_80 = arith.addf %dot_general3A_75, %add3A_79 : vector<1024x1xf32>
      %exp3A = math.exp %add3A_80 : vector<1024x1xf32>
      %swap3A_81 = arith.constant 0 : index
      %swap3A_82 = arith.constant 0 : index
      %swap3A_83 = vector.load %arg16[%swap3A_81, %swap3A_82] : memref<1024x1xf32, #tpu.memory_space<vmem>>, vector<1024x1xf32>
      tpu.vector_store %arg16[%swap3A_81, %swap3A_82], %exp3A {strides = array<i32>} : memref<1024x1xf32, #tpu.memory_space<vmem>>, vector<1024x1xf32>,
    } else {
    }
    return
  }
  func.func @transform_0(%arg0: i32, %arg1: i32) -> (i32, i32, i32) {
    %c0_i32 = arith.constant 0 : i32
    %c0_i32_0 = arith.constant 0 : i32
    %c0_i32_1 = arith.constant 0 : i32
    return %c0_i32, %arg1, %c0_i32_0 : i32, i32, i32
  }
  func.func @transform_1(%arg0: i32, %arg1: i32) -> (i32, i32, i32) {
    %c0_i32 = arith.constant 0 : i32
    %c0_i32_0 = arith.constant 0 : i32
    %c0_i32_1 = arith.constant 0 : i32
    return %c0_i32, %arg1, %c0_i32_0 : i32, i32, i32
  }
  func.func @transform_2(%arg0: i32, %arg1: i32) -> (i32, i32) {
    %c0_i32 = arith.constant 0 : i32
    %c0_i32_0 = arith.constant 0 : i32
    return %arg1, %c0_i32 : i32, i32
  }
  func.func @transform_3(%arg0: i32, %arg1: i32) -> (i32, i32) {
    %c0_i32 = arith.constant 0 : i32
    %c0_i32_0 = arith.constant 0 : i32
    %c0_i32_1 = arith.constant 0 : i32
    return %c0_i32, %c0_i32_0 : i32, i32
  }
  func.func @transform_4(%arg0: i32, %arg1: i32) -> (i32, i32) {
    %c0_i32 = arith.constant 0 : i32
    %c0_i32_0 = arith.constant 0 : i32
    %c0_i32_1 = arith.constant 0 : i32
    return %c0_i32, %c0_i32_0 : i32, i32
  }
  func.func @transform_5(%arg0: i32, %arg1: i32) -> (i32, i32) {
    %c0_i32 = arith.constant 0 : i32
    %c0_i32_0 = arith.constant 0 : i32
    %c0_i32_1 = arith.constant 0 : i32
    return %c0_i32, %c0_i32_0 : i32, i32
  }
  func.func @transform_6(%arg0: i32, %arg1: i32) -> (i32, i32) {
    %c0_i32 = arith.constant 0 : i32
    %c0_i32_0 = arith.constant 0 : i32
    %c0_i32_1 = arith.constant 0 : i32
    return %c0_i32, %c0_i32_0 : i32, i32
  }
  func.func @transform_7(%arg0: i32, %arg1: i32) -> (i32, i32) {
    %c0_i32 = arith.constant 0 : i32
    %c0_i32_0 = arith.constant 0 : i32
    %c0_i32_1 = arith.constant 0 : i32
    return %c0_i32, %c0_i32_0 : i32, i32
  }
  func.func @transform_8(%arg0: i32, %arg1: i32) -> (i32, i32) {
    %c0_i32 = arith.constant 0 : i32
    %c0_i32_0 = arith.constant 0 : i32
    %c0_i32_1 = arith.constant 0 : i32
    return %c0_i32, %c0_i32_0 : i32, i32
  }
  func.func @transform_9(%arg0: i32, %arg1: i32) -> (i32, i32) {
    %c0_i32 = arith.constant 0 : i32
    %c0_i32_0 = arith.constant 0 : i32
    %c0_i32_1 = arith.constant 0 : i32
    return %c0_i32, %c0_i32_0 : i32, i32
  }
  func.func @transform_10(%arg0: i32, %arg1: i32) -> (i32, i32) {
    %c0_i32 = arith.constant 0 : i32
    %c0_i32_0 = arith.constant 0 : i32
    %c0_i32_1 = arith.constant 0 : i32
    return %c0_i32, %c0_i32_0 : i32, i32
  }
  func.func @transform_11(%arg0: i32, %arg1: i32) -> (i32, i32) {
    %c0_i32 = arith.constant 0 : i32
    %c0_i32_0 = arith.constant 0 : i32
    %c0_i32_1 = arith.constant 0 : i32
    return %c0_i32, %c0_i32_0 : i32, i32
  }
  func.func @transform_12(%arg0: i32, %arg1: i32) -> (i32, i32) {
    %c0_i32 = arith.constant 0 : i32
    %c0_i32_0 = arith.constant 0 : i32
    %c0_i32_1 = arith.constant 0 : i32
    return %c0_i32, %c0_i32_0 : i32, i32
  }
  func.func @transform_13(%arg0: i32, %arg1: i32) -> (i32, i32) {
    %c0_i32 = arith.constant 0 : i32
    %c0_i32_0 = arith.constant 0 : i32
    return %arg1, %c0_i32 : i32, i32
  }
  func.func @transform_14(%arg0: i32, %arg1: i32) -> (i32, i32) {
    %c0_i32 = arith.constant 0 : i32
    %c0_i32_0 = arith.constant 0 : i32
    return %arg1, %c0_i32 : i32, i32
  }
  func.func @transform_15(%arg0: i32, %arg1: i32) -> (i32, i32) {
    %c0_i32 = arith.constant 0 : i32
    %c0_i32_0 = arith.constant 0 : i32
    %c0_i32_1 = arith.constant 0 : i32
    return %c0_i32, %c0_i32_0 : i32, i32
  }
}

module attributes {stable_mosaic.version = 14 : i64} {
  func.func @_tcc_body(%arg0: i32, %arg1: memref<2048x64xf32, #tpu.memory_space<vmem>>, %arg2: memref<2048x128xf32, #tpu.memory_space<vmem>>, %arg3: memref<64x64xf32, #tpu.memory_space<vmem>>, %arg4: memref<8x64xf32, #tpu.memory_space<vmem>>, %arg5: memref<64x68xf32, #tpu.memory_space<vmem>>, %arg6: memref<1x68xf32, #tpu.memory_space<vmem>>, %arg7: memref<2048x68xf32, #tpu.memory_space<vmem>>, %arg8: memref<2048x16xf32, #tpu.memory_space<vmem>>) attributes {dimension_semantics = [#tpu.dimension_semantics<arbitrary>], iteration_bounds = array<i64: 160>, scalar_prefetch = 0 : i64, scratch_operands = 0 : i64, tpu.core_type = #tpu.core_type<tc>, window_params = [{transform_indices = @transform_0, window_bounds = array<i64: 2048, 64>}, {transform_indices = @transform_1, window_bounds = array<i64: 2048, 128>}, {pipeline_mode = #tpu.pipeline_mode<synchronous>, transform_indices = @transform_2, window_bounds = array<i64: 64, 64>}, {pipeline_mode = #tpu.pipeline_mode<synchronous>, transform_indices = @transform_3, window_bounds = array<i64: 8, 64>}, {pipeline_mode = #tpu.pipeline_mode<synchronous>, transform_indices = @transform_4, window_bounds = array<i64: 64, 68>}, {pipeline_mode = #tpu.pipeline_mode<synchronous>, transform_indices = @transform_5, window_bounds = array<i64: 1, 68>}, {transform_indices = @transform_6, window_bounds = array<i64: 2048, 68>}, {transform_indices = @transform_7, window_bounds = array<i64: 2048, 16>}]} {
    %get3A = arith.constant 0 : index
    %get3A_0 = arith.constant 0 : index
    %get3A_1 = vector.load %arg1[%get3A, %get3A_0] : memref<2048x64xf32, #tpu.memory_space<vmem>>, vector<2048x64xf32>
    %get3A_2 = arith.constant 0 : index
    %get3A_3 = arith.constant 0 : index
    %get3A_4 = vector.load %arg3[%get3A_2, %get3A_3] : memref<64x64xf32, #tpu.memory_space<vmem>>, vector<64x64xf32>
    %dot_general3A = arith.constant dense<0.000000e+00> : vector<2048x64xf32>
    %dot_general3A_5 = tpu.matmul %get3A_1, %get3A_4, %dot_general3A {dimension_numbers = #tpu.dot_dimension_numbers<[1], [0], [0], [1], [0, 0, 1, 1], [], []>, transpose_lhs_hint = false} : vector<2048x64xf32>, vector<64x64xf32>, vector<2048x64xf32> -> vector<2048x64xf32>
    %get3A_6 = arith.constant 0 : index
    %get3A_7 = arith.constant 0 : index
    %get3A_8 = vector.load %arg4[%get3A_6, %get3A_7] : memref<8x64xf32, #tpu.memory_space<vmem>>, vector<1x64xf32>
    %mul3A = vector.broadcast %get3A_8 : vector<1x64xf32> to vector<2048x64xf32>
    %mul3A_9 = arith.mulf %dot_general3A_5, %mul3A : vector<2048x64xf32>
    %get3A_10 = arith.constant 0 : index
    %get3A_11 = arith.constant 0 : index
    %get3A_12 = vector.load %arg2[%get3A_10, %get3A_11] : memref<2048x128xf32, #tpu.memory_space<vmem>>, vector<2048x64xf32>
    %add3A = arith.addf %mul3A_9, %get3A_12 : vector<2048x64xf32>
    %max3A = arith.constant 0.000000e+00 : f32
    %max3A_13 = vector.broadcast %max3A : f32 to vector<2048x64xf32>
    %max3A_14 = arith.maximumf %add3A, %max3A_13 : vector<2048x64xf32>
    %get3A_15 = arith.constant 0 : index
    %get3A_16 = arith.constant 0 : index
    %get3A_17 = vector.load %arg5[%get3A_15, %get3A_16] : memref<64x68xf32, #tpu.memory_space<vmem>>, vector<64x68xf32>
    %dot_general3A_18 = arith.constant dense<0.000000e+00> : vector<2048x68xf32>
    %dot_general3A_19 = tpu.matmul %max3A_14, %get3A_17, %dot_general3A_18 {dimension_numbers = #tpu.dot_dimension_numbers<[1], [0], [0], [1], [0, 0, 1, 1], [], []>, transpose_lhs_hint = false} : vector<2048x64xf32>, vector<64x68xf32>, vector<2048x68xf32> -> vector<2048x68xf32>
    %get3A_20 = arith.constant 0 : index
    %get3A_21 = arith.constant 0 : index
    %get3A_22 = vector.load %arg6[%get3A_20, %get3A_21] : memref<1x68xf32, #tpu.memory_space<vmem>>, vector<1x68xf32>
    %add3A_23 = vector.broadcast %get3A_22 : vector<1x68xf32> to vector<2048x68xf32>
    %add3A_24 = arith.addf %dot_general3A_19, %add3A_23 : vector<2048x68xf32>
    %exp3A = math.exp %add3A_24 : vector<2048x68xf32>
    %swap3A = arith.constant 0 : index
    %swap3A_25 = arith.constant 0 : index
    %swap3A_26 = vector.load %arg7[%swap3A, %swap3A_25] : memref<2048x68xf32, #tpu.memory_space<vmem>>, vector<2048x68xf32>
    tpu.vector_store %arg7[%swap3A, %swap3A_25], %exp3A {strides = array<i32>} : memref<2048x68xf32, #tpu.memory_space<vmem>>, vector<2048x68xf32>,
    %reduce_sum3A = arith.constant dense<0.000000e+00> : vector<2048xf32>
    %reduce_sum3A_27 = vector.multi_reduction <add>, %exp3A, %reduce_sum3A [1] : vector<2048x68xf32> to vector<2048xf32>
    %broadcast_in_dim3A = vector.shape_cast %reduce_sum3A_27 : vector<2048xf32> to vector<2048x1xf32>
    %broadcast_in_dim3A_28 = vector.shape_cast %broadcast_in_dim3A : vector<2048x1xf32> to vector<2048x1xf32>
    %broadcast_in_dim3A_29 = vector.broadcast %broadcast_in_dim3A_28 : vector<2048x1xf32> to vector<2048x16xf32>
    %swap3A_30 = arith.constant 0 : index
    %swap3A_31 = arith.constant 0 : index
    %swap3A_32 = vector.load %arg8[%swap3A_30, %swap3A_31] : memref<2048x16xf32, #tpu.memory_space<vmem>>, vector<2048x16xf32>
    tpu.vector_store %arg8[%swap3A_30, %swap3A_31], %broadcast_in_dim3A_29 {strides = array<i32>} : memref<2048x16xf32, #tpu.memory_space<vmem>>, vector<2048x16xf32>,
    return
  }
  func.func @transform_0(%arg0: i32) -> (i32, i32) {
    %c0_i32 = arith.constant 0 : i32
    %c0_i32_0 = arith.constant 0 : i32
    return %arg0, %c0_i32 : i32, i32
  }
  func.func @transform_1(%arg0: i32) -> (i32, i32) {
    %c0_i32 = arith.constant 0 : i32
    %c0_i32_0 = arith.constant 0 : i32
    return %arg0, %c0_i32 : i32, i32
  }
  func.func @transform_2(%arg0: i32) -> (i32, i32) {
    %c0_i32 = arith.constant 0 : i32
    %c0_i32_0 = arith.constant 0 : i32
    %c0_i32_1 = arith.constant 0 : i32
    return %c0_i32, %c0_i32_0 : i32, i32
  }
  func.func @transform_3(%arg0: i32) -> (i32, i32) {
    %c0_i32 = arith.constant 0 : i32
    %c0_i32_0 = arith.constant 0 : i32
    %c0_i32_1 = arith.constant 0 : i32
    return %c0_i32, %c0_i32_0 : i32, i32
  }
  func.func @transform_4(%arg0: i32) -> (i32, i32) {
    %c0_i32 = arith.constant 0 : i32
    %c0_i32_0 = arith.constant 0 : i32
    %c0_i32_1 = arith.constant 0 : i32
    return %c0_i32, %c0_i32_0 : i32, i32
  }
  func.func @transform_5(%arg0: i32) -> (i32, i32) {
    %c0_i32 = arith.constant 0 : i32
    %c0_i32_0 = arith.constant 0 : i32
    %c0_i32_1 = arith.constant 0 : i32
    return %c0_i32, %c0_i32_0 : i32, i32
  }
  func.func @transform_6(%arg0: i32) -> (i32, i32) {
    %c0_i32 = arith.constant 0 : i32
    %c0_i32_0 = arith.constant 0 : i32
    return %arg0, %c0_i32 : i32, i32
  }
  func.func @transform_7(%arg0: i32) -> (i32, i32) {
    %c0_i32 = arith.constant 0 : i32
    %c0_i32_0 = arith.constant 0 : i32
    return %arg0, %c0_i32 : i32, i32
  }
}

module attributes {stable_mosaic.version = 14 : i64} {
  func.func @_tcd_body(%arg0: memref<2x16384x16xf32, #tpu.memory_space<vmem>>, %arg1: memref<16384x1xf32, #tpu.memory_space<vmem>>, %arg2: memref<16384x128xf32, #tpu.memory_space<vmem>>, %arg3: memref<16384x1xf32, #tpu.memory_space<vmem>>) attributes {dimension_semantics = [], scalar_prefetch = 0 : i64, scratch_operands = 0 : i64, tpu.core_type = #tpu.core_type<tc>} {
    %get3A = arith.constant 0 : index
    %get3A_0 = arith.constant 0 : index
    %get3A_1 = arith.constant 0 : index
    %get3A_2 = vector.load %arg0[%get3A, %get3A_0, %get3A_1] : memref<2x16384x16xf32, #tpu.memory_space<vmem>>, vector<1x16384x1xf32>
    %get3A_3 = vector.shape_cast %get3A_2 : vector<1x16384x1xf32> to vector<16384x1xf32>
    %get3A_4 = arith.constant 1 : index
    %get3A_5 = arith.constant 0 : index
    %get3A_6 = arith.constant 0 : index
    %get3A_7 = vector.load %arg0[%get3A_4, %get3A_5, %get3A_6] : memref<2x16384x16xf32, #tpu.memory_space<vmem>>, vector<1x16384x1xf32>
    %get3A_8 = vector.shape_cast %get3A_7 : vector<1x16384x1xf32> to vector<16384x1xf32>
    %add3A = arith.addf %get3A_3, %get3A_8 : vector<16384x1xf32>
    %get3A_9 = arith.constant 0 : index
    %get3A_10 = arith.constant 0 : index
    %get3A_11 = vector.load %arg1[%get3A_9, %get3A_10] : memref<16384x1xf32, #tpu.memory_space<vmem>>, vector<16384x1xf32>
    %add3A_12 = arith.addf %add3A, %get3A_11 : vector<16384x1xf32>
    %broadcast_in_dim3A = vector.shape_cast %add3A_12 : vector<16384x1xf32> to vector<16384x1xf32>
    %broadcast_in_dim3A_13 = vector.broadcast %broadcast_in_dim3A : vector<16384x1xf32> to vector<16384x128xf32>
    %swap3A = arith.constant 0 : index
    %swap3A_14 = arith.constant 0 : index
    %swap3A_15 = vector.load %arg2[%swap3A, %swap3A_14] : memref<16384x128xf32, #tpu.memory_space<vmem>>, vector<16384x128xf32>
    tpu.vector_store %arg2[%swap3A, %swap3A_14], %broadcast_in_dim3A_13 {strides = array<i32>} : memref<16384x128xf32, #tpu.memory_space<vmem>>, vector<16384x128xf32>,
    %get3A_16 = arith.constant 0 : index
    %get3A_17 = arith.constant 0 : index
    %get3A_18 = vector.load %arg1[%get3A_16, %get3A_17] : memref<16384x1xf32, #tpu.memory_space<vmem>>, vector<16384x1xf32>
    %div3A = arith.divf %get3A_18, %add3A_12 : vector<16384x1xf32>
    %swap3A_19 = arith.constant 0 : index
    %swap3A_20 = arith.constant 0 : index
    %swap3A_21 = vector.load %arg3[%swap3A_19, %swap3A_20] : memref<16384x1xf32, #tpu.memory_space<vmem>>, vector<16384x1xf32>
    tpu.vector_store %arg3[%swap3A_19, %swap3A_20], %div3A {strides = array<i32>} : memref<16384x1xf32, #tpu.memory_space<vmem>>, vector<16384x1xf32>,
    return
  }
}

module attributes {stable_mosaic.version = 14 : i64} {
  func.func @_tce_body(%arg0: i32, %arg1: memref<2048x68xf32, #tpu.memory_space<vmem>>, %arg2: memref<2048x128xf32, #tpu.memory_space<vmem>>, %arg3: memref<2048x4xf32, #tpu.memory_space<vmem>>, %arg4: memref<2048x64xf32, #tpu.memory_space<vmem>>) attributes {dimension_semantics = [#tpu.dimension_semantics<arbitrary>], iteration_bounds = array<i64: 160>, scalar_prefetch = 0 : i64, scratch_operands = 0 : i64, tpu.core_type = #tpu.core_type<tc>, window_params = [{transform_indices = @transform_0, window_bounds = array<i64: 2048, 68>}, {transform_indices = @transform_1, window_bounds = array<i64: 2048, 128>}, {transform_indices = @transform_2, window_bounds = array<i64: 2048, 4>}, {transform_indices = @transform_3, window_bounds = array<i64: 2048, 64>}]} {
    %get3A = arith.constant 0 : index
    %get3A_0 = arith.constant 0 : index
    %get3A_1 = vector.load %arg1[%get3A, %get3A_0] : memref<2048x68xf32, #tpu.memory_space<vmem>>, vector<2048x68xf32>
    %get3A_2 = arith.constant 0 : index
    %get3A_3 = arith.constant 0 : index
    %get3A_4 = vector.load %arg2[%get3A_2, %get3A_3] : memref<2048x128xf32, #tpu.memory_space<vmem>>, vector<2048x1xf32>
    %div3A = arith.constant 1.000000e+00 : f32
    %div3A_5 = vector.broadcast %div3A : f32 to vector<2048x1xf32>
    %div3A_6 = arith.divf %div3A_5, %get3A_4 : vector<2048x1xf32>
    %mul3A = vector.broadcast %div3A_6 : vector<2048x1xf32> to vector<2048x68xf32>
    %mul3A_7 = arith.mulf %get3A_1, %mul3A : vector<2048x68xf32>
    %slice3A = vector.extract_strided_slice %mul3A_7 {offsets = [0, 0], sizes = [2048, 4], strides = [1, 1]} : vector<2048x68xf32> to vector<2048x4xf32>
    %swap3A = arith.constant 0 : index
    %swap3A_8 = arith.constant 0 : index
    %swap3A_9 = vector.load %arg3[%swap3A, %swap3A_8] : memref<2048x4xf32, #tpu.memory_space<vmem>>, vector<2048x4xf32>
    tpu.vector_store %arg3[%swap3A, %swap3A_8], %slice3A {strides = array<i32>} : memref<2048x4xf32, #tpu.memory_space<vmem>>, vector<2048x4xf32>,
    %slice3A_10 = vector.extract_strided_slice %mul3A_7 {offsets = [0, 4], sizes = [2048, 64], strides = [1, 1]} : vector<2048x68xf32> to vector<2048x64xf32>
    %swap3A_11 = arith.constant 0 : index
    %swap3A_12 = arith.constant 0 : index
    %swap3A_13 = vector.load %arg4[%swap3A_11, %swap3A_12] : memref<2048x64xf32, #tpu.memory_space<vmem>>, vector<2048x64xf32>
    tpu.vector_store %arg4[%swap3A_11, %swap3A_12], %slice3A_10 {strides = array<i32>} : memref<2048x64xf32, #tpu.memory_space<vmem>>, vector<2048x64xf32>,
    return
  }
  func.func @transform_0(%arg0: i32) -> (i32, i32) {
    %c0_i32 = arith.constant 0 : i32
    %c0_i32_0 = arith.constant 0 : i32
    return %arg0, %c0_i32 : i32, i32
  }
  func.func @transform_1(%arg0: i32) -> (i32, i32) {
    %c0_i32 = arith.constant 0 : i32
    %c0_i32_0 = arith.constant 0 : i32
    return %arg0, %c0_i32 : i32, i32
  }
  func.func @transform_2(%arg0: i32) -> (i32, i32) {
    %c0_i32 = arith.constant 0 : i32
    %c0_i32_0 = arith.constant 0 : i32
    return %arg0, %c0_i32 : i32, i32
  }
  func.func @transform_3(%arg0: i32) -> (i32, i32) {
    %c0_i32 = arith.constant 0 : i32
    %c0_i32_0 = arith.constant 0 : i32
    return %arg0, %c0_i32 : i32, i32
  }
}

</mosaic_0001>

<sc_bundles>
// kernel: kernel.12.cloned.1.call-start
scs
__scs_entry_jumppad:
0x0: {  	(pc) =	sbr.rel $0x88, $3  }
0x1: {  	(tag) =	ssettag $0x0;
	lr =	simm.s32 $0x1  }
0x2: {  	[smem:$0x3F94] =	sst lr;
	_ =	strace $0xD0000000  }
0x3: {  	_ = 	snop  }
0x4: {  	_ = 	snop  }
0x5: {  	_ = 	snop  }
0x6: {  	_ = 	snop  }
0x7: {  	_ = 	snop  }
__scs_overlays_trampoline_lowered:
0x8: {  	[smem:$0x3FA3] =	sst s0  }
0x9: {  	[smem:$0x3FA4] =	sst s1  }
0xa: {  	[smem:$0x3FA5] =	sst s2  }
0xb: {  	[smem:$0x3FA6] =	sst s3  }
0xc: {  	[smem:$0x3FA7] =	sst s4  }
0xd: {  	[smem:$0x3FA8] =	sst s5  }
0xe: {  	[smem:$0x3FA9] =	sst s6  }
0xf: {  	[smem:$0x3FAA] =	sst s7  }
0x10: {  	[smem:$0x3FAB] =	sst s8  }
0x11: {  	[smem:$0x3FAC] =	sst s9;
	s0 =	simm.s32 @!p0 $0x0  }
0x12: {  	s1 =	sld [smem:$0x3F92];
	s0 =	simm.s32 @p0 $0x1  }
0x13: {  	[smem:$0x3FAD] =	sst s0;
	s0 =	simm.s32 @!p1 $0x0  }
0x14: {  	s2 =	sld [smem:$0x3F91];
	s0 =	simm.s32 @p1 $0x1  }
0x15: {  	[smem:$0x3FAE] =	sst s0;
	s0 =	simm.s32 @!p2 $0x0  }
0x16: {  	s3 =	sld [smem:$0x3FDB];
	s0 =	simm.s32 @p2 $0x1  }
0x17: {  	s4 =	simm.s32 $0x1BF5;
	[smem:$0x3FB0] =	sst s0  }
0x18: {  	s0 =	sld [smem:$0x3F93];
	_ =	swait.ge [sflag:s4], $0x0  }
0x19: {  	s7 =	sld [smem:$0x3F94]  }
0x1a: {  	s8 =	sadd.s32 $0xFFFFE003, lr  }
0x1b: {  	s9 =	sadd.s32 $0xFFFFFEF7, lr;
	s5 =	simm.s32 $0xFFFFFFFF;
	p2 =	slt.u32 s8, $0xFFFFF086  }
0x1c: {  	p1 =	slt.u32 s9, $0xF7A;
	s5 =	simm.s32 @!p2 $0x0  }
0x1d: {  	s5 =	simm.s32 @p1 $0x1;
	p0 =	seq.s32 s7, s2  }
0x1e: {  	s7 =	smul.u32 @!p0 $0xF7A, s2;
	p2 =	seq.s32 @!p0 s5, $0x0  }
0x1f: {  	s9 =	smul.u32 $0xF7A, s1;
	s8 =	simm.s32 @!p0 $0x1BF5;
	p2 =	por !p2, p0  }
0x20: {  	[sflag:s8] =	ssyncset.s32 @!p0 $0xFFFFF086;
	s6 =	sadd.s32 @!p0 s3, s7;
	s7 =	simm.s32 @!p0 $0x108  }
0x21: {  	s3 =	sadd.s32 s3, s9;
	s6 =	sadd.s32 @!p0 $0x88, s6;
	s7 =	simm.s32 @p2 $0x1082  }
0x22: {  	[simem:s7], [sflag:s8] =	dma.local @!p0 [hbm:s6], $0xF7A  }
0x23: {  	s9 =	sor.u32 $0xD0000000, s2;
	s6 =	simm.s32 $0x108;
	_ =	swait.ge @!p0 [sflag:s8], $0x0  }
0x24: {  	s3 =	sadd.s32 $0x88, s3;
	s6 =	simm.s32 @!p1 $0x1082;
	[sflag:s4] =	ssyncset.s32 $0xFFFFF086  }
0x25: {  	[simem:s6], [sflag:s4] =	dma.local [hbm:s3], $0xF7A  }
0x26: {  	[smem:$0x3F94] =	sst s1;
	(tag) =	ssettag s2;
	_ =	strace s9  }
0x27: {  	s1 =	sld [smem:$0x3FA4]  }
0x28: {  	s2 =	sld [smem:$0x3FA5]  }
0x29: {  	s4 =	sld [smem:$0x3FA7]  }
0x2a: {  	p0 =	seq.s32 s5, $0x0;
	s5 =	sld [smem:$0x3FA8]  }
0x2b: {  	s6 =	sld [smem:$0x3FA9]  }
0x2c: {  	s7 =	sld [smem:$0x3FAA]  }
0x2d: {  	s3 =	simm.s32 $0x108;
	s8 =	sld [smem:$0x3FAB]  }
0x2e: {  	s3 =	simm.s32 @!p0 $0x1082;
	s9 =	sld [smem:$0x3FAC]  }
0x2f: {  	lr =	sadd.s32 s0, s3;
	s0 =	sld [smem:$0x3FA3]  }
0x30: {  	s3 =	sld [smem:$0x3FA6]  }
0x31: {  	[smem:$0x3FAF] =	sst s10  }
0x32: {  	s10 =	sld [smem:$0x3FAD];
	_ =	sdelay $0x3  }
0x33: {  	p0 =	seq.s32 s10, $0x1;
	s10 =	sld [smem:$0x3FAF];
	_ =	sdelay $0x3  }
0x34: {  	[smem:$0x3FAF] =	sst s10  }
0x35: {  	s10 =	sld [smem:$0x3FAE];
	_ =	sdelay $0x3  }
0x36: {  	p1 =	seq.s32 s10, $0x1;
	s10 =	sld [smem:$0x3FAF];
	_ =	sdelay $0x3  }
0x37: {  	[smem:$0x3FAF] =	sst s10  }
0x38: {  	s10 =	sld [smem:$0x3FB0]  }
0x39: {  	_ = 	snop;
	(pc) =	sbr.ind lr, $3  }
0x3a: {  	_ = 	snop  }
0x3b: {  	_ = 	snop  }
0x3c: {  	p2 =	seq.s32 s10, $0x1;
	s10 =	sld [smem:$0x3FAF]  }
0x3d: {  	_ =	shalt  }
0x3e: {  	_ =	shalt  }
0x3f: {  	_ =	shalt  }
0x40: {  	_ =	shalt  }
0x41: {  	_ =	shalt  }
0x42: {  	_ =	shalt  }
0x43: {  	_ =	shalt  }
0x44: {  	_ =	shalt  }
0x45: {  	_ =	shalt  }
0x46: {  	_ =	shalt  }
0x47: {  	_ =	shalt  }
0x48: {  	_ =	shalt  }
0x49: {  	_ =	shalt  }
0x4a: {  	_ =	shalt  }
0x4b: {  	_ =	shalt  }
0x4c: {  	_ =	shalt  }
0x4d: {  	_ =	shalt  }
0x4e: {  	_ =	shalt  }
0x4f: {  	_ =	shalt  }
0x50: {  	_ =	shalt  }
0x51: {  	_ =	shalt  }
0x52: {  	_ =	shalt  }
0x53: {  	_ =	shalt  }
0x54: {  	_ =	shalt  }
0x55: {  	_ =	shalt  }
0x56: {  	_ =	shalt  }
0x57: {  	_ =	shalt  }
0x58: {  	_ =	shalt  }
0x59: {  	_ =	shalt  }
0x5a: {  	_ =	shalt  }
0x5b: {  	_ =	shalt  }
0x5c: {  	_ =	shalt  }
0x5d: {  	_ =	shalt  }
0x5e: {  	_ =	shalt  }
0x5f: {  	_ =	shalt  }
0x60: {  	_ =	shalt  }
0x61: {  	_ =	shalt  }
0x62: {  	_ =	shalt  }
0x63: {  	_ =	shalt  }
0x64: {  	_ =	shalt  }
0x65: {  	_ =	shalt  }
0x66: {  	_ =	shalt  }
0x67: {  	_ =	shalt  }
0x68: {  	_ =	shalt  }
0x69: {  	_ =	shalt  }
0x6a: {  	_ =	shalt  }
0x6b: {  	_ =	shalt  }
0x6c: {  	_ =	shalt  }
0x6d: {  	_ =	shalt  }
0x6e: {  	_ =	shalt  }
0x6f: {  	_ =	shalt  }
0x70: {  	_ =	shalt  }
0x71: {  	_ =	shalt  }
0x72: {  	_ =	shalt  }
0x73: {  	_ =	shalt  }
0x74: {  	_ =	shalt  }
0x75: {  	_ =	shalt  }
0x76: {  	_ =	shalt  }
0x77: {  	_ =	shalt  }
0x78: {  	_ =	shalt  }
0x79: {  	_ =	shalt  }
0x7a: {  	_ =	shalt  }
0x7b: {  	_ =	shalt  }
0x7c: {  	_ =	shalt  }
0x7d: {  	_ =	shalt  }
0x7e: {  	_ =	shalt  }
0x7f: {  	_ =	shalt  }
0x80: {  	_ =	shalt  }
0x81: {  	_ =	shalt  }
0x82: {  	_ =	shalt  }
0x83: {  	_ =	shalt  }
0x84: {  	_ =	shalt  }
0x85: {  	_ =	shalt  }
0x86: {  	_ =	shalt  }
0x87: {  	_ =	shalt  }
.Lfunc_end0:
.L_simem_size_0:
called_computation.4_lowered:
.L_overlay_start_0:
0x88: {  	s2 =	sld [smem:$0x3FD9]  }
0x89: {  	s3 =	sld [smem:$0x3FFE];
	_ =	sdelay $0x1  }
0x8a: {  	s1 =	srdreg.scid  }
0x8b: {  	s0 =	sand.u32 $0x1, s1  }
0x8c: {  	s14 =	sshll.u32 s0, $0xA;
	s2 =	sadd.s32 s3, s2  }
0x8d: {  	s2 =	sadd.s32 s2, s14  }
0x8e: {  	[smem:$0x3FBB] =	sst s2  }
0x8f: {  	_ = 	snop  }
0x90: {  	s2 =	sld [smem:$0x3FD0];
	_ =	sdelay $0x2  }
0x91: {  	s4 =	simm.s32 $0xC;
	s5 =	simm.s32 $0x10;
	s15 =	sld [smem:$0x3FC7]  }
0x92: {  	[smem:s5], [sflag:s4] =	dma.local [hbm:s2], $0x1  }
0x93: {  	_ =	swait.eq [sflag:s4], $0x1  }
0x94: {  	[sflag:s4] =	ssyncset.done $0x0  }
0x95: {  	[sflag:s4] =	ssyncadd.s32 $0xFFFFFFFF  }
0x96: {  	s16 =	sld [smem:$0x10];
	(tm) =	ssettm $0x1  }
0x97: {  	s17 =	sld [smem:$0x3FFB];
	_ =	sdelay $0x3  }
0x98: {  	_ =	strace s17  }
0x99: {  	s4 =	sld [smem:$0x3FFC];
	_ =	sdelay $0x3  }
0x9a: {  	_ =	strace s4  }
0x9b: {  	s4 =	sld [smem:$0x3FFD];
	_ =	sdelay $0x3  }
0x9c: {  	_ =	strace s4  }
0x9d: {  	_ =	strace $0x8FFFFFFF  }
0x9e: {  	s18 =	sld [smem:$0x3FDB];
	_ =	sdelay $0x1  }
0x9f: {  	s19 =	simm.s32 $_scs_section_size  }
0xa0: {  	s6 =	simm.s32 $_size__tile_overlayer_lowered;
	s7 =	simm.s32 $_tile_overlayer_lowered  }
0xa1: {  	s22 =	simm.s32 $0x1BFF;
	s21 =	sshll.u32 s7, $0x1;
	s4 =	sadd.s32 s19, s18  }
0xa2: {  	s8 =	simm.s32 $0x0;
	s20 =	sshll.u32 s6, $0x1;
	s6 =	sadd.s32 s21, s4  }
0xa3: {  	[timem:s8], [sflag:s22] =	dma.local [hbm:s6], s20  }
0xa4: {  	_ =	swait.ge [sflag:s22], s20  }
0xa5: {  	s5 =	ssub.s32 $0x0, s20;
	[sflag:s22] =	ssyncset.done $0x0  }
0xa6: {  	[sflag:s22] =	ssyncadd.s32 s5;
	_ =	sdelay $0x1  }
0xa7: {  	s23 =	simm.s32 $0x1B8B  }
0xa8: {  	_ =	swait.ge [sflag:s23], $0x1  }
0xa9: {  	[sflag:s23] =	ssyncset.done $0x0  }
0xaa: {  	s25 =	simm.s32 $0x1B8E;
	s24 =	sld [smem:$0x3FFE];
	[sflag:s23] =	ssyncadd.s32 $0xFFFFFFFF  }
0xab: {  	s26 =	simm.s32 $execute0_lowered;
	[smem:$0x3FD2] =	sst s25  }
0xac: {  	s6 =	sshll.u32 s26, $0x1;
	_ =	strace $0x80000055;
	[dreg:$0x1] =	wrdreg $0xFFFFFFFF  }
0xad: {  	s28 =	simm.s32 $_size_execute0_lowered;
	s4 =	sadd.s32 s4, s6;
	[dreg:$0x0] =	wrdreg $0x0  }
0xae: {  	s6 =	sshll.u32 s28, $0x1;
	[dreg:$0x2] =	wrdreg s4  }
0xaf: {  	[dreg:$0x3] =	wrdreg s6  }
0xb0: {  	[dreg:$0x4] =	wrdreg $0xC0  }
0xb1: {  	_ =	task [dreg:s8], $0x5FFFF  }
0xb2: {  	[dreg:$0x1] =	wrdreg $0xFFFFFFFF  }
0xb3: {  	[dreg:$0x0] =	wrdreg $0x60  }
0xb4: {  	[dreg:$0x2] =	wrdreg s16  }
0xb5: {  	[dreg:$0x3] =	wrdreg s15  }
0xb6: {  	[dreg:$0x4] =	wrdreg s24  }
0xb7: {  	[dreg:$0x5] =	wrdreg $0x9  }
0xb8: {  	_ =	task.clear_ibuf [dreg:s8], $0x6FFFF;
	_ =	strace $0x90000055  }
0xb9: {  	s29 =	simm.s32 $0x9;
	_ =	strace $0x80000057  }
0xba: {  	_ =	swait.ge [sflag:s29], $0x1  }
0xbb: {  	[sflag:s29] =	ssyncadd.s32 $0xFFFFFFFF  }
0xbc: {  	_ =	strace $0x90000057  }
0xbd: {  	_ =	sfence  }
0xbe: {  	s30 =	sld [smem:$0x0];
	_ =	sdelay $0x2  }
0xbf: {  	s31 =	sshll.u32 s1, $0xD;
	s1 =	sshrl.u32 s1, $0x2  }
0xc0: {  	s3 =	sand.u32 $0x4000, s31;
	s1 =	sadd.s32 s1, s30  }
0xc1: {  	s0 =	sor.u32 s3, s0;
	s1 =	sshll.u32 s1, $0x11  }
0xc2: {  	s0 =	sor.u32 s1, s0  }
0xc3: {  	s0 =	sadd.s32 $0x8F2B, s0  }
0xc4: {  	[sflag:s0] =	ssyncadd.remote.s32 $0x1  }
0xc5: {  	_ =	sfence.sel $0xFFFF  }
0xc6: {  	[dreg:$0x0] =	wrdreg $0xFFFFFFFF;
	(pc) =	sbr.abs _section_cstart, $3  }
0xc7: {  	[dreg:$0x1] =	wrdreg $0xFFFFFFFF  }
0xc8: {  	_ =	task.clear_ibuf [dreg:s8], $0x2FFFF;
	_ =	strace $0x9FFFFFFF  }
0xc9: {  	(tm) =	ssettm $0x7FFFFFFF  }
tec
execute0_lowered:
.L_overlay_start_1:
0x0: {  	(tag) =	ssettag $0x1  }
0x1: {  	s2 =	rddreg [dreg:$0x0]  }
0x2: {  	s6 =	rddreg [dreg:$0x1]  }
0x3: {  	s4 =	rddreg [dreg:$0x2]  }
0x4: {  	s0 =	rddreg [dreg:$0x3];
	s1 =	stileid.u32  }
0x5: {  	s7 =	srdreg.scid;
	s5 =	smul.u32 $0x50000, s1  }
0x6: {  	s3 =	simm.s32 $0x0;
	s7 =	sand.u32 $0x1, s7;
	s8 =	smul.u32 $0x5000, s1  }
0x7: {  	[smem:$0x7FF] =	sst s3;
	s9 =	ssub.s32 $0x2, s7;
	s10 =	smul.u32 $0x2800, s7  }
0x8: {  	s7 =	smul.u32 $0x28000, s7;
	_ =	strace $0x80000056;
	s30 =	sshrl.u32 s9, $0x1  }
0x9: {  	s5 =	sadd.s32 s5, s4;
	s4 =	ssub.s32 s9, s30;
	s8 =	sadd.s32 s10, s8  }
0xa: {  	s5 =	sadd.s32 s7, s5;
	s7 =	simm.s32 $0x2;
	s9 =	simm.s32 $0x1  }
0xb: {  	s10 =	simm.s32 $0x0;
	s4 =	smax.u32 s4, $0x1;
	s31 =	sshrl.u32 s8, $0x3  }
0xc: {  	s5 =	sadd.s32 $0x40C00, s5;
	s8 =	simm.s32 $0x100;
	s6 =	sadd.s32 s31, s6  }
.LBB2_1:
0xd: {  	s11 =	sadd.s32 $0x0, s6  }
0xe: {  	[tilespmem:s3], [sflag:$0x2] =	stream.linear.gather [hbm4b:s11+s3], $0x100, $0x38;
	[tilespmem:$0x8100] =	vst v63  }
0xf: {  	_ =	swait.ge [sflag:s7], $0x100  }
0x10: {  	[sflag:s7] =	ssyncset.done $0x0  }
0x11: {  	[sflag:s7] =	ssyncadd.s32 $0xFFFFFF00  }
0x12: {  	[tilespmem:s8], [sflag:$0x1] =	stream.indirect.gather [hbm4b:s2+s8], $0x80, s3, s8, $0xb8;
	[tilespmem:$0x8100] =	vst v63  }
0x13: {  	_ =	swait.ge [sflag:s9], $0x8000  }
0x14: {  	[sflag:s9] =	ssyncset.done $0x0  }
0x15: {  	[sflag:s9] =	ssyncadd.s32 $0xFFFF8000  }
0x16: {  	[hbm4b:s5+s3] =	stream.linear.scatter [tilespmem:s8], [sflag:$0x2], $0x8000, $0x38;
	[tilespmem:$0x8100] =	vst v63  }
0x17: {  	s12 =	simm.s32 $0x20;
	_ =	swait.ge [sflag:s7], $0x8000  }
0x18: {  	s13 =	simm.s32 $0x40;
	s11 =	sadd.s32 $0x1000, s5;
	[sflag:s7] =	ssyncset.done $0x0  }
.LBB2_2:
0x19: {  	s14 =	sadd.s32 s12, s6  }
0x1a: {  	[sflag:s7] =	ssyncadd.s32 $0xFFFF8000;
	s12 =	smov.u32 s13;
	s15 =	sadd.s32 $0x20, s13  }
0x1b: {  	[tilespmem:s3], [sflag:$0x2] =	stream.linear.gather [hbm4b:s14+s3], $0x100, $0x38;
	[tilespmem:$0x8100] =	vst v63  }
0x1c: {  	p0 =	sne.s32 s13, $0x4E0;
	_ =	swait.ge [sflag:s7], $0x100  }
0x1d: {  	[sflag:s7] =	ssyncset.done $0x0  }
0x1e: {  	[sflag:s7] =	ssyncadd.s32 $0xFFFFFF00  }
0x1f: {  	[tilespmem:s8], [sflag:$0x1] =	stream.indirect.gather [hbm4b:s2+s8], $0x80, s3, s8, $0xb8;
	[tilespmem:$0x8100] =	vst v63  }
0x20: {  	_ =	swait.ge [sflag:s9], $0x8000  }
.Ltmp0:
0x21: {  	[sflag:s9] =	ssyncset.done $0x0;
	(pc) =	sbr.rel @p0 .LBB2_2-.Ltmp0, $4  }
0x22: {  	[sflag:s9] =	ssyncadd.s32 $0xFFFF8000  }
0x23: {  	[hbm4b:s11+s3] =	stream.linear.scatter [tilespmem:s8], [sflag:$0x2], $0x8000, $0x38;
	[tilespmem:$0x8100] =	vst v63  }
0x24: {  	_ =	swait.ge [sflag:s7], $0x8000  }
0x25: {  	s13 =	smov.u32 s15;
	s11 =	sadd.s32 $0x1000, s11;
	[sflag:s7] =	ssyncset.done $0x0  }
0x26: {  	s12 =	sadd.s32 s12, s6;
	[sflag:s7] =	ssyncadd.s32 $0xFFFF8000  }
0x27: {  	[tilespmem:s3], [sflag:$0x2] =	stream.linear.gather [hbm4b:s12+s3], $0x100, $0x38;
	[tilespmem:$0x8100] =	vst v63  }
0x28: {  	_ =	swait.ge [sflag:s7], $0x100  }
0x29: {  	[sflag:s7] =	ssyncset.done $0x0  }
0x2a: {  	[sflag:s7] =	ssyncadd.s32 $0xFFFFFF00  }
0x2b: {  	[tilespmem:s8], [sflag:$0x1] =	stream.indirect.gather [hbm4b:s2+s8], $0x80, s3, s8, $0xb8;
	[tilespmem:$0x8100] =	vst v63  }
0x2c: {  	s10 =	sadd.s32 $0x1, s10;
	_ =	swait.ge [sflag:s9], $0x8000  }
0x2d: {  	p0 =	sne.s32 s10, s4;
	[sflag:s9] =	ssyncset.done $0x0  }
.Ltmp1:
0x2e: {  	[sflag:s9] =	ssyncadd.s32 $0xFFFF8000;
	(pc) =	sbr.rel @p0 .LBB2_1-.Ltmp1, $4  }
0x2f: {  	[hbm4b:s11+s3] =	stream.linear.scatter [tilespmem:s8], [sflag:$0x2], $0x8000, $0x38;
	[tilespmem:$0x8100] =	vst v63  }
0x30: {  	_ =	swait.ge [sflag:s7], $0x8000  }
0x31: {  	[sflag:s7] =	ssyncset.done $0x0  }
0x32: {  	[sflag:s7] =	ssyncadd.s32 $0xFFFF8000  }
0x33: {  	_ =	sfence.sel $0x180000  }
0x34: {  	[bflag:$0x0] =	sbarrier.arrive $0xFFFF  }
0x35: {  	p0 =	sne.s32 s1, $0x0;
	_ =	strace $0x90000056  }
0x36: {  	s0 =	sadd.s32 @!p0 $0x100000, s0;
	[bflag:$0x2] =	sbarrier.arrive $0xFFFF  }
0x37: {  	[sflag:s0] =	ssyncadd.tile.s32 @!p0 $0x1;
	_ =	shalt  }
.Lfunc_end2:
_tile_overlayer_lowered:
.L_overlay_start_2:
0x38: {  	(tag) =	ssettag $0x2  }
0x39: {  	s0 =	rddreg [dreg:$0x0];
	s2 =	stileid.u32  }
0x3a: {  	s1 =	rddreg [dreg:$0x1];
	p0 =	sne.s32 s2, $0x0  }
0x3b: {  	s3 =	rddreg [dreg:$0x2];
	[bflag:$0x3] =	sbarrier.arrive $0xFFFF;
	s2 =	simm.s32 @!p0 $0x1C02  }
0x3c: {  	[timem:s3], [sflag:s2] =	dma.local @!p0 [hbm:s0], s1  }
0x3d: {  	s0 =	simm.s32 @!p0 $0x2  }
0x3e: {  	_ =	swait.ge @!p0 [sflag:s0], s1  }
0x3f: {  	s1 =	ssub.s32 @!p0 $0x0, s1;
	[sflag:s0] =	ssyncset.done @!p0 $0x0  }
0x40: {  	[sflag:s0] =	ssyncadd.s32 @!p0 s1  }
0x41: {  	[bflag:$0x3] =	sbarrier.arrive $0xFFFF  }
0x42: {  	_ =	shalt  }

// kernel: kernel.9.cloned.1.call-start
scs
__scs_entry_jumppad:
0x0: {  	(pc) =	sbr.rel $0x88, $3  }
0x1: {  	(tag) =	ssettag $0x0;
	lr =	simm.s32 $0x1  }
0x2: {  	[smem:$0x3F94] =	sst lr;
	_ =	strace $0xD0000000  }
0x3: {  	_ = 	snop  }
0x4: {  	_ = 	snop  }
0x5: {  	_ = 	snop  }
0x6: {  	_ = 	snop  }
0x7: {  	_ = 	snop  }
__scs_overlays_trampoline_lowered:
0x8: {  	[smem:$0x3FA3] =	sst s0  }
0x9: {  	[smem:$0x3FA4] =	sst s1  }
0xa: {  	[smem:$0x3FA5] =	sst s2  }
0xb: {  	[smem:$0x3FA6] =	sst s3  }
0xc: {  	[smem:$0x3FA7] =	sst s4  }
0xd: {  	[smem:$0x3FA8] =	sst s5  }
0xe: {  	[smem:$0x3FA9] =	sst s6  }
0xf: {  	[smem:$0x3FAA] =	sst s7  }
0x10: {  	[smem:$0x3FAB] =	sst s8  }
0x11: {  	[smem:$0x3FAC] =	sst s9;
	s0 =	simm.s32 @!p0 $0x0  }
0x12: {  	s1 =	sld [smem:$0x3F92];
	s0 =	simm.s32 @p0 $0x1  }
0x13: {  	[smem:$0x3FAD] =	sst s0;
	s0 =	simm.s32 @!p1 $0x0  }
0x14: {  	s2 =	sld [smem:$0x3F91];
	s0 =	simm.s32 @p1 $0x1  }
0x15: {  	[smem:$0x3FAE] =	sst s0;
	s0 =	simm.s32 @!p2 $0x0  }
0x16: {  	s3 =	sld [smem:$0x3FDB];
	s0 =	simm.s32 @p2 $0x1  }
0x17: {  	s4 =	simm.s32 $0x1BF5;
	[smem:$0x3FB0] =	sst s0  }
0x18: {  	s0 =	sld [smem:$0x3F93];
	_ =	swait.ge [sflag:s4], $0x0  }
0x19: {  	s7 =	sld [smem:$0x3F94]  }
0x1a: {  	s8 =	sadd.s32 $0xFFFFE003, lr  }
0x1b: {  	s9 =	sadd.s32 $0xFFFFFEF7, lr;
	s5 =	simm.s32 $0xFFFFFFFF;
	p2 =	slt.u32 s8, $0xFFFFF086  }
0x1c: {  	p1 =	slt.u32 s9, $0xF7A;
	s5 =	simm.s32 @!p2 $0x0  }
0x1d: {  	s5 =	simm.s32 @p1 $0x1;
	p0 =	seq.s32 s7, s2  }
0x1e: {  	s7 =	smul.u32 @!p0 $0xF7A, s2;
	p2 =	seq.s32 @!p0 s5, $0x0  }
0x1f: {  	s9 =	smul.u32 $0xF7A, s1;
	s8 =	simm.s32 @!p0 $0x1BF5;
	p2 =	por !p2, p0  }
0x20: {  	[sflag:s8] =	ssyncset.s32 @!p0 $0xFFFFF086;
	s6 =	sadd.s32 @!p0 s3, s7;
	s7 =	simm.s32 @!p0 $0x108  }
0x21: {  	s3 =	sadd.s32 s3, s9;
	s6 =	sadd.s32 @!p0 $0x88, s6;
	s7 =	simm.s32 @p2 $0x1082  }
0x22: {  	[simem:s7], [sflag:s8] =	dma.local @!p0 [hbm:s6], $0xF7A  }
0x23: {  	s9 =	sor.u32 $0xD0000000, s2;
	s6 =	simm.s32 $0x108;
	_ =	swait.ge @!p0 [sflag:s8], $0x0  }
0x24: {  	s3 =	sadd.s32 $0x88, s3;
	s6 =	simm.s32 @!p1 $0x1082;
	[sflag:s4] =	ssyncset.s32 $0xFFFFF086  }
0x25: {  	[simem:s6], [sflag:s4] =	dma.local [hbm:s3], $0xF7A  }
0x26: {  	[smem:$0x3F94] =	sst s1;
	(tag) =	ssettag s2;
	_ =	strace s9  }
0x27: {  	s1 =	sld [smem:$0x3FA4]  }
0x28: {  	s2 =	sld [smem:$0x3FA5]  }
0x29: {  	s4 =	sld [smem:$0x3FA7]  }
0x2a: {  	p0 =	seq.s32 s5, $0x0;
	s5 =	sld [smem:$0x3FA8]  }
0x2b: {  	s6 =	sld [smem:$0x3FA9]  }
0x2c: {  	s7 =	sld [smem:$0x3FAA]  }
0x2d: {  	s3 =	simm.s32 $0x108;
	s8 =	sld [smem:$0x3FAB]  }
0x2e: {  	s3 =	simm.s32 @!p0 $0x1082;
	s9 =	sld [smem:$0x3FAC]  }
0x2f: {  	lr =	sadd.s32 s0, s3;
	s0 =	sld [smem:$0x3FA3]  }
0x30: {  	s3 =	sld [smem:$0x3FA6]  }
0x31: {  	[smem:$0x3FAF] =	sst s10  }
0x32: {  	s10 =	sld [smem:$0x3FAD];
	_ =	sdelay $0x3  }
0x33: {  	p0 =	seq.s32 s10, $0x1;
	s10 =	sld [smem:$0x3FAF];
	_ =	sdelay $0x3  }
0x34: {  	[smem:$0x3FAF] =	sst s10  }
0x35: {  	s10 =	sld [smem:$0x3FAE];
	_ =	sdelay $0x3  }
0x36: {  	p1 =	seq.s32 s10, $0x1;
	s10 =	sld [smem:$0x3FAF];
	_ =	sdelay $0x3  }
0x37: {  	[smem:$0x3FAF] =	sst s10  }
0x38: {  	s10 =	sld [smem:$0x3FB0]  }
0x39: {  	_ = 	snop;
	(pc) =	sbr.ind lr, $3  }
0x3a: {  	_ = 	snop  }
0x3b: {  	_ = 	snop  }
0x3c: {  	p2 =	seq.s32 s10, $0x1;
	s10 =	sld [smem:$0x3FAF]  }
0x3d: {  	_ =	shalt  }
0x3e: {  	_ =	shalt  }
0x3f: {  	_ =	shalt  }
0x40: {  	_ =	shalt  }
0x41: {  	_ =	shalt  }
0x42: {  	_ =	shalt  }
0x43: {  	_ =	shalt  }
0x44: {  	_ =	shalt  }
0x45: {  	_ =	shalt  }
0x46: {  	_ =	shalt  }
0x47: {  	_ =	shalt  }
0x48: {  	_ =	shalt  }
0x49: {  	_ =	shalt  }
0x4a: {  	_ =	shalt  }
0x4b: {  	_ =	shalt  }
0x4c: {  	_ =	shalt  }
0x4d: {  	_ =	shalt  }
0x4e: {  	_ =	shalt  }
0x4f: {  	_ =	shalt  }
0x50: {  	_ =	shalt  }
0x51: {  	_ =	shalt  }
0x52: {  	_ =	shalt  }
0x53: {  	_ =	shalt  }
0x54: {  	_ =	shalt  }
0x55: {  	_ =	shalt  }
0x56: {  	_ =	shalt  }
0x57: {  	_ =	shalt  }
0x58: {  	_ =	shalt  }
0x59: {  	_ =	shalt  }
0x5a: {  	_ =	shalt  }
0x5b: {  	_ =	shalt  }
0x5c: {  	_ =	shalt  }
0x5d: {  	_ =	shalt  }
0x5e: {  	_ =	shalt  }
0x5f: {  	_ =	shalt  }
0x60: {  	_ =	shalt  }
0x61: {  	_ =	shalt  }
0x62: {  	_ =	shalt  }
0x63: {  	_ =	shalt  }
0x64: {  	_ =	shalt  }
0x65: {  	_ =	shalt  }
0x66: {  	_ =	shalt  }
0x67: {  	_ =	shalt  }
0x68: {  	_ =	shalt  }
0x69: {  	_ =	shalt  }
0x6a: {  	_ =	shalt  }
0x6b: {  	_ =	shalt  }
0x6c: {  	_ =	shalt  }
0x6d: {  	_ =	shalt  }
0x6e: {  	_ =	shalt  }
0x6f: {  	_ =	shalt  }
0x70: {  	_ =	shalt  }
0x71: {  	_ =	shalt  }
0x72: {  	_ =	shalt  }
0x73: {  	_ =	shalt  }
0x74: {  	_ =	shalt  }
0x75: {  	_ =	shalt  }
0x76: {  	_ =	shalt  }
0x77: {  	_ =	shalt  }
0x78: {  	_ =	shalt  }
0x79: {  	_ =	shalt  }
0x7a: {  	_ =	shalt  }
0x7b: {  	_ =	shalt  }
0x7c: {  	_ =	shalt  }
0x7d: {  	_ =	shalt  }
0x7e: {  	_ =	shalt  }
0x7f: {  	_ =	shalt  }
0x80: {  	_ =	shalt  }
0x81: {  	_ =	shalt  }
0x82: {  	_ =	shalt  }
0x83: {  	_ =	shalt  }
0x84: {  	_ =	shalt  }
0x85: {  	_ =	shalt  }
0x86: {  	_ =	shalt  }
0x87: {  	_ =	shalt  }
.Lfunc_end0:
.L_simem_size_0:
called_computation.3_lowered:
.L_overlay_start_0:
0x88: {  	s2 =	sld [smem:$0x3FD9]  }
0x89: {  	s3 =	sld [smem:$0x3FFE];
	_ =	sdelay $0x1  }
0x8a: {  	s1 =	srdreg.scid  }
0x8b: {  	s0 =	sand.u32 $0x1, s1  }
0x8c: {  	s14 =	sshll.u32 s0, $0xA;
	s2 =	sadd.s32 s3, s2  }
0x8d: {  	s2 =	sadd.s32 s2, s14  }
0x8e: {  	[smem:$0x3FBB] =	sst s2  }
0x8f: {  	_ = 	snop  }
0x90: {  	s2 =	sld [smem:$0x3FD0];
	_ =	sdelay $0x2  }
0x91: {  	s4 =	simm.s32 $0xC;
	s5 =	simm.s32 $0x10;
	s15 =	sld [smem:$0x3FC7]  }
0x92: {  	[smem:s5], [sflag:s4] =	dma.local [hbm:s2], $0x1  }
0x93: {  	_ =	swait.eq [sflag:s4], $0x1  }
0x94: {  	[sflag:s4] =	ssyncset.done $0x0  }
0x95: {  	[sflag:s4] =	ssyncadd.s32 $0xFFFFFFFF  }
0x96: {  	s16 =	sld [smem:$0x10];
	(tm) =	ssettm $0x1  }
0x97: {  	s17 =	sld [smem:$0x3FFB];
	_ =	sdelay $0x3  }
0x98: {  	_ =	strace s17  }
0x99: {  	s4 =	sld [smem:$0x3FFC];
	_ =	sdelay $0x3  }
0x9a: {  	_ =	strace s4  }
0x9b: {  	s4 =	sld [smem:$0x3FFD];
	_ =	sdelay $0x3  }
0x9c: {  	_ =	strace s4  }
0x9d: {  	_ =	strace $0x8FFFFFFF  }
0x9e: {  	s18 =	sld [smem:$0x3FDB];
	_ =	sdelay $0x1  }
0x9f: {  	s19 =	simm.s32 $_scs_section_size  }
0xa0: {  	s6 =	simm.s32 $_size__tile_overlayer_lowered;
	s7 =	simm.s32 $_tile_overlayer_lowered  }
0xa1: {  	s22 =	simm.s32 $0x1BFF;
	s21 =	sshll.u32 s7, $0x1;
	s4 =	sadd.s32 s19, s18  }
0xa2: {  	s8 =	simm.s32 $0x0;
	s20 =	sshll.u32 s6, $0x1;
	s6 =	sadd.s32 s21, s4  }
0xa3: {  	[timem:s8], [sflag:s22] =	dma.local [hbm:s6], s20  }
0xa4: {  	_ =	swait.ge [sflag:s22], s20  }
0xa5: {  	s5 =	ssub.s32 $0x0, s20;
	[sflag:s22] =	ssyncset.done $0x0  }
0xa6: {  	[sflag:s22] =	ssyncadd.s32 s5;
	_ =	sdelay $0x1  }
0xa7: {  	s23 =	simm.s32 $0x1B8B  }
0xa8: {  	_ =	swait.ge [sflag:s23], $0x1  }
0xa9: {  	[sflag:s23] =	ssyncset.done $0x0  }
0xaa: {  	s25 =	simm.s32 $0x1B8E;
	s24 =	sld [smem:$0x3FFE];
	[sflag:s23] =	ssyncadd.s32 $0xFFFFFFFF  }
0xab: {  	s26 =	simm.s32 $execute0_lowered;
	[smem:$0x3FD2] =	sst s25  }
0xac: {  	s6 =	sshll.u32 s26, $0x1;
	_ =	strace $0x8000004F;
	[dreg:$0x1] =	wrdreg $0xFFFFFFFF  }
0xad: {  	s28 =	simm.s32 $_size_execute0_lowered;
	s4 =	sadd.s32 s4, s6;
	[dreg:$0x0] =	wrdreg $0x0  }
0xae: {  	s6 =	sshll.u32 s28, $0x1;
	[dreg:$0x2] =	wrdreg s4  }
0xaf: {  	[dreg:$0x3] =	wrdreg s6  }
0xb0: {  	[dreg:$0x4] =	wrdreg $0xC0  }
0xb1: {  	_ =	task [dreg:s8], $0x5FFFF  }
0xb2: {  	[dreg:$0x1] =	wrdreg $0xFFFFFFFF  }
0xb3: {  	[dreg:$0x0] =	wrdreg $0x60  }
0xb4: {  	[dreg:$0x2] =	wrdreg s16  }
0xb5: {  	[dreg:$0x3] =	wrdreg s15  }
0xb6: {  	[dreg:$0x4] =	wrdreg s24  }
0xb7: {  	[dreg:$0x5] =	wrdreg $0x9  }
0xb8: {  	_ =	task.clear_ibuf [dreg:s8], $0x6FFFF;
	_ =	strace $0x9000004F  }
0xb9: {  	s29 =	simm.s32 $0x9;
	_ =	strace $0x80000051  }
0xba: {  	_ =	swait.ge [sflag:s29], $0x1  }
0xbb: {  	[sflag:s29] =	ssyncadd.s32 $0xFFFFFFFF  }
0xbc: {  	_ =	strace $0x90000051  }
0xbd: {  	_ =	sfence  }
0xbe: {  	s30 =	sld [smem:$0x0];
	_ =	sdelay $0x2  }
0xbf: {  	s31 =	sshll.u32 s1, $0xD;
	s1 =	sshrl.u32 s1, $0x2  }
0xc0: {  	s3 =	sand.u32 $0x4000, s31;
	s1 =	sadd.s32 s1, s30  }
0xc1: {  	s0 =	sor.u32 s3, s0;
	s1 =	sshll.u32 s1, $0x11  }
0xc2: {  	s0 =	sor.u32 s1, s0  }
0xc3: {  	s0 =	sadd.s32 $0x8F2B, s0  }
0xc4: {  	[sflag:s0] =	ssyncadd.remote.s32 $0x1  }
0xc5: {  	_ =	sfence.sel $0xFFFF  }
0xc6: {  	[dreg:$0x0] =	wrdreg $0xFFFFFFFF;
	(pc) =	sbr.abs _section_cstart, $3  }
0xc7: {  	[dreg:$0x1] =	wrdreg $0xFFFFFFFF  }
0xc8: {  	_ =	task.clear_ibuf [dreg:s8], $0x2FFFF;
	_ =	strace $0x9FFFFFFF  }
0xc9: {  	(tm) =	ssettm $0x7FFFFFFF  }
tec
execute0_lowered:
.L_overlay_start_1:
0x0: {  	(tag) =	ssettag $0x1  }
0x1: {  	s2 =	rddreg [dreg:$0x0]  }
0x2: {  	s6 =	rddreg [dreg:$0x1]  }
0x3: {  	s4 =	rddreg [dreg:$0x2]  }
0x4: {  	s0 =	rddreg [dreg:$0x3];
	s1 =	stileid.u32  }
0x5: {  	s7 =	srdreg.scid;
	s5 =	smul.u32 $0x50000, s1  }
0x6: {  	s3 =	simm.s32 $0x0;
	s7 =	sand.u32 $0x1, s7;
	s8 =	smul.u32 $0x5000, s1  }
0x7: {  	[smem:$0x7FF] =	sst s3;
	s9 =	ssub.s32 $0x2, s7;
	s10 =	smul.u32 $0x2800, s7  }
0x8: {  	s7 =	smul.u32 $0x28000, s7;
	_ =	strace $0x80000050;
	s30 =	sshrl.u32 s9, $0x1  }
0x9: {  	s5 =	sadd.s32 s5, s4;
	s4 =	ssub.s32 s9, s30;
	s8 =	sadd.s32 s10, s8  }
0xa: {  	s5 =	sadd.s32 s7, s5;
	s7 =	simm.s32 $0x2;
	s9 =	simm.s32 $0x1  }
0xb: {  	s10 =	simm.s32 $0x0;
	s4 =	smax.u32 s4, $0x1;
	s31 =	sshrl.u32 s8, $0x3  }
0xc: {  	s5 =	sadd.s32 $0x555A00, s5;
	s8 =	simm.s32 $0x100;
	s6 =	sadd.s32 s31, s6  }
.LBB2_1:
0xd: {  	s11 =	sadd.s32 $0x0, s6  }
0xe: {  	[tilespmem:s3], [sflag:$0x2] =	stream.linear.gather [hbm4b:s11+s3], $0x100, $0x38;
	[tilespmem:$0x8100] =	vst v63  }
0xf: {  	_ =	swait.ge [sflag:s7], $0x100  }
0x10: {  	[sflag:s7] =	ssyncset.done $0x0  }
0x11: {  	[sflag:s7] =	ssyncadd.s32 $0xFFFFFF00  }
0x12: {  	[tilespmem:s8], [sflag:$0x1] =	stream.indirect.gather [hbm4b:s2+s8], $0x80, s3, s8, $0xb8;
	[tilespmem:$0x8100] =	vst v63  }
0x13: {  	_ =	swait.ge [sflag:s9], $0x8000  }
0x14: {  	[sflag:s9] =	ssyncset.done $0x0  }
0x15: {  	[sflag:s9] =	ssyncadd.s32 $0xFFFF8000  }
0x16: {  	[hbm4b:s5+s3] =	stream.linear.scatter [tilespmem:s8], [sflag:$0x2], $0x8000, $0x38;
	[tilespmem:$0x8100] =	vst v63  }
0x17: {  	s12 =	simm.s32 $0x20;
	_ =	swait.ge [sflag:s7], $0x8000  }
0x18: {  	s13 =	simm.s32 $0x40;
	s11 =	sadd.s32 $0x1000, s5;
	[sflag:s7] =	ssyncset.done $0x0  }
.LBB2_2:
0x19: {  	s14 =	sadd.s32 s12, s6  }
0x1a: {  	[sflag:s7] =	ssyncadd.s32 $0xFFFF8000;
	s12 =	smov.u32 s13;
	s15 =	sadd.s32 $0x20, s13  }
0x1b: {  	[tilespmem:s3], [sflag:$0x2] =	stream.linear.gather [hbm4b:s14+s3], $0x100, $0x38;
	[tilespmem:$0x8100] =	vst v63  }
0x1c: {  	p0 =	sne.s32 s13, $0x4E0;
	_ =	swait.ge [sflag:s7], $0x100  }
0x1d: {  	[sflag:s7] =	ssyncset.done $0x0  }
0x1e: {  	[sflag:s7] =	ssyncadd.s32 $0xFFFFFF00  }
0x1f: {  	[tilespmem:s8], [sflag:$0x1] =	stream.indirect.gather [hbm4b:s2+s8], $0x80, s3, s8, $0xb8;
	[tilespmem:$0x8100] =	vst v63  }
0x20: {  	_ =	swait.ge [sflag:s9], $0x8000  }
.Ltmp0:
0x21: {  	[sflag:s9] =	ssyncset.done $0x0;
	(pc) =	sbr.rel @p0 .LBB2_2-.Ltmp0, $4  }
0x22: {  	[sflag:s9] =	ssyncadd.s32 $0xFFFF8000  }
0x23: {  	[hbm4b:s11+s3] =	stream.linear.scatter [tilespmem:s8], [sflag:$0x2], $0x8000, $0x38;
	[tilespmem:$0x8100] =	vst v63  }
0x24: {  	_ =	swait.ge [sflag:s7], $0x8000  }
0x25: {  	s13 =	smov.u32 s15;
	s11 =	sadd.s32 $0x1000, s11;
	[sflag:s7] =	ssyncset.done $0x0  }
0x26: {  	s12 =	sadd.s32 s12, s6;
	[sflag:s7] =	ssyncadd.s32 $0xFFFF8000  }
0x27: {  	[tilespmem:s3], [sflag:$0x2] =	stream.linear.gather [hbm4b:s12+s3], $0x100, $0x38;
	[tilespmem:$0x8100] =	vst v63  }
0x28: {  	_ =	swait.ge [sflag:s7], $0x100  }
0x29: {  	[sflag:s7] =	ssyncset.done $0x0  }
0x2a: {  	[sflag:s7] =	ssyncadd.s32 $0xFFFFFF00  }
0x2b: {  	[tilespmem:s8], [sflag:$0x1] =	stream.indirect.gather [hbm4b:s2+s8], $0x80, s3, s8, $0xb8;
	[tilespmem:$0x8100] =	vst v63  }
0x2c: {  	s10 =	sadd.s32 $0x1, s10;
	_ =	swait.ge [sflag:s9], $0x8000  }
0x2d: {  	p0 =	sne.s32 s10, s4;
	[sflag:s9] =	ssyncset.done $0x0  }
.Ltmp1:
0x2e: {  	[sflag:s9] =	ssyncadd.s32 $0xFFFF8000;
	(pc) =	sbr.rel @p0 .LBB2_1-.Ltmp1, $4  }
0x2f: {  	[hbm4b:s11+s3] =	stream.linear.scatter [tilespmem:s8], [sflag:$0x2], $0x8000, $0x38;
	[tilespmem:$0x8100] =	vst v63  }
0x30: {  	_ =	swait.ge [sflag:s7], $0x8000  }
0x31: {  	[sflag:s7] =	ssyncset.done $0x0  }
0x32: {  	[sflag:s7] =	ssyncadd.s32 $0xFFFF8000  }
0x33: {  	_ =	sfence.sel $0x180000  }
0x34: {  	[bflag:$0x0] =	sbarrier.arrive $0xFFFF  }
0x35: {  	p0 =	sne.s32 s1, $0x0;
	_ =	strace $0x90000050  }
0x36: {  	s0 =	sadd.s32 @!p0 $0x100000, s0;
	[bflag:$0x2] =	sbarrier.arrive $0xFFFF  }
0x37: {  	[sflag:s0] =	ssyncadd.tile.s32 @!p0 $0x1;
	_ =	shalt  }
.Lfunc_end2:
_tile_overlayer_lowered:
.L_overlay_start_2:
0x38: {  	(tag) =	ssettag $0x2  }
0x39: {  	s0 =	rddreg [dreg:$0x0];
	s2 =	stileid.u32  }
0x3a: {  	s1 =	rddreg [dreg:$0x1];
	p0 =	sne.s32 s2, $0x0  }
0x3b: {  	s3 =	rddreg [dreg:$0x2];
	[bflag:$0x3] =	sbarrier.arrive $0xFFFF;
	s2 =	simm.s32 @!p0 $0x1C02  }
0x3c: {  	[timem:s3], [sflag:s2] =	dma.local @!p0 [hbm:s0], s1  }
0x3d: {  	s0 =	simm.s32 @!p0 $0x2  }
0x3e: {  	_ =	swait.ge @!p0 [sflag:s0], s1  }
0x3f: {  	s1 =	ssub.s32 @!p0 $0x0, s1;
	[sflag:s0] =	ssyncset.done @!p0 $0x0  }
0x40: {  	[sflag:s0] =	ssyncadd.s32 @!p0 s1  }
0x41: {  	[bflag:$0x3] =	sbarrier.arrive $0xFFFF  }
0x42: {  	_ =	shalt  }

// kernel: scatter_offload_async_start.1
scs
__scs_entry_jumppad:
0x0: {  	(pc) =	sbr.rel $0x88, $3  }
0x1: {  	(tag) =	ssettag $0x0;
	lr =	simm.s32 $0x1  }
0x2: {  	[smem:$0x3F94] =	sst lr;
	_ =	strace $0xD0000000  }
0x3: {  	_ = 	snop  }
0x4: {  	_ = 	snop  }
0x5: {  	_ = 	snop  }
0x6: {  	_ = 	snop  }
0x7: {  	_ = 	snop  }
__scs_overlays_trampoline_lowered:
0x8: {  	[smem:$0x3FA3] =	sst s0  }
0x9: {  	[smem:$0x3FA4] =	sst s1  }
0xa: {  	[smem:$0x3FA5] =	sst s2  }
0xb: {  	[smem:$0x3FA6] =	sst s3  }
0xc: {  	[smem:$0x3FA7] =	sst s4  }
0xd: {  	[smem:$0x3FA8] =	sst s5  }
0xe: {  	[smem:$0x3FA9] =	sst s6  }
0xf: {  	[smem:$0x3FAA] =	sst s7  }
0x10: {  	[smem:$0x3FAB] =	sst s8  }
0x11: {  	[smem:$0x3FAC] =	sst s9;
	s0 =	simm.s32 @!p0 $0x0  }
0x12: {  	s1 =	sld [smem:$0x3F92];
	s0 =	simm.s32 @p0 $0x1  }
0x13: {  	[smem:$0x3FAD] =	sst s0;
	s0 =	simm.s32 @!p1 $0x0  }
0x14: {  	s2 =	sld [smem:$0x3F91];
	s0 =	simm.s32 @p1 $0x1  }
0x15: {  	[smem:$0x3FAE] =	sst s0;
	s0 =	simm.s32 @!p2 $0x0  }
0x16: {  	s3 =	sld [smem:$0x3FDB];
	s0 =	simm.s32 @p2 $0x1  }
0x17: {  	s4 =	simm.s32 $0x1BF5;
	[smem:$0x3FB0] =	sst s0  }
0x18: {  	s0 =	sld [smem:$0x3F93];
	_ =	swait.ge [sflag:s4], $0x0  }
0x19: {  	s7 =	sld [smem:$0x3F94]  }
0x1a: {  	s8 =	sadd.s32 $0xFFFFE003, lr  }
0x1b: {  	s9 =	sadd.s32 $0xFFFFFEF7, lr;
	s5 =	simm.s32 $0xFFFFFFFF;
	p2 =	slt.u32 s8, $0xFFFFF086  }
0x1c: {  	p1 =	slt.u32 s9, $0xF7A;
	s5 =	simm.s32 @!p2 $0x0  }
0x1d: {  	s5 =	simm.s32 @p1 $0x1;
	p0 =	seq.s32 s7, s2  }
0x1e: {  	s7 =	smul.u32 @!p0 $0xF7A, s2;
	p2 =	seq.s32 @!p0 s5, $0x0  }
0x1f: {  	s9 =	smul.u32 $0xF7A, s1;
	s8 =	simm.s32 @!p0 $0x1BF5;
	p2 =	por !p2, p0  }
0x20: {  	[sflag:s8] =	ssyncset.s32 @!p0 $0xFFFFF086;
	s6 =	sadd.s32 @!p0 s3, s7;
	s7 =	simm.s32 @!p0 $0x108  }
0x21: {  	s3 =	sadd.s32 s3, s9;
	s6 =	sadd.s32 @!p0 $0x88, s6;
	s7 =	simm.s32 @p2 $0x1082  }
0x22: {  	[simem:s7], [sflag:s8] =	dma.local @!p0 [hbm:s6], $0xF7A  }
0x23: {  	s9 =	sor.u32 $0xD0000000, s2;
	s6 =	simm.s32 $0x108;
	_ =	swait.ge @!p0 [sflag:s8], $0x0  }
0x24: {  	s3 =	sadd.s32 $0x88, s3;
	s6 =	simm.s32 @!p1 $0x1082;
	[sflag:s4] =	ssyncset.s32 $0xFFFFF086  }
0x25: {  	[simem:s6], [sflag:s4] =	dma.local [hbm:s3], $0xF7A  }
0x26: {  	[smem:$0x3F94] =	sst s1;
	(tag) =	ssettag s2;
	_ =	strace s9  }
0x27: {  	s1 =	sld [smem:$0x3FA4]  }
0x28: {  	s2 =	sld [smem:$0x3FA5]  }
0x29: {  	s4 =	sld [smem:$0x3FA7]  }
0x2a: {  	p0 =	seq.s32 s5, $0x0;
	s5 =	sld [smem:$0x3FA8]  }
0x2b: {  	s6 =	sld [smem:$0x3FA9]  }
0x2c: {  	s7 =	sld [smem:$0x3FAA]  }
0x2d: {  	s3 =	simm.s32 $0x108;
	s8 =	sld [smem:$0x3FAB]  }
0x2e: {  	s3 =	simm.s32 @!p0 $0x1082;
	s9 =	sld [smem:$0x3FAC]  }
0x2f: {  	lr =	sadd.s32 s0, s3;
	s0 =	sld [smem:$0x3FA3]  }
0x30: {  	s3 =	sld [smem:$0x3FA6]  }
0x31: {  	[smem:$0x3FAF] =	sst s10  }
0x32: {  	s10 =	sld [smem:$0x3FAD];
	_ =	sdelay $0x3  }
0x33: {  	p0 =	seq.s32 s10, $0x1;
	s10 =	sld [smem:$0x3FAF];
	_ =	sdelay $0x3  }
0x34: {  	[smem:$0x3FAF] =	sst s10  }
0x35: {  	s10 =	sld [smem:$0x3FAE];
	_ =	sdelay $0x3  }
0x36: {  	p1 =	seq.s32 s10, $0x1;
	s10 =	sld [smem:$0x3FAF];
	_ =	sdelay $0x3  }
0x37: {  	[smem:$0x3FAF] =	sst s10  }
0x38: {  	s10 =	sld [smem:$0x3FB0]  }
0x39: {  	_ = 	snop;
	(pc) =	sbr.ind lr, $3  }
0x3a: {  	_ = 	snop  }
0x3b: {  	_ = 	snop  }
0x3c: {  	p2 =	seq.s32 s10, $0x1;
	s10 =	sld [smem:$0x3FAF]  }
0x3d: {  	_ =	shalt  }
0x3e: {  	_ =	shalt  }
0x3f: {  	_ =	shalt  }
0x40: {  	_ =	shalt  }
0x41: {  	_ =	shalt  }
0x42: {  	_ =	shalt  }
0x43: {  	_ =	shalt  }
0x44: {  	_ =	shalt  }
0x45: {  	_ =	shalt  }
0x46: {  	_ =	shalt  }
0x47: {  	_ =	shalt  }
0x48: {  	_ =	shalt  }
0x49: {  	_ =	shalt  }
0x4a: {  	_ =	shalt  }
0x4b: {  	_ =	shalt  }
0x4c: {  	_ =	shalt  }
0x4d: {  	_ =	shalt  }
0x4e: {  	_ =	shalt  }
0x4f: {  	_ =	shalt  }
0x50: {  	_ =	shalt  }
0x51: {  	_ =	shalt  }
0x52: {  	_ =	shalt  }
0x53: {  	_ =	shalt  }
0x54: {  	_ =	shalt  }
0x55: {  	_ =	shalt  }
0x56: {  	_ =	shalt  }
0x57: {  	_ =	shalt  }
0x58: {  	_ =	shalt  }
0x59: {  	_ =	shalt  }
0x5a: {  	_ =	shalt  }
0x5b: {  	_ =	shalt  }
0x5c: {  	_ =	shalt  }
0x5d: {  	_ =	shalt  }
0x5e: {  	_ =	shalt  }
0x5f: {  	_ =	shalt  }
0x60: {  	_ =	shalt  }
0x61: {  	_ =	shalt  }
0x62: {  	_ =	shalt  }
0x63: {  	_ =	shalt  }
0x64: {  	_ =	shalt  }
0x65: {  	_ =	shalt  }
0x66: {  	_ =	shalt  }
0x67: {  	_ =	shalt  }
0x68: {  	_ =	shalt  }
0x69: {  	_ =	shalt  }
0x6a: {  	_ =	shalt  }
0x6b: {  	_ =	shalt  }
0x6c: {  	_ =	shalt  }
0x6d: {  	_ =	shalt  }
0x6e: {  	_ =	shalt  }
0x6f: {  	_ =	shalt  }
0x70: {  	_ =	shalt  }
0x71: {  	_ =	shalt  }
0x72: {  	_ =	shalt  }
0x73: {  	_ =	shalt  }
0x74: {  	_ =	shalt  }
0x75: {  	_ =	shalt  }
0x76: {  	_ =	shalt  }
0x77: {  	_ =	shalt  }
0x78: {  	_ =	shalt  }
0x79: {  	_ =	shalt  }
0x7a: {  	_ =	shalt  }
0x7b: {  	_ =	shalt  }
0x7c: {  	_ =	shalt  }
0x7d: {  	_ =	shalt  }
0x7e: {  	_ =	shalt  }
0x7f: {  	_ =	shalt  }
0x80: {  	_ =	shalt  }
0x81: {  	_ =	shalt  }
0x82: {  	_ =	shalt  }
0x83: {  	_ =	shalt  }
0x84: {  	_ =	shalt  }
0x85: {  	_ =	shalt  }
0x86: {  	_ =	shalt  }
0x87: {  	_ =	shalt  }
.Lfunc_end0:
.L_simem_size_0:
called_computation.1_lowered:
.L_overlay_start_0:
0x88: {  	s0 =	sld [smem:$0x3FD9]  }
0x89: {  	s1 =	sld [smem:$0x3FFE];
	_ =	sdelay $0x3  }
0x8a: {  	s0 =	sadd.s32 s1, s0  }
0x8b: {  	[smem:$0x3FBB] =	sst s0  }
0x8c: {  	_ = 	snop  }
0x8d: {  	s0 =	sld [smem:$0x3FD0];
	_ =	sdelay $0x2  }
0x8e: {  	s12 =	simm.s32 $0xC;
	s2 =	simm.s32 $0x10  }
0x8f: {  	[smem:s2], [sflag:s12] =	dma.local [hbm:s0], $0x1  }
0x90: {  	_ =	swait.eq [sflag:s12], $0x1  }
0x91: {  	[sflag:s12] =	ssyncset.done $0x0  }
0x92: {  	[sflag:s12] =	ssyncadd.s32 $0xFFFFFFFF  }
0x93: {  	s13 =	sld [smem:$0x12];
	(tm) =	ssettm $0x1  }
0x94: {  	s14 =	sld [smem:$0x3FFB];
	_ =	sdelay $0x3  }
0x95: {  	_ =	strace s14  }
0x96: {  	s0 =	sld [smem:$0x3FFC];
	_ =	sdelay $0x3  }
0x97: {  	_ =	strace s0  }
0x98: {  	s0 =	sld [smem:$0x3FFD];
	_ =	sdelay $0x3  }
0x99: {  	_ =	strace s0  }
0x9a: {  	_ =	strace $0x8FFFFFFF  }
0x9b: {  	s15 =	sld [smem:$0x3FDB];
	_ =	sdelay $0x1  }
0x9c: {  	s16 =	simm.s32 $_scs_section_size  }
0x9d: {  	s3 =	simm.s32 $_size__tile_overlayer_lowered;
	s4 =	simm.s32 $_tile_overlayer_lowered  }
0x9e: {  	s5 =	simm.s32 $0x1BFF;
	s17 =	sshll.u32 s4, $0x1;
	s2 =	sadd.s32 s16, s15  }
0x9f: {  	s18 =	simm.s32 $0x0;
	s3 =	sshll.u32 s3, $0x1;
	s4 =	sadd.s32 s17, s2  }
0xa0: {  	[timem:s18], [sflag:s5] =	dma.local [hbm:s4], s3  }
0xa1: {  	_ =	swait.ge [sflag:s5], s3  }
0xa2: {  	s3 =	ssub.s32 $0x0, s3;
	[sflag:s5] =	ssyncset.done $0x0  }
0xa3: {  	[sflag:s5] =	ssyncadd.s32 s3;
	_ =	sdelay $0x1  }
0xa4: {  	s19 =	simm.s32 $0x1B8B  }
0xa5: {  	_ =	swait.ge [sflag:s19], $0x1  }
0xa6: {  	[sflag:s19] =	ssyncset.done $0x0  }
0xa7: {  	s21 =	simm.s32 $0x1B8E;
	s20 =	sld [smem:$0x3FFE];
	[sflag:s19] =	ssyncadd.s32 $0xFFFFFFFF  }
0xa8: {  	s22 =	simm.s32 $execute0_lowered;
	[smem:$0x3FD2] =	sst s21  }
0xa9: {  	s4 =	sshll.u32 s22, $0x1;
	_ =	strace $0x80000046;
	[dreg:$0x1] =	wrdreg $0xFFFFFFFF  }
0xaa: {  	s23 =	simm.s32 $_size_execute0_lowered;
	s4 =	sadd.s32 s2, s4;
	[dreg:$0x0] =	wrdreg $0x0  }
0xab: {  	s5 =	sshll.u32 s23, $0x1;
	[dreg:$0x2] =	wrdreg s4  }
0xac: {  	[dreg:$0x3] =	wrdreg s5  }
0xad: {  	[dreg:$0x4] =	wrdreg $0xC0  }
0xae: {  	s24 =	simm.s32 $execute1_lowered;
	_ =	task [dreg:s18], $0x5FFFF  }
0xaf: {  	s4 =	sshll.u32 s24, $0x1;
	[dreg:$0x1] =	wrdreg $0xFFFFFFFF  }
0xb0: {  	s2 =	sadd.s32 s2, s4;
	[dreg:$0x0] =	wrdreg $0x60  }
0xb1: {  	[dreg:$0x2] =	wrdreg s2  }
0xb2: {  	[dreg:$0x3] =	wrdreg s13  }
0xb3: {  	[dreg:$0x4] =	wrdreg s20  }
0xb4: {  	[dreg:$0x5] =	wrdreg $0xA  }
0xb5: {  	_ =	task.clear_ibuf [dreg:s18], $0x6FFFF;
	_ =	strace $0x90000046  }
0xb6: {  	s25 =	simm.s32 $0xA;
	_ =	strace $0x80000048  }
0xb7: {  	_ =	swait.ge [sflag:s25], $0x1  }
0xb8: {  	[sflag:s25] =	ssyncadd.s32 $0xFFFFFFFF  }
0xb9: {  	_ =	strace $0x90000048  }
0xba: {  	_ =	strace $0x80000049;
	[dreg:$0x1] =	wrdreg $0xFFFFFFFF  }
0xbb: {  	[dreg:$0x0] =	wrdreg $0x2030  }
0xbc: {  	[dreg:$0x2] =	wrdreg s20  }
0xbd: {  	[dreg:$0x3] =	wrdreg $0xB  }
0xbe: {  	_ =	task.clear_ibuf [dreg:s18], $0x4FFFF;
	_ =	strace $0x90000049  }
0xbf: {  	s26 =	simm.s32 $0xB;
	_ =	strace $0x8000004B  }
0xc0: {  	_ =	swait.ge [sflag:s26], $0x1  }
0xc1: {  	[sflag:s26] =	ssyncadd.s32 $0xFFFFFFFF  }
0xc2: {  	_ =	strace $0x9000004B  }
0xc3: {  	_ =	sfence  }
0xc4: {  	s28 =	sld [smem:$0x0];
	_ =	sdelay $0x1  }
0xc5: {  	s29 =	srdreg.scid  }
0xc6: {  	s30 =	sshll.u32 s29, $0xD;
	s31 =	sshrl.u32 s29, $0x2  }
0xc7: {  	s3 =	sand.u32 $0x4000, s30;
	s2 =	sand.u32 $0x1, s29;
	s1 =	sadd.s32 s31, s28  }
0xc8: {  	s2 =	sor.u32 s3, s2;
	s1 =	sshll.u32 s1, $0x11  }
0xc9: {  	s1 =	sor.u32 s1, s2  }
0xca: {  	s1 =	sadd.s32 $0x8F2B, s1  }
0xcb: {  	[sflag:s1] =	ssyncadd.remote.s32 $0x1  }
0xcc: {  	_ =	sfence.sel $0xFFFF  }
0xcd: {  	[dreg:$0x0] =	wrdreg $0xFFFFFFFF;
	(pc) =	sbr.abs _section_cstart, $3  }
0xce: {  	[dreg:$0x1] =	wrdreg $0xFFFFFFFF  }
0xcf: {  	_ =	task.clear_ibuf [dreg:s18], $0x2FFFF;
	_ =	strace $0x9FFFFFFF  }
0xd0: {  	(tm) =	ssettm $0x7FFFFFFF  }
0xd1: {  	_ =	shalt  }
tec
execute0_lowered:
.L_overlay_start_1:
0x0: {  	(tag) =	ssettag $0x1  }
0x1: {  	s2 =	rddreg [dreg:$0x0]  }
0x2: {  	s6 =	rddreg [dreg:$0x1]  }
0x3: {  	s3 =	rddreg [dreg:$0x2]  }
0x4: {  	s0 =	rddreg [dreg:$0x3];
	s7 =	stileid.u32  }
0x5: {  	[bflag:$0x3] =	sbarrier.arrive $0xFFFF;
	s1 =	simm.s32 $_size_execute1_lowered;
	p0 =	sne.s32 s7, $0x0  }
0x6: {  	s1 =	sshll.u32 s1, $0x1;
	s4 =	simm.s32 @!p0 $0x1C3F;
	s5 =	simm.s32 @!p0 $0x4060  }
0x7: {  	[timem:s5], [sflag:s4] =	dma.local @!p0 [hbm:s2], s1  }
0x8: {  	s9 =	simm.s32 $0x2;
	s10 =	simm.s32 $0x0;
	s2 =	sshll.u32 s7, $0xA  }
0x9: {  	s3 =	sadd.s32 $0x14C00, s3;
	s4 =	simm.s32 $0x1;
	s31 =	ssub.s32 $0x4000, s2  }
.Ltmp0:
0xa: {  	s7 =	sshll.u32 s7, $0x7;
	s8 =	sand.u32 $0x3C00, s31;
	(pc) =	sbr.rel .LBB2_1-.Ltmp0, $4  }
0xb: {  	_ =	strace $0x80000047;
	p1 =	sne.s32 s8, $0x0;
	s8 =	simm.s32 $0x1  }
0xc: {  	[sflag:s4] =	ssyncpa.u1 $0x0;
	s5 =	sshrl.u32 s31, $0xE;
	s8 =	simm.s32 @!p1 $0x0  }
0xd: {  	s6 =	sadd.s32 s7, s6;
	[sflag:s9] =	ssyncpa.u1 $0x0;
	s5 =	sadd.s32 s8, s5  }
0xe: {  	s9 =	simm.s32 $0x0;
	s8 =	simm.s32 $0x0;
	s7 =	sadd.s32 $0x1, s5  }
.LBB2_5:
0xf: {  	p2 =	sne.s32 s9, s7  }
.Ltmp1:
0x10: {  	p1 =	slt.u32 s9, $0x2;
	(pc) =	sbr.rel @!p2 .LBB2_6-.Ltmp1, $4  }
0x11: {  	s10 =	simm.s32 @!p1 $0x2  }
0x12: {  	_ =	swait.ge @!p1 [sflag:s10], $0x400  }
0x13: {  	s11 =	sadd.s32 $0x1, s9;
	[sflag:s10] =	ssyncset.done @!p1 $0x0  }
0x14: {  	s9 =	smov.u32 s11;
	[sflag:s10] =	ssyncadd.s32 @!p1 $0xFFFFFC00;
	s10 =	smov.u32 s2  }
.LBB2_1:
0x15: {  	p1 =	sge.u32 s9, s5  }
0x16: {  	s11 =	sxor.u32 @!p1 $0xFFFFFFFF, s9  }
0x17: {  	s11 =	sshll.u32 @!p1 s11, $0xA  }
0x18: {  	s31 =	sadd.s32 $0xFFFFFFFF, s9;
	s12 =	simm.s32 @!p1 $0x0;
	s11 =	sand.u32 @!p1 $0x400, s11  }
0x19: {  	[tilespmem:s11], [sflag:$0x1] =	stream.linear.gather @!p1 [hbm4b:s6+s12], $0x400, $0x38;
	[tilespmem:$0x1000] =	vst v63  }
0x1a: {  	p1 =	sge.u32 s31, s5  }
.Ltmp2:
0x1b: {  	_ = 	snop;
	(pc) =	sbr.rel @p1 .LBB2_5-.Ltmp2, $1  }
0x1c: {  	_ =	sdelay $0x3  }
0x1d: {  	s11 =	sshll.u32 s9, $0xA  }
0x1e: {  	s13 =	sand.u32 $0x400, s11  }
0x1f: {  	v0 =	vmov s13  }
0x20: {  	_ =	swait.ge [sflag:s4], $0x400  }
0x21: {  	[sflag:s4] =	ssyncset.done $0x0;
	s11 =	sor.u32 $0x800, s13  }
0x22: {  	s12 =	simm.s32 $0x0;
	p1 =	por $0x1, $0x1;
	[sflag:s4] =	ssyncadd.s32 $0xFFFFFC00;
	v1 =	vmov s11  }
.LBB2_3:
0x23: {  	s13 =	sor.u32 $0x10, s12  }
0x24: {  	s14 =	sor.u32 $0x20, s12;
	v2 =	vld.idx.msk [tilespmem:v0+s13+$0x0 ss:$0x1], $0xffff  }
0x25: {  	s15 =	sor.u32 $0x30, s12;
	v3 =	vld.idx.msk [tilespmem:v0+s14+$0x0 ss:$0x1], $0xffff  }
0x26: {  	s16 =	sor.u32 $0x40, s12;
	v4 =	vld.idx.msk [tilespmem:v0+s15+$0x0 ss:$0x1], $0xffff  }
0x27: {  	s17 =	sor.u32 $0x50, s12;
	v5 =	vld.idx.msk [tilespmem:v0+s16+$0x0 ss:$0x1], $0xffff  }
0x28: {  	s18 =	sor.u32 $0x60, s12;
	v6 =	vld.idx.msk [tilespmem:v0+s17+$0x0 ss:$0x1], $0xffff  }
0x29: {  	s31 =	sor.u32 $0x70, s12;
	[tilespmem:v1+s13+$0x0 ss:$0x1] =	vst.idx.msk $0xffff, v2;
	v2 =	vld.idx.msk [tilespmem:v0+s18+$0x0 ss:$0x1], $0xffff  }
0x2a: {  	s19 =	sor.u32 $0x80, s12;
	[tilespmem:v1+s14+$0x0 ss:$0x1] =	vst.idx.msk $0xffff, v3;
	v3 =	vld.idx.msk [tilespmem:v0+s31+$0x0 ss:$0x1], $0xffff  }
0x2b: {  	s20 =	sor.u32 $0x90, s12;
	v49 =	vld.idx.msk [tilespmem:v0+s19+$0x0 ss:$0x1], $0xffff;
	[tilespmem:v1+s15+$0x0 ss:$0x1] =	vst.idx.msk $0xffff, v4  }
0x2c: {  	s21 =	sor.u32 $0xA0, s12;
	v50 =	vld.idx.msk [tilespmem:v0+s20+$0x0 ss:$0x1], $0xffff;
	[tilespmem:v1+s16+$0x0 ss:$0x1] =	vst.idx.msk $0xffff, v5  }
0x2d: {  	s22 =	sor.u32 $0xB0, s12;
	v51 =	vld.idx.msk [tilespmem:v0+s21+$0x0 ss:$0x1], $0xffff;
	[tilespmem:v1+s17+$0x0 ss:$0x1] =	vst.idx.msk $0xffff, v6  }
0x2e: {  	s23 =	sor.u32 $0xC0, s12;
	[tilespmem:v1+s18+$0x0 ss:$0x1] =	vst.idx.msk $0xffff, v2;
	v2 =	vld.idx.msk [tilespmem:v0+s22+$0x0 ss:$0x1], $0xffff  }
0x2f: {  	s24 =	sor.u32 $0xD0, s12;
	[tilespmem:v1+s31+$0x0 ss:$0x1] =	vst.idx.msk $0xffff, v3;
	v3 =	vld.idx.msk [tilespmem:v0+s23+$0x0 ss:$0x1], $0xffff  }
0x30: {  	s25 =	sor.u32 $0xE0, s12;
	v52 =	vld.idx.msk [tilespmem:v0+s24+$0x0 ss:$0x1], $0xffff;
	[tilespmem:v1+s19+$0x0 ss:$0x1] =	vst.idx.msk $0xffff, v49  }
0x31: {  	s26 =	sor.u32 $0xF0, s12;
	v53 =	vld.idx.msk [tilespmem:v0+s25+$0x0 ss:$0x1], $0xffff;
	[tilespmem:v1+s20+$0x0 ss:$0x1] =	vst.idx.msk $0xffff, v50  }
0x32: {  	s28 =	sor.u32 $0x100, s12;
	v54 =	vld.idx.msk [tilespmem:v0+s26+$0x0 ss:$0x1], $0xffff;
	[tilespmem:v1+s21+$0x0 ss:$0x1] =	vst.idx.msk $0xffff, v51  }
0x33: {  	s29 =	sor.u32 $0x110, s12;
	[tilespmem:v1+s22+$0x0 ss:$0x1] =	vst.idx.msk $0xffff, v2;
	v2 =	vld.idx.msk [tilespmem:v0+s28+$0x0 ss:$0x1], $0xffff  }
0x34: {  	s30 =	sor.u32 $0x120, s12;
	[tilespmem:v1+s23+$0x0 ss:$0x1] =	vst.idx.msk $0xffff, v3;
	v3 =	vld.idx.msk [tilespmem:v0+s29+$0x0 ss:$0x1], $0xffff  }
0x35: {  	v55 =	vld.idx.msk [tilespmem:v0+s30+$0x0 ss:$0x1], $0xffff;
	[tilespmem:v1+s24+$0x0 ss:$0x1] =	vst.idx.msk $0xffff, v52;
	s19 =	sor.u32 $0x140, s12  }
0x36: {  	[tilespmem:v1+s25+$0x0 ss:$0x1] =	vst.idx.msk $0xffff, v53;
	s24 =	sor.u32 $0x190, s12;
	v57 =	vld.idx.msk [tilespmem:v0+s19+$0x0 ss:$0x1], $0xffff  }
0x37: {  	[tilespmem:v1+s26+$0x0 ss:$0x1] =	vst.idx.msk $0xffff, v54;
	s20 =	sor.u32 $0x150, s12;
	v60 =	vld.idx.msk [tilespmem:v0+s24+$0x0 ss:$0x1], $0xffff  }
0x38: {  	s21 =	sor.u32 $0x160, s12;
	[tilespmem:v1+s28+$0x0 ss:$0x1] =	vst.idx.msk $0xffff, v2;
	v2 =	vld.idx.msk [tilespmem:v0+s20+$0x0 ss:$0x1], $0xffff  }
0x39: {  	s26 =	sor.u32 $0x1B0, s12;
	[tilespmem:v1+s29+$0x0 ss:$0x1] =	vst.idx.msk $0xffff, v3;
	v3 =	vld.idx.msk [tilespmem:v0+s21+$0x0 ss:$0x1], $0xffff  }
0x3a: {  	[tilespmem:v1+s30+$0x0 ss:$0x1] =	vst.idx.msk $0xffff, v55;
	v61 =	vld.idx.msk [tilespmem:v0+s26+$0x0 ss:$0x1], $0xffff;
	s31 =	sor.u32 $0x130, s12  }
0x3b: {  	v56 =	vld.idx.msk [tilespmem:v0+s31+$0x0 ss:$0x1], $0xffff;
	[tilespmem:v1+s19+$0x0 ss:$0x1] =	vst.idx.msk $0xffff, v57;
	s22 =	sor.u32 $0x170, s12  }
0x3c: {  	[tilespmem:v1+s24+$0x0 ss:$0x1] =	vst.idx.msk $0xffff, v60;
	v58 =	vld.idx.msk [tilespmem:v0+s22+$0x0 ss:$0x1], $0xffff  }
0x3d: {  	s25 =	sor.u32 $0x1A0, s12;
	[tilespmem:v1+s20+$0x0 ss:$0x1] =	vst.idx.msk $0xffff, v2;
	v2 =	vld.idx.msk [tilespmem:v0+s12+$0x0 ss:$0x1], $0xffff  }
0x3e: {  	s23 =	sor.u32 $0x180, s12;
	[tilespmem:v1+s21+$0x0 ss:$0x1] =	vst.idx.msk $0xffff, v3;
	v3 =	vld.idx.msk [tilespmem:v0+s25+$0x0 ss:$0x1], $0xffff  }
0x3f: {  	[tilespmem:v1+s26+$0x0 ss:$0x1] =	vst.idx.msk $0xffff, v61;
	v59 =	vld.idx.msk [tilespmem:v0+s23+$0x0 ss:$0x1], $0xffff;
	s28 =	sor.u32 $0x1C0, s12  }
0x40: {  	[tilespmem:v1+s31+$0x0 ss:$0x1] =	vst.idx.msk $0xffff, v56;
	s29 =	sor.u32 $0x1D0, s12;
	v62 =	vld.idx.msk [tilespmem:v0+s28+$0x0 ss:$0x1], $0xffff  }
0x41: {  	s30 =	sor.u32 $0x1E0, s12;
	[tilespmem:v1+s22+$0x0 ss:$0x1] =	vst.idx.msk $0xffff, v58;
	v63 =	vld.idx.msk [tilespmem:v0+s29+$0x0 ss:$0x1], $0xffff  }
0x42: {  	s31 =	sor.u32 $0x1F0, s12;
	[tilespmem:v1+s12+$0x0 ss:$0x1] =	vst.idx.msk $0xffff, v2;
	v2 =	vld.idx.msk [tilespmem:v0+s30+$0x0 ss:$0x1], $0xffff  }
0x43: {  	p2 =	por p1, p1;
	[tilespmem:v1+s25+$0x0 ss:$0x1] =	vst.idx.msk $0xffff, v3;
	v3 =	vld.idx.msk [tilespmem:v0+s31+$0x0 ss:$0x1], $0xffff  }
.Ltmp3:
0x44: {  	[tilespmem:v1+s23+$0x0 ss:$0x1] =	vst.idx.msk $0xffff, v59;
	(pc) =	sbr.rel @p2 .LBB2_3-.Ltmp3, $4  }
0x45: {  	[tilespmem:v1+s28+$0x0 ss:$0x1] =	vst.idx.msk $0xffff, v62  }
0x46: {  	[tilespmem:v1+s29+$0x0 ss:$0x1] =	vst.idx.msk $0xffff, v63  }
0x47: {  	[tilespmem:v1+s30+$0x0 ss:$0x1] =	vst.idx.msk $0xffff, v2  }
0x48: {  	p1 =	por $0x0, $0x0;
	s12 =	simm.s32 $0x200;
	[tilespmem:v1+s31+$0x0 ss:$0x1] =	vst.idx.msk $0xffff, v3  }
.Ltmp4:
0x49: {  	(pc) =	sbr.rel .LBB2_5-.Ltmp4, $4  }
0x4a: {  	_ = 	snop  }
0x4b: {  	s10 =	sshrl.u32 s10, $0x3  }
0x4c: {  	s10 =	sadd.s32 s3, s10  }
0x4d: {  	[hbm4b:s10+s8] =	stream.linear.scatter [tilespmem:s11], [sflag:$0x2], $0x400, $0x38;
	[tilespmem:$0x1000] =	vst v63  }
.LBB2_6:
0x4e: {  	_ =	sfence.sel $0x180000  }
0x4f: {  	s2 =	simm.s32 $0x1;
	[bflag:$0x0] =	sbarrier.arrive $0xFFFF  }
0x50: {  	s31 =	simm.s32 $0x2;
	[sflag:s2] =	ssyncpa.u1 $0x1  }
0x51: {  	[sflag:s31] =	ssyncpa.u1 $0x1  }
0x52: {  	_ =	strace $0x90000047  }
0x53: {  	s0 =	sadd.s32 @!p0 $0x100000, s0;
	[bflag:$0x2] =	sbarrier.arrive $0xFFFF  }
0x54: {  	[sflag:s0] =	ssyncadd.tile.s32 @!p0 $0x1;
	s0 =	simm.s32 @!p0 $0x3F  }
0x55: {  	_ =	swait.ge @!p0 [sflag:s0], s1  }
0x56: {  	s1 =	ssub.s32 @!p0 $0x0, s1;
	[sflag:s0] =	ssyncset.done @!p0 $0x0  }
0x57: {  	[sflag:s0] =	ssyncadd.s32 @!p0 s1  }
0x58: {  	[bflag:$0x3] =	sbarrier.arrive $0xFFFF  }
0x59: {  	_ =	shalt  }
.Lfunc_end2:
execute1_lowered:
.L_overlay_start_2:
0x5a: {  	(tag) =	ssettag $0x2  }
0x5b: {  	s0 =	rddreg [dreg:$0x0];
	_ =	strace $0x8000004A;
	s1 =	simm.s32 $0x1  }
0x5c: {  	v1 =	vimm.s32 $0xFFFFFFFF;
	[sflag:s1] =	ssyncpa.u1 $0x0  }
0x5d: {  	s10 =	stileid.u32;
	s2 =	simm.s32 $0x6000;
	[tilespmem:$0x10] =	vst v1  }
0x5e: {  	v0 =	vimm.f32 $0.0e+00;
	s29 =	simm.s32 $0x2;
	s7 =	simm.s32 $0x7;
	s8 =	simm.s32 $0x8;
	[tilespmem:$0x20] =	vst v1  }
0x5f: {  	s30 =	simm.s32 $0x9;
	s16 =	simm.s32 $0x0;
	s17 =	simm.s32 $0xFFFFE000;
	[tilespmem:$0x30] =	vst v0  }
0x60: {  	s18 =	simm.s32 $0xF0;
	s19 =	simm.s32 $0xFFFFFFFF;
	s20 =	simm.s32 $0xFFFFC100;
	[tilespmem:$0x40] =	vst v0  }
0x61: {  	s21 =	simm.s32 $0xFFFFFFFE;
	s28 =	smin.u32 s10, $0x8;
	s3 =	sshll.u32 s10, $0x1;
	[tilespmem:$0x50] =	vst v0  }
0x62: {  	s22 =	simm.s32 $0xF;
	p0 =	slt.u32 s10, $0x8;
	[tilespmem:$0x60] =	vst v1;
	s1 =	sadd.s32 s28, s3  }
0x63: {  	s26 =	simm.s32 $0x0;
	[tilespmem:$0x70] =	vst v1;
	s2 =	simm.s32 @!p0 $0x4000;
	s4 =	sshll.u32 s1, $0xD  }
0x64: {  	s25 =	simm.s32 $0x0;
	s6 =	sadd.s32 $0xC00, s0;
	[tilespmem:$0x80] =	vst v1;
	s2 =	sadd.s32 s2, s4  }
0x65: {  	s15 =	sshllo.u32 s10, $0x1;
	v1 =	vimm.s32 $0x0;
	[tilespmem:$0xB0] =	vst v0;
	s13 =	sor.u32 $0x80, s3;
	s5 =	smin.u32 s2, $0x50000  }
0x66: {  	s14 =	sor.u32 $0x81, s3;
	[tilespmem:$0x90] =	vst v1;
	s1 =	sadd.s32 $0x14C00, s0;
	s9 =	ssub.s32 s5, s4  }
.Ltmp5:
0x67: {  	[tilespmem:$0xA0] =	vst v1;
	[sflag:s29] =	ssyncpa.u1 $0x0;
	p0 =	sgt.s32 s9, $0x0;
	(pc) =	sbr.rel .LBB3_1-.Ltmp5, $4  }
0x68: {  	s0 =	sadd.s32 $0xAC00, s0;
	[sflag:s7] =	ssyncpa.u1 $0x0;
	s9 =	simm.s32 @!p0 $0x0  }
0x69: {  	[dreg:$0x2] =	wrdreg s0;
	[sflag:s8] =	ssyncpa.u1 $0x0;
	s9 =	sshrl.u32 s9, $0xD  }
0x6a: {  	vm0 =	vmmov $0xffff;
	v2 =	vlaneseq.u32;
	s24 =	smov.u32 s4;
	[sflag:s30] =	ssyncpa.u1 $0x0;
	s31 =	sadd.s32 $0x1, s9  }
0x6b: {  	vm1 =	vmxor vm1, vm1;
	vm2 =	vmmov $0x1;
	vm3 =	vcmask $0x3F3C;
	p0 =	por $0x0, $0x0;
	s12 =	sadd.s32 $0x2, s9;
	[dreg:$0x3] =	wrdreg s31  }
.LBB3_9:
0x6c: {  	p1 =	slt.u32 s25, $0x3  }
0x6d: {  	s0 =	simm.s32 @!p1 $0x2  }
0x6e: {  	_ =	swait.ge @!p1 [sflag:s0], $0x2000  }
0x6f: {  	[sflag:s0] =	ssyncset.done @!p1 $0x0  }
0x70: {  	[sflag:s0] =	ssyncadd.s32 @!p1 $0xFFFFE000;
	s0 =	simm.s32 @!p1 $0x9  }
0x71: {  	_ =	swait.ge @!p1 [sflag:s0], $0x10  }
0x72: {  	s2 =	sadd.s32 $0x2000, s24;
	[sflag:s0] =	ssyncset.done @!p1 $0x0  }
0x73: {  	[sflag:s0] =	ssyncadd.s32 @!p1 $0xFFFFFFF0;
	p1 =	slt.s32 s2, s5;
	s0 =	smov.u32 s4  }
0x74: {  	s0 =	smov.u32 @p1 s2;
	p1 =	sne.s32 s25, s12  }
.Ltmp6:
0x75: {  	_ = 	snop;
	(pc) =	sbr.rel @!p1 .LBB3_10-.Ltmp6, $4  }
0x76: {  	s31 =	sadd.s32 $0x1, s25  }
0x77: {  	s17 =	sadd.s32 $0x2000, s17;
	s18 =	sadd.s32 $0x2000, s18;
	s19 =	sadd.s32 $0x1, s19  }
0x78: {  	s26 =	smov.u32 s24;
	p0 =	por !p0, !p0;
	s20 =	sadd.s32 $0x2000, s20  }
0x79: {  	s21 =	sadd.s32 $0x1, s21;
	s25 =	smov.u32 s31;
	s24 =	smov.u32 s0  }
.LBB3_1:
0x7a: {  	p1 =	sge.u32 s25, s9  }
0x7b: {  	s0 =	smulhi.u32 @!p1 $0xAAAAAAAB, s25;
	_ =	sdelay $0x1  }
0x7c: {  	s0 =	sshrl.u32 @!p1 s0, $0x1  }
0x7d: {  	s0 =	smul.u32 @!p1 $0x3, s0;
	_ =	sdelay $0x1  }
0x7e: {  	s0 =	ssub.s32 @!p1 s25, s0  }
0x7f: {  	s2 =	sshrl.u32 @!p1 s24, $0x3;
	s0 =	sshll.u32 @!p1 s0, $0xD  }
0x80: {  	s10 =	sand.u32 @!p1 $0x7, s24;
	s2 =	sadd.s32 @!p1 s6, s2;
	s0 =	sor.u32 @!p1 $0x100, s0  }
0x81: {  	[tilespmem:s0], [sflag:$0x7] =	stream.linear.gather @!p1 [hbm4b:s2+s10], $0x2000, $0x38;
	[tilespmem:$0x12120] =	vst v63  }
0x82: {  	s2 =	sadd.s32 $0xFFFFFFFF, s25  }
0x83: {  	p1 =	sge.u32 s2, s9  }
.Ltmp7:
0x84: {  	_ = 	snop;
	(pc) =	sbr.rel @p1 .LBB3_5-.Ltmp7, $1  }
0x85: {  	_ =	sdelay $0x3  }
0x86: {  	s0 =	smulhi.u32 $0xAAAAAAAB, s2;
	_ =	sdelay $0x1  }
0x87: {  	s0 =	sshrl.u32 s0, $0x1  }
0x88: {  	s0 =	smul.u32 $0x3, s0;
	_ =	sdelay $0x1  }
0x89: {  	s0 =	ssub.s32 s2, s0  }
0x8a: {  	_ =	swait.ge [sflag:s7], $0x2000;
	s0 =	sshll.u32 s0, $0xD  }
0x8b: {  	[sflag:s7] =	ssyncset.done $0x0;
	s0 =	sor.u32 $0x100, s0  }
0x8c: {  	[sflag:s7] =	ssyncadd.s32 $0xFFFFE000;
	(ifvalue) =	ssetifvalue $0xFFFFFFFF;
	v3 =	vld.msk [tilespmem:s0+$0x0 ss:$0x1], $0xffff;
	_ =	sdelay $0x2  }
0x8d: {  	s29 =	smulhi.u32 $0xAAAAAAAB, s19;
	p1 =	sne.s32 s25, $0x1  }
0x8e: {  	v4 =	vimm.s32 @!p1 $0x0  }
0x8f: {  	s0 =	sshrl.u32 s29, $0x1;
	v4 =	vperm.xlane @!p1 v3, v4  }
0x90: {  	s10 =	sshll.u32 s25, $0x4;
	s0 =	smul.u32 $0xFFFE8000, s0;
	vm4 =	vlt.u32 v3, $0x4000  }
0x91: {  	s10 =	sand.u32 $0x10, s10;
	v3 =	vnsel vm4, $0xFFFFFFFE, v3;
	vm4 =	vlt.u32 @!p1 v4, $0x4000  }
0x92: {  	s0 =	sshra.s32 s0, $0x2;
	[tilespmem:s10+$0x60] =	vst v3;
	v3 =	vnsel @!p1 vm4, $0xFFFFFFFE, v4  }
0x93: {  	s28 =	sadd.s32 s0, s18;
	[tilespmem:$0x80] =	vst @!p1 v3  }
0x94: {  	v3 =	vld.msk [tilespmem:s28+$0x0 ss:$0x1], $0xffff;
	_ =	sdelay $0x4  }
0x95: {  	(xrf1) =	vunique.msk.u32 $0xffff, v3;
	_ =	sdelay $0xd  }
0x96: {  	v4 =	vimm.s32 $0xFFFFFFFF;
	v5, _, _ =	vpop (xrf1)  }
0x97: {  	vm5 =	vne.s32 v3, v4;
	vm4 =	veq.s32 v5, v2  }
0x98: {  	vm6 =	vlt.u32 v3, $0x4000;
	vm4 =	vmand vm5, vm4  }
0x99: {  	vm4 =	vmand vm6, vm4  }
0x9a: {  	v4 =	vnsel vm4, $0xFFFFFFFF, v3;
	_ =	sdelay $0x2  }
0x9b: {  	s30 =	sand.u32 $0x2000, s17  }
0x9c: {  	s31 =	sshll.u32 s2, $0xD;
	s0 =	sor.u32 $0x80F0, s30;
	(ifvalue) =	ssetifvalue $0xFFFFFFFF  }
0x9d: {  	v3 =	vperm.xlane v3, v1;
	[tilespmem:s0], [sflag:$0x8] =	stream.indirect_vreg.gather [hbm4b:s1+s16], $0x1, v4, vm0, $0x4038;
	v4 =	vnsel vm6, $0xFFFFFFFE, v4;
	[tilespmem:$0x12120] =	vst v63  }
0x9e: {  	s23 =	simm.s32 $0x0;
	s2 =	sand.u32 $0x2000, s31;
	s10 =	sadd.s32 $0xFFFFFFF0, s28;
	[tilespmem:s28+$0x0] =	vst v4  }
.LBB3_3:
0x9f: {  	v4 =	vld.msk [tilespmem:s10+$0x0 ss:$0x1], $0xffff;
	s23 =	sadd.s32 $0x10, s23;
	v5 =	vmov v3;
	s28 =	smov.u32 s10  }
0xa0: {  	p1 =	slt.u32 s23, $0x1FF0;
	_ =	sdelay $0x4  }
0xa1: {  	v3 =	vperm.xlane v4, v1;
	(xrf1) =	vunique.msk.u32 $0xffff, v4;
	_ =	sdelay $0xd  }
0xa2: {  	v6, _, _ =	vpop (xrf1)  }
0xa3: {  	vm5 =	vne.s32 v4, v5;
	vm4 =	veq.s32 v6, v2  }
0xa4: {  	vm6 =	vlt.u32 v4, $0x4000;
	vm4 =	vmand vm5, vm4  }
0xa5: {  	vm4 =	vmand vm6, vm4  }
0xa6: {  	v4 =	vnsel vm4, $0xFFFFFFFF, v4  }
.Ltmp8:
0xa7: {  	v5 =	vnsel vm6, $0xFFFFFFFE, v4;
	(pc) =	sbr.rel @p1 .LBB3_3-.Ltmp8, $3  }
0xa8: {  	_ =	sdelay $0x1  }
0xa9: {  	s10 =	sadd.s32 $0xFFFFFFF0, s10;
	s0 =	sadd.s32 $0xFFFFFFF0, s0;
	(ifvalue) =	ssetifvalue $0xFFFFFFFF  }
0xaa: {  	[tilespmem:s0], [sflag:$0x8] =	stream.indirect_vreg.gather [hbm4b:s1+s16], $0x1, v4, vm0, $0x4038;
	[tilespmem:s28+$0x0] =	vst v5  }
0xab: {  	s0 =	sshrl.u32 s26, $0x3;
	s10 =	rddreg [dreg:$0x2]  }
0xac: {  	s2 =	sadd.s32 $0xA100, s2;
	s0 =	sadd.s32 s10, s0  }
0xad: {  	[tilespmem:s2], [sflag:$0x8] =	stream.linear.gather [hbm:s0], $0x2000, $0x38;
	[tilespmem:$0x12120] =	vst v63  }
.LBB3_5:
0xae: {  	p1 =	slt.u32 s25, $0x2  }
0xaf: {  	p2 =	sge.u32 @!p1 s25, s12  }
0xb0: {  	p1 =	por p1, p2  }
.Ltmp9:
0xb1: {  	_ = 	snop;
	(pc) =	sbr.rel @p1 .LBB3_9-.Ltmp9, $1  }
0xb2: {  	_ =	sdelay $0x3  }
0xb3: {  	s0 =	sadd.s32 $0xFFFFFFFE, s25  }
0xb4: {  	s2 =	smulhi.u32 $0xAAAAAAAB, s0;
	_ =	sdelay $0x1  }
0xb5: {  	s2 =	sshrl.u32 s2, $0x1  }
0xb6: {  	s2 =	smul.u32 $0x3, s2  }
0xb7: {  	_ =	swait.ge [sflag:s8], $0x4000  }
0xb8: {  	s10 =	rddreg [dreg:$0x3];
	s0 =	ssub.s32 s0, s2  }
0xb9: {  	[sflag:s8] =	ssyncset.done $0x0;
	p1 =	sne.s32 s25, s10;
	s0 =	sshll.u32 s0, $0xD  }
0xba: {  	[sflag:s8] =	ssyncadd.s32 $0xFFFFC000;
	s2 =	sadd.s32 @!p1 $0x20FF, s0  }
0xbb: {  	[spmem:s14] =	stream.linear.scatter @!p1 [tilespmem:s2], [sflag:$0x1], $0x1, $0x38;
	[tilespmem:$0x12120] =	vst v63  }
0xbc: {  	s2 =	simm.s32 @!p1 $0x1  }
0xbd: {  	_ =	swait.ge @!p1 [sflag:s2], $0x1  }
0xbe: {  	s10 =	sshll.u32 s25, $0x4;
	[sflag:s2] =	ssyncset.done @!p1 $0x0  }
0xbf: {  	s26 =	sand.u32 $0x10, s10;
	[sflag:s2] =	ssyncadd.s32 @!p1 $0xFFFFFFFF  }
0xc0: {  	s2 =	sxor.u32 $0x10, s26;
	v4 =	vld [tilespmem:s26+$0x10]  }
0xc1: {  	v5 =	vld [tilespmem:s2+$0x60]  }
0xc2: {  	v3 =	vld [tilespmem:$0x80];
	_ =	sdelay $0x2  }
0xc3: {  	(v2sf) =	vpush v4, $0x0  }
0xc4: {  	(v2sf) =	vpush v5, $0x0  }
0xc5: {  	(v2sf) =	vpush v3, $0x0;
	_ =	sdelay $0xc  }
0xc6: {  	s11 =	spop (v2sf)  }
0xc7: {  	s23 =	spop (v2sf)  }
0xc8: {  	s29 =	spop (v2sf)  }
0xc9: {  	p2 =	seq.s32 s11, s23;
	p3 =	seq.s32 s29, s11  }
0xca: {  	p3 =	por p2, p3  }
0xcb: {  	v4 =	vpsel p3, $0xFFFFFFFF, v4  }
0xcc: {  	s23 =	sand.u32 $0x1, s25;
	[tilespmem:s26+$0x10] =	vst.msk $0x1, v4  }
0xcd: {  	s30 =	sshll.u32 s23, $0xD;
	v4 =	vld [tilespmem:$0x30]  }
0xce: {  	v5 =	vld [tilespmem:s30+$0xA100]  }
0xcf: {  	v6 =	vld [tilespmem:s26+$0x40];
	_ =	sdelay $0x3  }
0xd0: {  	vm4 =	vmmov vm1;
	v5 =	vadd.f32 v5, v4  }
0xd1: {  	vm5 =	vmmov vm2;
	vm4 =	vmmov @p2 vm2;
	s10 =	sshll.u32 s23, $0x4;
	v4 =	vadd.f32 v6, v4  }
0xd2: {  	s28 =	sor.u32 $0x12100, s10;
	vm5 =	vmmov @p3 vm1;
	[tilespmem:s30+$0xA100] =	vst.msk vm4, v5  }
0xd3: {  	[tilespmem:s28+$0x0] =	vst.msk vm5, v4  }
0xd4: {  	v4 =	vld [tilespmem:s30+$0x80F0];
	_ =	sdelay $0x3  }
0xd5: {  	v5 =	vimm.f32 $0.0e+00  }
0xd6: {  	v4 =	vshift.insert v4, v5, s22  }
0xd7: {  	s11 =	sor.u32 $0x40, s2  }
0xd8: {  	[tilespmem:s11+$0x0] =	vst.msk $0x1, v4  }
0xd9: {  	[tilespmem:s30+$0x80FF] =	vst.msk $0x1, v5  }
0xda: {  	v4 =	vld [tilespmem:s0+$0x20F0];
	_ =	sdelay $0x1  }
0xdb: {  	s23 =	smulhi.u32 $0xAAAAAAAB, s21;
	_ =	sdelay $0x1  }
0xdc: {  	s10 =	simm.s32 $0x1;
	s0 =	sshrl.u32 s23, $0x1  }
0xdd: {  	s10 =	simm.s32 @!p0 $0x0;
	s0 =	smul.u32 $0xFFFE8000, s0;
	v4 =	vshift.insert v4, v1, s22  }
0xde: {  	s10 =	sshll.u32 s10, $0xD  }
0xdf: {  	s31 =	sadd.s32 $0xA100, s10;
	s0 =	sshra.s32 s0, $0x2;
	[tilespmem:s2+$0x10] =	vst.msk $0x1, v4  }
0xe0: {  	s11 =	sadd.s32 s0, s20;
	v6 =	vld [tilespmem:s31+$0x0]  }
0xe1: {  	v7 =	vld [tilespmem:s11+$0x0];
	_ =	sdelay $0x3  }
0xe2: {  	v5 =	vadd.f32 v6, v5  }
0xe3: {  	vm4 =	vne.s32 v7, $0xFFFFFFFF  }
0xe4: {  	(xrf2) =	vadd.seg.scan.f32 vm4, v5;
	_ =	sdelay $0x3  }
0xe5: {  	s0 =	sadd.s32 $0x6100, s10;
	v5 =	vperm.xlane v4, v1  }
0xe6: {  	v6 =	vld [tilespmem:s0+$0x0]  }
0xe7: {  	vm5 =	veq.s32 v7, v3;
	vm6 =	veq.s32 v7, v5  }
0xe8: {  	vm7 =	vgt.u32 v7, $0xFFFFFFFD;
	vm6 =	vmor vm6, vm5  }
0xe9: {  	vm6 =	vmor vm6, vm7  }
0xea: {  	v9 =	vld [tilespmem:$0xA0];
	v7 =	vsel vm6, $0xFFFFFFFF, v7  }
0xeb: {  	v10 =	vld [tilespmem:$0x90];
	v6 =	vsel vm5, $0x0, v6;
	v8, _, _ =	vpop (xrf2)  }
0xec: {  	v6 =	vadd.f32 v8, v6  }
0xed: {  	s2 =	sadd.s32 $0xE100, s10  }
0xee: {  	vm4 =	vmand vm4, vm3;
	[tilespmem:s2+$0x0] =	vst v6;
	(ifvalue) =	ssetifvalue $0xFFFFFFFF  }
0xef: {  	vm6 =	veq.s32 v9, $0x1;
	[hbm4b:s1+s16] =	stream.indirect_vreg.scatter [tilespmem:s2], [sflag:$0x2], $0x1, v7, vm0, $0x4038;
	v7 =	vsel vm4, $0x0, v8;
	[tilespmem:$0x12120] =	vst v63  }
0xf0: {  	s23 =	simm.s32 $0x0;
	s10 =	sadd.s32 $0x10, s11;
	vm4 =	vmor vm6, vm5;
	v6 =	vsel vm5, v8, v10;
	v7 =	vshift.insert v7, v0, s22  }
.LBB3_7:
0xf1: {  	v8 =	vld [tilespmem:s10+$0x0];
	s31 =	sadd.s32 $0x10, s31  }
0xf2: {  	s0 =	sadd.s32 $0x10, s0;
	v9 =	vld [tilespmem:s31+$0x0]  }
0xf3: {  	s23 =	sadd.s32 $0x10, s23;
	v10 =	vld [tilespmem:s0+$0x0]  }
0xf4: {  	p2 =	slt.u32 s23, $0x1FF0;
	_ =	sdelay $0x2  }
0xf5: {  	v7 =	vadd.f32 v9, v7  }
0xf6: {  	vm5 =	vne.s32 v8, $0xFFFFFFFF  }
0xf7: {  	vm6 =	vmand vm5, vm3;
	(xrf2) =	vadd.seg.scan.f32 vm5, v7;
	_ =	sdelay $0x5  }
0xf8: {  	vm7 =	veq.s32 v8, v5;
	vm5 =	veq.s32 v8, v3  }
0xf9: {  	vm8 =	vgt.u32 v8, $0xFFFFFFFD;
	vm4 =	vmor vm4, vm5;
	vm7 =	vmor vm7, vm5  }
0xfa: {  	vm7 =	vmor vm7, vm8  }
0xfb: {  	v8 =	vsel vm7, $0xFFFFFFFF, v8  }
.Ltmp10:
0xfc: {  	v7 =	vsel vm5, $0x0, v10;
	v9, _, _ =	vpop (xrf2);
	(pc) =	sbr.rel @p2 .LBB3_7-.Ltmp10, $4  }
0xfd: {  	v6 =	vsel vm5, v9, v6;
	v10 =	vadd.f32 v9, v7;
	v7 =	vsel vm6, $0x0, v9  }
0xfe: {  	s2 =	sadd.s32 $0x10, s2;
	v7 =	vshift.insert v7, v0, s22  }
0xff: {  	s10 =	sadd.s32 $0x10, s10;
	[tilespmem:s2+$0x0] =	vst v10;
	(ifvalue) =	ssetifvalue $0xFFFFFFFF  }
0x100: {  	[hbm4b:s1+s16] =	stream.indirect_vreg.scatter [tilespmem:s2], [sflag:$0x2], $0x1, v8, vm0, $0x4038;
	[tilespmem:$0x12120] =	vst v63  }
0x101: {  	v3 =	vld [tilespmem:s30+$0x100F0];
	_ =	sdelay $0x4  }
0x102: {  	v3 =	vshift.insert v3, v0, s22  }
0x103: {  	s0 =	simm.s32 $0x30  }
0x104: {  	[tilespmem:s0+$0x0] =	vst.msk $0x1, v3  }
0x105: {  	v3 =	vsel vm4, $0x1, v1;
	[tilespmem:$0x90] =	vst v6  }
0x106: {  	s0 =	sadd.s32 @!p1 $0x100FF, s30;
	[tilespmem:$0xA0] =	vst v3  }
0x107: {  	[spmem:s15] =	stream.linear.scatter @!p1 [tilespmem:s0], [sflag:$0x1], $0x1, $0x38;
	[tilespmem:$0x12120] =	vst v63  }
0x108: {  	s0 =	simm.s32 @!p1 $0x1  }
0x109: {  	v3 =	vmctz.xlane @!p1 vm4;
	_ =	swait.ge @!p1 [sflag:s0], $0x1  }
0x10a: {  	(v2sf) =	vpush @!p1 v4, $0x0  }
0x10b: {  	(v2sf) =	vpush @!p1 v3, $0x0;
	_ =	sdelay $0xd  }
0x10c: {  	s2 =	spop @!p1 (v2sf)  }
0x10d: {  	s10 =	spop @!p1 (v2sf)  }
0x10e: {  	p2 =	sne.s32 @!p1 s29, s2;
	p3 =	slt.s32 @!p1 s10, $0xF  }
0x10f: {  	[sflag:s0] =	ssyncset.done @!p1 $0x0;
	p2 =	por p2, p1;
	p3 =	por !p3, p1  }
0x110: {  	[sflag:s0] =	ssyncadd.s32 @!p1 $0xFFFFFFFF;
	v3 =	vimm.s32 @!p2 $0xFFFFFFFF;
	s10 =	simm.s32 @p3 $0xF  }
0x111: {  	[tilespmem:$0x80] =	vst @!p2 v3;
	s2 =	sadd.s32 @!p1 $0x90, s10  }
0x112: {  	[spmem:s3] =	stream.linear.scatter @!p1 [tilespmem:s2], [sflag:$0x1], $0x1, $0x38;
	[tilespmem:$0x12120] =	vst v63  }
0x113: {  	_ =	swait.ge @!p1 [sflag:s0], $0x1  }
0x114: {  	[sflag:s0] =	ssyncset.done @!p1 $0x0  }
0x115: {  	s2 =	simm.s32 @!p1 $0x80;
	[sflag:s0] =	ssyncadd.s32 @!p1 $0xFFFFFFFF  }
0x116: {  	[spmem:s13] =	stream.linear.scatter @!p1 [tilespmem:s2], [sflag:$0x1], $0x1, $0x38;
	[tilespmem:$0x12120] =	vst v63  }
0x117: {  	_ =	swait.ge @!p1 [sflag:s0], $0x1  }
0x118: {  	[sflag:s0] =	ssyncset.done @!p1 $0x0  }
0x119: {  	[sflag:s0] =	ssyncadd.s32 @!p1 $0xFFFFFFFF;
	(ifvalue) =	ssetifvalue $0xFFFFFFFF;
	v3 =	vld [tilespmem:s26+$0x10];
	_ =	sdelay $0x3  }
.Ltmp11:
0x11a: {  	_ = 	snop;
	(pc) =	sbr.rel .LBB3_9-.Ltmp11, $3  }
0x11b: {  	_ =	sdelay $0x1  }
0x11c: {  	(ifvalue) =	ssetifvalue $0xFFFFFFFF  }
0x11d: {  	[hbm4b:s1+s16] =	stream.indirect_vreg.scatter [tilespmem:s28], [sflag:$0x9], $0x1, v3, vm0, $0x4038;
	[tilespmem:$0x12120] =	vst v63  }
.LBB3_10:
0x11e: {  	_ =	sfence.sel $0x180000  }
0x11f: {  	s0 =	simm.s32 $0x7;
	[bflag:$0x0] =	sbarrier.arrive $0xFFFF  }
0x120: {  	s26 =	simm.s32 $0x8;
	[sflag:s0] =	ssyncpa.u1 $0x1  }
0x121: {  	s28 =	simm.s32 $0x9;
	[sflag:s26] =	ssyncpa.u1 $0x1  }
0x122: {  	[sflag:s28] =	ssyncpa.u1 $0x1  }
0x123: {  	_ =	sfence.stream.spmem  }
0x124: {  	s29 =	simm.s32 $0x3;
	[bflag:$0x0] =	sbarrier.arrive $0xFFFF  }
0x125: {  	s30 =	simm.s32 $0x4;
	[sflag:s29] =	ssyncpa.u1 $0x1  }
0x126: {  	s31 =	simm.s32 $0x3C;
	s2 =	stileid.u32;
	[sflag:s30] =	ssyncpa.u1 $0x1  }
0x127: {  	p0 =	sne.s32 s2, $0x0;
	[sflag:s31] =	ssyncpa.u1 $0x1  }
0x128: {  	s0 =	simm.s32 @p0 $0x1;
	_ =	sfence @p0  }
0x129: {  	[sflag:s0] =	ssyncpa.u1 @p0 $0x1;
	s0 =	simm.s32 @p0 $0x2  }
0x12a: {  	[sflag:s0] =	ssyncpa.u1 @p0 $0x1  }
0x12b: {  	_ =	strace @p0 $0x9000004A  }
0x12c: {  	[bflag:$0x2] =	sbarrier.arrive @p0 $0xFFFF  }
0x12d: {  	_ =	shalt @p0  }
.LBB3_11:
0x12e: {  	_ =	sfence.stream.spmem;
	s0 =	simm.s32 $0x5  }
0x12f: {  	s2 =	simm.s32 $0x80;
	s3 =	simm.s32 $0xC0;
	[sflag:s0] =	ssyncpa.u1 $0x0  }
0x130: {  	[tilespmem:s3], [sflag:$0x5] =	stream.linear.gather [spmem:s2], $0x20, $0x38;
	[tilespmem:$0x12120] =	vst v63  }
0x131: {  	s2 =	simm.s32 $0x0;
	s3 =	simm.s32 $0xE0  }
0x132: {  	[tilespmem:s3], [sflag:$0x5] =	stream.linear.gather [spmem:s2], $0x20, $0x38;
	[tilespmem:$0x12120] =	vst v63  }
.Ltmp12:
0x133: {  	_ = 	snop;
	(pc) =	sbr.rel .LBB3_12-.Ltmp12, $4  }
0x134: {  	_ =	swait.ge [sflag:s0], $0x40  }
0x135: {  	[sflag:s0] =	ssyncset.done $0x0  }
0x136: {  	s31 =	simm.s32 $0x6;
	[sflag:s0] =	ssyncadd.s32 $0xFFFFFFC0  }
0x137: {  	s4 =	simm.s32 $0x0;
	[sflag:s31] =	ssyncpa.u1 $0x0  }
.LBB3_17:
0x138: {  	p0 =	sgt.u32 s0, $0x3FFF  }
0x139: {  	s5 =	sshrl.u32 @!p0 s0, $0x3  }
0x13a: {  	s0 =	sand.u32 @!p0 $0x7, s0;
	s6 =	simm.s32 @!p0 $0xB0;
	s5 =	sadd.s32 @!p0 s1, s5  }
0x13b: {  	[tilespmem:s6], [sflag:$0x6] =	stream.linear.gather @!p0 [hbm4b:s5+s0], $0x1, $0x38;
	[tilespmem:$0x12120] =	vst v63  }
0x13c: {  	s0 =	simm.s32 @!p0 $0x6  }
0x13d: {  	_ =	swait.ge @!p0 [sflag:s0], $0x1  }
0x13e: {  	[sflag:s0] =	ssyncset.done @!p0 $0x0  }
0x13f: {  	[sflag:s0] =	ssyncadd.s32 @!p0 $0xFFFFFFFF  }
0x140: {  	v2 =	vmov @!p0 s4;
	v1 =	vld.msk @!p0 [tilespmem:$0xB0], $0x1;
	_ =	sdelay $0x3  }
0x141: {  	s0 =	simm.s32 @!p0 $0xE0  }
0x142: {  	[tilespmem:v2+s0+$0x0], v1 =	vst.idx.ret.add.f32.msk @!p0 $0x1, v1  }
0x143: {  	[tilespmem:s2+$0xC0] =	vst.msk $0x1, v0  }
0x144: {  	v0 =	vld.msk [tilespmem:s4+$0xE0], $0x1;
	_ =	sdelay $0x4  }
0x145: {  	[tilespmem:s2+$0xE0] =	vst.msk $0x1, v0;
	s2 =	sadd.s32 $0x1, s2  }
.LBB3_19:
0x146: {  	s4 =	sadd.s32 $0x1, s4  }
0x147: {  	p0 =	sne.s32 s4, $0x20  }
.Ltmp13:
0x148: {  	_ = 	snop;
	(pc) =	sbr.rel @!p0 .LBB3_20-.Ltmp13, $1  }
0x149: {  	_ =	sdelay $0x3  }
.LBB3_12:
0x14a: {  	v0 =	vld.msk [tilespmem:s4+$0xC0], $0x1;
	_ =	sdelay $0x4  }
0x14b: {  	(v2sf) =	vpush v0, $0x0;
	_ =	sdelay $0xe  }
0x14c: {  	s0 =	spop (v2sf)  }
0x14d: {  	p0 =	seq.s32 s0, $0xFFFFFFFF  }
.Ltmp14:
0x14e: {  	_ = 	snop;
	(pc) =	sbr.rel @p0 .LBB3_19-.Ltmp14, $1  }
0x14f: {  	_ =	sdelay $0x3  }
0x150: {  	p0 =	slt.s32 s2, $0x1  }
.Ltmp15:
0x151: {  	_ = 	snop;
	(pc) =	sbr.rel @p0 .LBB3_17-.Ltmp15, $1  }
0x152: {  	_ =	sdelay $0x3  }
0x153: {  	s5 =	simm.s32 $0xC0;
	p0 =	por $0x0, $0x0  }
0x154: {  	v1 =	vld.msk @!p0 [tilespmem:s5+$0x0], $0x1;
	_ =	sdelay $0x4  }
0x155: {  	(v2sf) =	vpush @!p0 v1, $0x0;
	_ =	sdelay $0xd  }
0x156: {  	p2 =	sne.s32 s2, $0x1  }
.Ltmp16:
0x157: {  	s6 =	spop @!p0 (v2sf);
	(pc) =	sbr.rel @!p2 .LBB3_16-.Ltmp16, $4  }
0x158: {  	p1 =	seq.s32 @!p0 s0, s6  }
0x159: {  	s6 =	simm.s32 $0x0;
	p1 =	por !p1, p0  }
0x15a: {  	s8 =	simm.s32 $0xFFFFFFFF;
	s6 =	simm.s32 @p1 $0xFFFFFFFF  }
0x15b: {  	s7 =	simm.s32 $0x1;
	s6 =	smov.u32 @p0 s8  }
.LBB3_15:
0x15c: {  	s8 =	smov.u32 s6;
	p0 =	sne.s32 s6, $0xFFFFFFFF  }
0x15d: {  	s5 =	sadd.s32 $0x1, s5;
	s6 =	smov.u32 s7;
	s7 =	sadd.s32 $0x1, s7  }
0x15e: {  	p1 =	sne.s32 s2, s7;
	v1 =	vld.msk @!p0 [tilespmem:s5+$0x0], $0x1;
	_ =	sdelay $0x4  }
0x15f: {  	(v2sf) =	vpush @!p0 v1, $0x0;
	_ =	sdelay $0xe  }
.Ltmp17:
0x160: {  	s9 =	spop @!p0 (v2sf);
	(pc) =	sbr.rel @p1 .LBB3_15-.Ltmp17, $4  }
0x161: {  	p2 =	seq.s32 @!p0 s0, s9  }
0x162: {  	p2 =	por !p2, p0  }
0x163: {  	s6 =	simm.s32 @p2 $0xFFFFFFFF  }
0x164: {  	s6 =	smov.u32 @p0 s8  }
.LBB3_16:
0x165: {  	p0 =	sne.s32 s6, $0xFFFFFFFF  }
.Ltmp18:
0x166: {  	_ = 	snop;
	(pc) =	sbr.rel @!p0 .LBB3_17-.Ltmp18, $1  }
0x167: {  	_ =	sdelay $0x3  }
0x168: {  	v0 =	vld.msk [tilespmem:s4+$0xE0], $0x1;
	v1 =	vmov s6  }
.Ltmp19:
0x169: {  	_ = 	snop;
	(pc) =	sbr.rel .LBB3_19-.Ltmp19, $2  }
0x16a: {  	_ =	sdelay $0x2  }
0x16b: {  	[tilespmem:v1+s3+$0x0], v0 =	vst.idx.ret.add.f32.msk $0x1, v0  }
.LBB3_20:
0x16c: {  	p0 =	slt.s32 s2, $0x1  }
.Ltmp20:
0x16d: {  	_ = 	snop;
	(pc) =	sbr.rel @p0 .LBB3_24-.Ltmp20, $3  }
0x16e: {  	_ =	sdelay $0x1  }
0x16f: {  	s0 =	simm.s32 $0x6  }
0x170: {  	[sflag:s0] =	ssyncpa.u1 $0x1;
	s0 =	simm.s32 $0x0  }
0x171: {  	s3 =	simm.s32 $0xC0  }
0x172: {  	v0 =	vld.msk [tilespmem:s3+$0x0], $0x1;
	_ =	sdelay $0x4  }
0x173: {  	(v2sf) =	vpush v0, $0x0;
	_ =	sdelay $0xe  }
0x174: {  	s2 =	sadd.s32 $0xFFFFFFFF, s2;
	s4 =	spop (v2sf)  }
0x175: {  	p1 =	sne.s32 s2, $0x0;
	p0 =	sgt.u32 s4, $0x3FFF  }
.Ltmp21:
0x176: {  	s5 =	sshrl.u32 @!p0 s4, $0x3;
	(pc) =	sbr.rel @!p1 .LBB3_23-.Ltmp21, $4  }
0x177: {  	s3 =	simm.s32 $0xE0;
	s4 =	sand.u32 @!p0 $0x7, s4;
	s5 =	sadd.s32 @!p0 s1, s5  }
0x178: {  	[hbm4b:s5+s4] =	stream.linear.scatter @!p0 [tilespmem:s3], [sflag:$0x5], $0x1, $0x38;
	[tilespmem:$0x12120] =	vst v63  }
0x179: {  	s5 =	simm.s32 $0x0  }
0x17a: {  	s4 =	simm.s32 $0xC1;
	s5 =	simm.s32 @!p0 $0x4  }
.LBB3_22:
0x17b: {  	v0 =	vld.msk [tilespmem:s4+$0x0], $0x1;
	s2 =	sadd.s32 $0xFFFFFFFF, s2;
	s0 =	sadd.s32 s0, s5  }
0x17c: {  	p0 =	sne.s32 s2, $0x0;
	_ =	sdelay $0x3  }
0x17d: {  	(v2sf) =	vpush v0, $0x0;
	_ =	sdelay $0xe  }
.Ltmp22:
0x17e: {  	s6 =	spop (v2sf);
	(pc) =	sbr.rel @p0 .LBB3_22-.Ltmp22, $4  }
0x17f: {  	s5 =	simm.s32 $0x0;
	p1 =	sgt.u32 s6, $0x3FFF  }
0x180: {  	s3 =	sadd.s32 $0x1, s3;
	s5 =	simm.s32 @!p1 $0x4;
	s7 =	sshrl.u32 @!p1 s6, $0x3  }
0x181: {  	s4 =	sadd.s32 $0x1, s4;
	s6 =	sand.u32 @!p1 $0x7, s6;
	s7 =	sadd.s32 @!p1 s1, s7  }
0x182: {  	[hbm4b:s7+s6] =	stream.linear.scatter @!p1 [tilespmem:s3], [sflag:$0x5], $0x1, $0x38;
	[tilespmem:$0x12120] =	vst v63  }
.LBB3_23:
0x183: {  	s0 =	sadd.s32 s0, s5  }
0x184: {  	s0 =	sshrl.u32 s0, $0x2  }
.LBB3_24:
0x185: {  	s1 =	simm.s32 $0x5  }
0x186: {  	_ =	swait.ge [sflag:s1], s0  }
0x187: {  	s28 =	ssub.s32 $0x0, s0;
	[sflag:s1] =	ssyncset.done $0x0  }
0x188: {  	[sflag:s1] =	ssyncadd.s32 s28  }
0x189: {  	[sflag:s1] =	ssyncpa.u1 $0x1  }
0x18a: {  	s29 =	simm.s32 $0x1;
	_ =	sfence  }
0x18b: {  	s30 =	simm.s32 $0x2;
	[sflag:s29] =	ssyncpa.u1 $0x1  }
0x18c: {  	[sflag:s30] =	ssyncpa.u1 $0x1  }
0x18d: {  	_ =	strace $0x9000004A  }
0x18e: {  	[bflag:$0x2] =	sbarrier.arrive $0xFFFF  }
0x18f: {  	s31 =	rddreg [dreg:$0x1]  }
0x190: {  	s0 =	sadd.s32 $0x100000, s31  }
0x191: {  	[sflag:s0] =	ssyncadd.tile.s32 $0x1;
	_ =	shalt  }
.Lfunc_end3:
_tile_overlayer_lowered:
.L_overlay_start_3:
0x192: {  	(tag) =	ssettag $0x3  }
0x193: {  	s0 =	rddreg [dreg:$0x0];
	s2 =	stileid.u32  }
0x194: {  	s1 =	rddreg [dreg:$0x1];
	p0 =	sne.s32 s2, $0x0  }
0x195: {  	s3 =	rddreg [dreg:$0x2];
	[bflag:$0x3] =	sbarrier.arrive $0xFFFF;
	s2 =	simm.s32 @!p0 $0x1C01  }
0x196: {  	[timem:s3], [sflag:s2] =	dma.local @!p0 [hbm:s0], s1  }
0x197: {  	s0 =	simm.s32 @!p0 $0x1  }
0x198: {  	_ =	swait.ge @!p0 [sflag:s0], s1  }
0x199: {  	s1 =	ssub.s32 @!p0 $0x0, s1;
	[sflag:s0] =	ssyncset.done @!p0 $0x0  }
0x19a: {  	[sflag:s0] =	ssyncadd.s32 @!p0 s1  }
0x19b: {  	[bflag:$0x3] =	sbarrier.arrive $0xFFFF  }
0x19c: {  	_ =	shalt  }

// kernel: scatter_offload_async_start.2
scs
__scs_entry_jumppad:
0x0: {  	(pc) =	sbr.rel $0x88, $3  }
0x1: {  	(tag) =	ssettag $0x0;
	lr =	simm.s32 $0x1  }
0x2: {  	[smem:$0x3F94] =	sst lr;
	_ =	strace $0xD0000000  }
0x3: {  	_ = 	snop  }
0x4: {  	_ = 	snop  }
0x5: {  	_ = 	snop  }
0x6: {  	_ = 	snop  }
0x7: {  	_ = 	snop  }
__scs_overlays_trampoline_lowered:
0x8: {  	[smem:$0x3FA3] =	sst s0  }
0x9: {  	[smem:$0x3FA4] =	sst s1  }
0xa: {  	[smem:$0x3FA5] =	sst s2  }
0xb: {  	[smem:$0x3FA6] =	sst s3  }
0xc: {  	[smem:$0x3FA7] =	sst s4  }
0xd: {  	[smem:$0x3FA8] =	sst s5  }
0xe: {  	[smem:$0x3FA9] =	sst s6  }
0xf: {  	[smem:$0x3FAA] =	sst s7  }
0x10: {  	[smem:$0x3FAB] =	sst s8  }
0x11: {  	[smem:$0x3FAC] =	sst s9;
	s0 =	simm.s32 @!p0 $0x0  }
0x12: {  	s1 =	sld [smem:$0x3F92];
	s0 =	simm.s32 @p0 $0x1  }
0x13: {  	[smem:$0x3FAD] =	sst s0;
	s0 =	simm.s32 @!p1 $0x0  }
0x14: {  	s2 =	sld [smem:$0x3F91];
	s0 =	simm.s32 @p1 $0x1  }
0x15: {  	[smem:$0x3FAE] =	sst s0;
	s0 =	simm.s32 @!p2 $0x0  }
0x16: {  	s3 =	sld [smem:$0x3FDB];
	s0 =	simm.s32 @p2 $0x1  }
0x17: {  	s4 =	simm.s32 $0x1BF5;
	[smem:$0x3FB0] =	sst s0  }
0x18: {  	s0 =	sld [smem:$0x3F93];
	_ =	swait.ge [sflag:s4], $0x0  }
0x19: {  	s7 =	sld [smem:$0x3F94]  }
0x1a: {  	s8 =	sadd.s32 $0xFFFFE003, lr  }
0x1b: {  	s9 =	sadd.s32 $0xFFFFFEF7, lr;
	s5 =	simm.s32 $0xFFFFFFFF;
	p2 =	slt.u32 s8, $0xFFFFF086  }
0x1c: {  	p1 =	slt.u32 s9, $0xF7A;
	s5 =	simm.s32 @!p2 $0x0  }
0x1d: {  	s5 =	simm.s32 @p1 $0x1;
	p0 =	seq.s32 s7, s2  }
0x1e: {  	s7 =	smul.u32 @!p0 $0xF7A, s2;
	p2 =	seq.s32 @!p0 s5, $0x0  }
0x1f: {  	s9 =	smul.u32 $0xF7A, s1;
	s8 =	simm.s32 @!p0 $0x1BF5;
	p2 =	por !p2, p0  }
0x20: {  	[sflag:s8] =	ssyncset.s32 @!p0 $0xFFFFF086;
	s6 =	sadd.s32 @!p0 s3, s7;
	s7 =	simm.s32 @!p0 $0x108  }
0x21: {  	s3 =	sadd.s32 s3, s9;
	s6 =	sadd.s32 @!p0 $0x88, s6;
	s7 =	simm.s32 @p2 $0x1082  }
0x22: {  	[simem:s7], [sflag:s8] =	dma.local @!p0 [hbm:s6], $0xF7A  }
0x23: {  	s9 =	sor.u32 $0xD0000000, s2;
	s6 =	simm.s32 $0x108;
	_ =	swait.ge @!p0 [sflag:s8], $0x0  }
0x24: {  	s3 =	sadd.s32 $0x88, s3;
	s6 =	simm.s32 @!p1 $0x1082;
	[sflag:s4] =	ssyncset.s32 $0xFFFFF086  }
0x25: {  	[simem:s6], [sflag:s4] =	dma.local [hbm:s3], $0xF7A  }
0x26: {  	[smem:$0x3F94] =	sst s1;
	(tag) =	ssettag s2;
	_ =	strace s9  }
0x27: {  	s1 =	sld [smem:$0x3FA4]  }
0x28: {  	s2 =	sld [smem:$0x3FA5]  }
0x29: {  	s4 =	sld [smem:$0x3FA7]  }
0x2a: {  	p0 =	seq.s32 s5, $0x0;
	s5 =	sld [smem:$0x3FA8]  }
0x2b: {  	s6 =	sld [smem:$0x3FA9]  }
0x2c: {  	s7 =	sld [smem:$0x3FAA]  }
0x2d: {  	s3 =	simm.s32 $0x108;
	s8 =	sld [smem:$0x3FAB]  }
0x2e: {  	s3 =	simm.s32 @!p0 $0x1082;
	s9 =	sld [smem:$0x3FAC]  }
0x2f: {  	lr =	sadd.s32 s0, s3;
	s0 =	sld [smem:$0x3FA3]  }
0x30: {  	s3 =	sld [smem:$0x3FA6]  }
0x31: {  	[smem:$0x3FAF] =	sst s10  }
0x32: {  	s10 =	sld [smem:$0x3FAD];
	_ =	sdelay $0x3  }
0x33: {  	p0 =	seq.s32 s10, $0x1;
	s10 =	sld [smem:$0x3FAF];
	_ =	sdelay $0x3  }
0x34: {  	[smem:$0x3FAF] =	sst s10  }
0x35: {  	s10 =	sld [smem:$0x3FAE];
	_ =	sdelay $0x3  }
0x36: {  	p1 =	seq.s32 s10, $0x1;
	s10 =	sld [smem:$0x3FAF];
	_ =	sdelay $0x3  }
0x37: {  	[smem:$0x3FAF] =	sst s10  }
0x38: {  	s10 =	sld [smem:$0x3FB0]  }
0x39: {  	_ = 	snop;
	(pc) =	sbr.ind lr, $3  }
0x3a: {  	_ = 	snop  }
0x3b: {  	_ = 	snop  }
0x3c: {  	p2 =	seq.s32 s10, $0x1;
	s10 =	sld [smem:$0x3FAF]  }
0x3d: {  	_ =	shalt  }
0x3e: {  	_ =	shalt  }
0x3f: {  	_ =	shalt  }
0x40: {  	_ =	shalt  }
0x41: {  	_ =	shalt  }
0x42: {  	_ =	shalt  }
0x43: {  	_ =	shalt  }
0x44: {  	_ =	shalt  }
0x45: {  	_ =	shalt  }
0x46: {  	_ =	shalt  }
0x47: {  	_ =	shalt  }
0x48: {  	_ =	shalt  }
0x49: {  	_ =	shalt  }
0x4a: {  	_ =	shalt  }
0x4b: {  	_ =	shalt  }
0x4c: {  	_ =	shalt  }
0x4d: {  	_ =	shalt  }
0x4e: {  	_ =	shalt  }
0x4f: {  	_ =	shalt  }
0x50: {  	_ =	shalt  }
0x51: {  	_ =	shalt  }
0x52: {  	_ =	shalt  }
0x53: {  	_ =	shalt  }
0x54: {  	_ =	shalt  }
0x55: {  	_ =	shalt  }
0x56: {  	_ =	shalt  }
0x57: {  	_ =	shalt  }
0x58: {  	_ =	shalt  }
0x59: {  	_ =	shalt  }
0x5a: {  	_ =	shalt  }
0x5b: {  	_ =	shalt  }
0x5c: {  	_ =	shalt  }
0x5d: {  	_ =	shalt  }
0x5e: {  	_ =	shalt  }
0x5f: {  	_ =	shalt  }
0x60: {  	_ =	shalt  }
0x61: {  	_ =	shalt  }
0x62: {  	_ =	shalt  }
0x63: {  	_ =	shalt  }
0x64: {  	_ =	shalt  }
0x65: {  	_ =	shalt  }
0x66: {  	_ =	shalt  }
0x67: {  	_ =	shalt  }
0x68: {  	_ =	shalt  }
0x69: {  	_ =	shalt  }
0x6a: {  	_ =	shalt  }
0x6b: {  	_ =	shalt  }
0x6c: {  	_ =	shalt  }
0x6d: {  	_ =	shalt  }
0x6e: {  	_ =	shalt  }
0x6f: {  	_ =	shalt  }
0x70: {  	_ =	shalt  }
0x71: {  	_ =	shalt  }
0x72: {  	_ =	shalt  }
0x73: {  	_ =	shalt  }
0x74: {  	_ =	shalt  }
0x75: {  	_ =	shalt  }
0x76: {  	_ =	shalt  }
0x77: {  	_ =	shalt  }
0x78: {  	_ =	shalt  }
0x79: {  	_ =	shalt  }
0x7a: {  	_ =	shalt  }
0x7b: {  	_ =	shalt  }
0x7c: {  	_ =	shalt  }
0x7d: {  	_ =	shalt  }
0x7e: {  	_ =	shalt  }
0x7f: {  	_ =	shalt  }
0x80: {  	_ =	shalt  }
0x81: {  	_ =	shalt  }
0x82: {  	_ =	shalt  }
0x83: {  	_ =	shalt  }
0x84: {  	_ =	shalt  }
0x85: {  	_ =	shalt  }
0x86: {  	_ =	shalt  }
0x87: {  	_ =	shalt  }
.Lfunc_end0:
.L_simem_size_0:
called_computation.2_lowered:
.L_overlay_start_0:
0x88: {  	s0 =	sld [smem:$0x3FD9]  }
0x89: {  	s1 =	sld [smem:$0x3FFE];
	_ =	sdelay $0x3  }
0x8a: {  	s0 =	sadd.s32 s1, s0  }
0x8b: {  	[smem:$0x3FBB] =	sst s0  }
0x8c: {  	_ = 	snop  }
0x8d: {  	s0 =	sld [smem:$0x3FD0];
	_ =	sdelay $0x2  }
0x8e: {  	s14 =	simm.s32 $0xC;
	s2 =	simm.s32 $0x10  }
0x8f: {  	[smem:s2], [sflag:s14] =	dma.local [hbm:s0], $0x1  }
0x90: {  	_ =	swait.eq [sflag:s14], $0x1  }
0x91: {  	s15 =	sld [smem:$0x10];
	[sflag:s14] =	ssyncset.done $0x0  }
0x92: {  	s16 =	sld [smem:$0x11];
	[sflag:s14] =	ssyncadd.s32 $0xFFFFFFFF  }
0x93: {  	s17 =	sld [smem:$0x12];
	(tm) =	ssettm $0x1  }
0x94: {  	s3 =	sld [smem:$0x3FFB];
	_ =	sdelay $0x3  }
0x95: {  	_ =	strace s3  }
0x96: {  	s3 =	sld [smem:$0x3FFC];
	_ =	sdelay $0x3  }
0x97: {  	_ =	strace s3  }
0x98: {  	s3 =	sld [smem:$0x3FFD];
	_ =	sdelay $0x3  }
0x99: {  	_ =	strace s3  }
0x9a: {  	_ =	strace $0x8FFFFFFF  }
0x9b: {  	s18 =	sld [smem:$0x3FDB];
	_ =	sdelay $0x1  }
0x9c: {  	s4 =	simm.s32 $_scs_section_size  }
0x9d: {  	s5 =	simm.s32 $_size__tile_overlayer_lowered;
	s6 =	simm.s32 $_tile_overlayer_lowered  }
0x9e: {  	s21 =	simm.s32 $0x1BFF;
	s20 =	sshll.u32 s6, $0x1;
	s3 =	sadd.s32 s4, s18  }
0x9f: {  	s7 =	simm.s32 $0x0;
	s19 =	sshll.u32 s5, $0x1;
	s5 =	sadd.s32 s20, s3  }
0xa0: {  	[timem:s7], [sflag:s21] =	dma.local [hbm:s5], s19  }
0xa1: {  	_ =	swait.ge [sflag:s21], s19  }
0xa2: {  	s4 =	ssub.s32 $0x0, s19;
	[sflag:s21] =	ssyncset.done $0x0  }
0xa3: {  	[sflag:s21] =	ssyncadd.s32 s4;
	_ =	sdelay $0x1  }
0xa4: {  	s22 =	simm.s32 $0x1B8B  }
0xa5: {  	_ =	swait.ge [sflag:s22], $0x1  }
0xa6: {  	[sflag:s22] =	ssyncset.done $0x0  }
0xa7: {  	s23 =	simm.s32 $0x1B8E;
	[sflag:s22] =	ssyncadd.s32 $0xFFFFFFFF  }
0xa8: {  	s24 =	simm.s32 $execute0_lowered;
	[smem:$0x3FD2] =	sst s23  }
0xa9: {  	s4 =	sshll.u32 s24, $0x1;
	_ =	strace $0x80000052;
	[dreg:$0x1] =	wrdreg $0xFFFFFFFF  }
0xaa: {  	s25 =	simm.s32 $_size_execute0_lowered;
	s3 =	sadd.s32 s3, s4;
	[dreg:$0x0] =	wrdreg $0x0  }
0xab: {  	s4 =	sshll.u32 s25, $0x1;
	[dreg:$0x2] =	wrdreg s3  }
0xac: {  	[dreg:$0x3] =	wrdreg s4  }
0xad: {  	[dreg:$0x4] =	wrdreg $0xC0  }
0xae: {  	_ =	task [dreg:s7], $0x5FFFF  }
0xaf: {  	[dreg:$0x1] =	wrdreg $0xFFFFFFFF  }
0xb0: {  	[dreg:$0x0] =	wrdreg $0x60  }
0xb1: {  	[dreg:$0x2] =	wrdreg s17  }
0xb2: {  	[dreg:$0x3] =	wrdreg s16  }
0xb3: {  	[dreg:$0x4] =	wrdreg s15  }
0xb4: {  	[dreg:$0x5] =	wrdreg $0x9  }
0xb5: {  	_ =	task.clear_ibuf [dreg:s7], $0x6FFFF;
	_ =	strace $0x90000052  }
0xb6: {  	s26 =	simm.s32 $0x9;
	_ =	strace $0x80000054  }
0xb7: {  	_ =	swait.ge [sflag:s26], $0x1  }
0xb8: {  	[sflag:s26] =	ssyncadd.s32 $0xFFFFFFFF  }
0xb9: {  	_ =	strace $0x90000054  }
0xba: {  	_ =	sfence  }
0xbb: {  	s28 =	sld [smem:$0x0];
	_ =	sdelay $0x1  }
0xbc: {  	s29 =	srdreg.scid  }
0xbd: {  	s30 =	sshll.u32 s29, $0xD;
	s31 =	sshrl.u32 s29, $0x2  }
0xbe: {  	s1 =	sand.u32 $0x1, s29;
	s2 =	sand.u32 $0x4000, s30;
	s0 =	sadd.s32 s31, s28  }
0xbf: {  	s1 =	sor.u32 s2, s1;
	s0 =	sshll.u32 s0, $0x11  }
0xc0: {  	s0 =	sor.u32 s0, s1  }
0xc1: {  	s0 =	sadd.s32 $0x8F2B, s0  }
0xc2: {  	[sflag:s0] =	ssyncadd.remote.s32 $0x1  }
0xc3: {  	_ =	sfence.sel $0xFFFF  }
0xc4: {  	[dreg:$0x0] =	wrdreg $0xFFFFFFFF;
	(pc) =	sbr.abs _section_cstart, $3  }
0xc5: {  	[dreg:$0x1] =	wrdreg $0xFFFFFFFF  }
0xc6: {  	_ =	task.clear_ibuf [dreg:s7], $0x2FFFF;
	_ =	strace $0x9FFFFFFF  }
0xc7: {  	(tm) =	ssettm $0x7FFFFFFF  }
tec
execute0_lowered:
.L_overlay_start_1:
0x0: {  	(tag) =	ssettag $0x1  }
0x1: {  	s1 =	rddreg [dreg:$0x0]  }
0x2: {  	s3 =	rddreg [dreg:$0x1];
	_ =	strace $0x80000053;
	s0 =	simm.s32 $0x1  }
0x3: {  	v1 =	vimm.s32 $0xFFFFFFFF;
	[sflag:s0] =	ssyncpa.u1 $0x0  }
0x4: {  	[tilespmem:$0x10] =	vst v1  }
0x5: {  	v0 =	vimm.f32 $0.0e+00;
	[tilespmem:$0x20] =	vst v1  }
0x6: {  	s4 =	stileid.u32;
	s2 =	simm.s32 $0x6000;
	s30 =	simm.s32 $0x2;
	[tilespmem:$0x30] =	vst v0  }
0x7: {  	s8 =	simm.s32 $0x7;
	s9 =	simm.s32 $0x8;
	s31 =	simm.s32 $0x9;
	[tilespmem:$0x40] =	vst v0  }
0x8: {  	s16 =	simm.s32 $0x0;
	s17 =	simm.s32 $0xFFFFE000;
	s18 =	simm.s32 $0xF0;
	[tilespmem:$0x50] =	vst v0  }
0x9: {  	s19 =	simm.s32 $0xFFFFFFFF;
	s29 =	smin.u32 s4, $0x8;
	s5 =	sshll.u32 s4, $0x1;
	[tilespmem:$0x60] =	vst v1  }
0xa: {  	s20 =	simm.s32 $0xFFFFC100;
	p0 =	slt.u32 s4, $0x8;
	[tilespmem:$0x70] =	vst v1;
	s0 =	sadd.s32 s29, s5  }
0xb: {  	s21 =	simm.s32 $0xFFFFFFFE;
	[tilespmem:$0x80] =	vst v1;
	s2 =	simm.s32 @!p0 $0x4000;
	s6 =	sshll.u32 s0, $0xD  }
0xc: {  	s22 =	simm.s32 $0xF;
	s26 =	simm.s32 $0x0;
	v1 =	vimm.s32 $0x0;
	[tilespmem:$0xB0] =	vst v0;
	s0 =	sadd.s32 s2, s6  }
0xd: {  	s25 =	simm.s32 $0x0;
	s15 =	sshllo.u32 s4, $0x1;
	[tilespmem:$0x90] =	vst v1;
	s7 =	smin.u32 s0, $0x50000  }
.Ltmp0:
0xe: {  	[tilespmem:$0xA0] =	vst v1;
	[sflag:s30] =	ssyncpa.u1 $0x0;
	s2 =	ssub.s32 s7, s6;
	(pc) =	sbr.rel .LBB2_1-.Ltmp0, $4  }
0xf: {  	s13 =	sor.u32 $0x80, s5;
	[sflag:s8] =	ssyncpa.u1 $0x0;
	p0 =	sgt.s32 s2, $0x0  }
0x10: {  	s14 =	sor.u32 $0x81, s5;
	[sflag:s9] =	ssyncpa.u1 $0x0;
	s2 =	simm.s32 @!p0 $0x0  }
0x11: {  	vm0 =	vmmov $0xffff;
	v2 =	vlaneseq.u32;
	s24 =	smov.u32 s6;
	[sflag:s31] =	ssyncpa.u1 $0x0;
	s10 =	sshrl.u32 s2, $0xD  }
0x12: {  	vm1 =	vmxor vm1, vm1;
	vm2 =	vmmov $0x1;
	vm3 =	vcmask $0x3F3C;
	p0 =	por $0x0, $0x0;
	s11 =	sadd.s32 $0x1, s10;
	s12 =	sadd.s32 $0x2, s10  }
.LBB2_9:
0x13: {  	p1 =	slt.u32 s25, $0x3  }
0x14: {  	s0 =	simm.s32 @!p1 $0x2  }
0x15: {  	_ =	swait.ge @!p1 [sflag:s0], $0x2000  }
0x16: {  	[sflag:s0] =	ssyncset.done @!p1 $0x0  }
0x17: {  	[sflag:s0] =	ssyncadd.s32 @!p1 $0xFFFFE000;
	s0 =	simm.s32 @!p1 $0x9  }
0x18: {  	_ =	swait.ge @!p1 [sflag:s0], $0x10  }
0x19: {  	s2 =	sadd.s32 $0x2000, s24;
	[sflag:s0] =	ssyncset.done @!p1 $0x0  }
0x1a: {  	[sflag:s0] =	ssyncadd.s32 @!p1 $0xFFFFFFF0;
	p1 =	slt.s32 s2, s7;
	s0 =	smov.u32 s6  }
0x1b: {  	s0 =	smov.u32 @p1 s2;
	p1 =	sne.s32 s25, s12  }
.Ltmp1:
0x1c: {  	_ = 	snop;
	(pc) =	sbr.rel @!p1 .LBB2_10-.Ltmp1, $4  }
0x1d: {  	s31 =	sadd.s32 $0x1, s25  }
0x1e: {  	s17 =	sadd.s32 $0x2000, s17;
	s18 =	sadd.s32 $0x2000, s18;
	s19 =	sadd.s32 $0x1, s19  }
0x1f: {  	s26 =	smov.u32 s24;
	p0 =	por !p0, !p0;
	s20 =	sadd.s32 $0x2000, s20  }
0x20: {  	s21 =	sadd.s32 $0x1, s21;
	s25 =	smov.u32 s31;
	s24 =	smov.u32 s0  }
.LBB2_1:
0x21: {  	p1 =	sge.u32 s25, s10  }
0x22: {  	s0 =	smulhi.u32 @!p1 $0xAAAAAAAB, s25;
	_ =	sdelay $0x1  }
0x23: {  	s0 =	sshrl.u32 @!p1 s0, $0x1  }
0x24: {  	s0 =	smul.u32 @!p1 $0x3, s0;
	_ =	sdelay $0x1  }
0x25: {  	s0 =	ssub.s32 @!p1 s25, s0  }
0x26: {  	s2 =	sshrl.u32 @!p1 s24, $0x3;
	s0 =	sshll.u32 @!p1 s0, $0xD  }
0x27: {  	s4 =	sand.u32 @!p1 $0x7, s24;
	s2 =	sadd.s32 @!p1 s3, s2;
	s0 =	sor.u32 @!p1 $0x100, s0  }
0x28: {  	[tilespmem:s0], [sflag:$0x7] =	stream.linear.gather @!p1 [hbm4b:s2+s4], $0x2000, $0x38;
	[tilespmem:$0x12120] =	vst v63  }
0x29: {  	s2 =	sadd.s32 $0xFFFFFFFF, s25  }
0x2a: {  	p1 =	sge.u32 s2, s10  }
.Ltmp2:
0x2b: {  	_ = 	snop;
	(pc) =	sbr.rel @p1 .LBB2_5-.Ltmp2, $1  }
0x2c: {  	_ =	sdelay $0x3  }
0x2d: {  	s0 =	smulhi.u32 $0xAAAAAAAB, s2;
	_ =	sdelay $0x1  }
0x2e: {  	s0 =	sshrl.u32 s0, $0x1  }
0x2f: {  	s0 =	smul.u32 $0x3, s0;
	_ =	sdelay $0x1  }
0x30: {  	s0 =	ssub.s32 s2, s0  }
0x31: {  	_ =	swait.ge [sflag:s8], $0x2000;
	s0 =	sshll.u32 s0, $0xD  }
0x32: {  	[sflag:s8] =	ssyncset.done $0x0;
	s0 =	sor.u32 $0x100, s0  }
0x33: {  	[sflag:s8] =	ssyncadd.s32 $0xFFFFE000;
	(ifvalue) =	ssetifvalue $0xFFFFFFFF;
	v3 =	vld.msk [tilespmem:s0+$0x0 ss:$0x1], $0xffff;
	_ =	sdelay $0x2  }
0x34: {  	s29 =	smulhi.u32 $0xAAAAAAAB, s19;
	p1 =	sne.s32 s25, $0x1  }
0x35: {  	v4 =	vimm.s32 @!p1 $0x0  }
0x36: {  	s0 =	sshrl.u32 s29, $0x1;
	v4 =	vperm.xlane @!p1 v3, v4  }
0x37: {  	s4 =	sshll.u32 s25, $0x4;
	s0 =	smul.u32 $0xFFFE8000, s0;
	vm4 =	vlt.u32 v3, $0x4000  }
0x38: {  	s4 =	sand.u32 $0x10, s4;
	v3 =	vnsel vm4, $0xFFFFFFFE, v3;
	vm4 =	vlt.u32 @!p1 v4, $0x4000  }
0x39: {  	s0 =	sshra.s32 s0, $0x2;
	[tilespmem:s4+$0x60] =	vst v3;
	v3 =	vnsel @!p1 vm4, $0xFFFFFFFE, v4  }
0x3a: {  	s28 =	sadd.s32 s0, s18;
	[tilespmem:$0x80] =	vst @!p1 v3  }
0x3b: {  	v3 =	vld.msk [tilespmem:s28+$0x0 ss:$0x1], $0xffff;
	_ =	sdelay $0x4  }
0x3c: {  	(xrf1) =	vunique.msk.u32 $0xffff, v3;
	_ =	sdelay $0xd  }
0x3d: {  	v4 =	vimm.s32 $0xFFFFFFFF;
	v5, _, _ =	vpop (xrf1)  }
0x3e: {  	vm5 =	vne.s32 v3, v4;
	vm4 =	veq.s32 v5, v2  }
0x3f: {  	vm6 =	vlt.u32 v3, $0x4000;
	vm4 =	vmand vm5, vm4  }
0x40: {  	vm4 =	vmand vm6, vm4  }
0x41: {  	v4 =	vnsel vm4, $0xFFFFFFFF, v3;
	_ =	sdelay $0x2  }
0x42: {  	s30 =	sand.u32 $0x2000, s17  }
0x43: {  	s31 =	sshll.u32 s2, $0xD;
	s0 =	sor.u32 $0x80F0, s30;
	(ifvalue) =	ssetifvalue $0xFFFFFFFF  }
0x44: {  	v3 =	vperm.xlane v3, v1;
	[tilespmem:s0], [sflag:$0x8] =	stream.indirect_vreg.gather [hbm4b:s1+s16], $0x1, v4, vm0, $0x4038;
	v4 =	vnsel vm6, $0xFFFFFFFE, v4;
	[tilespmem:$0x12120] =	vst v63  }
0x45: {  	s2 =	sand.u32 $0x2000, s31;
	s23 =	sadd.s32 $0xFFFFFFF0, s28;
	s4 =	simm.s32 $0x0;
	[tilespmem:s28+$0x0] =	vst v4  }
.LBB2_3:
0x46: {  	v4 =	vld.msk [tilespmem:s23+$0x0 ss:$0x1], $0xffff;
	s4 =	sadd.s32 $0x10, s4;
	v5 =	vmov v3;
	s28 =	smov.u32 s23  }
0x47: {  	p1 =	slt.u32 s4, $0x1FF0;
	_ =	sdelay $0x4  }
0x48: {  	v3 =	vperm.xlane v4, v1;
	(xrf1) =	vunique.msk.u32 $0xffff, v4;
	_ =	sdelay $0xd  }
0x49: {  	v6, _, _ =	vpop (xrf1)  }
0x4a: {  	vm5 =	vne.s32 v4, v5;
	vm4 =	veq.s32 v6, v2  }
0x4b: {  	vm6 =	vlt.u32 v4, $0x4000;
	vm4 =	vmand vm5, vm4  }
0x4c: {  	vm4 =	vmand vm6, vm4  }
0x4d: {  	v4 =	vnsel vm4, $0xFFFFFFFF, v4  }
.Ltmp3:
0x4e: {  	v5 =	vnsel vm6, $0xFFFFFFFE, v4;
	(pc) =	sbr.rel @p1 .LBB2_3-.Ltmp3, $3  }
0x4f: {  	_ =	sdelay $0x1  }
0x50: {  	s23 =	sadd.s32 $0xFFFFFFF0, s23;
	s0 =	sadd.s32 $0xFFFFFFF0, s0;
	(ifvalue) =	ssetifvalue $0xFFFFFFFF  }
0x51: {  	[tilespmem:s0], [sflag:$0x8] =	stream.indirect_vreg.gather [hbm4b:s1+s16], $0x1, v4, vm0, $0x4038;
	[tilespmem:s28+$0x0] =	vst v5  }
0x52: {  	s0 =	sshrl.u32 s26, $0x3;
	s4 =	rddreg [dreg:$0x2]  }
0x53: {  	s2 =	sadd.s32 $0xA100, s2;
	s0 =	sadd.s32 s4, s0  }
0x54: {  	[tilespmem:s2], [sflag:$0x8] =	stream.linear.gather [hbm:s0], $0x2000, $0x38;
	[tilespmem:$0x12120] =	vst v63  }
.LBB2_5:
0x55: {  	p1 =	slt.u32 s25, $0x2  }
0x56: {  	p2 =	sge.u32 @!p1 s25, s12  }
0x57: {  	p1 =	por p1, p2  }
.Ltmp4:
0x58: {  	_ = 	snop;
	(pc) =	sbr.rel @p1 .LBB2_9-.Ltmp4, $1  }
0x59: {  	_ =	sdelay $0x3  }
0x5a: {  	s0 =	sadd.s32 $0xFFFFFFFE, s25  }
0x5b: {  	s2 =	smulhi.u32 $0xAAAAAAAB, s0;
	_ =	sdelay $0x1  }
0x5c: {  	s2 =	sshrl.u32 s2, $0x1  }
0x5d: {  	s2 =	smul.u32 $0x3, s2;
	_ =	sdelay $0x1  }
0x5e: {  	_ =	swait.ge [sflag:s9], $0x4000;
	s0 =	ssub.s32 s0, s2  }
0x5f: {  	p1 =	sne.s32 s25, s11;
	[sflag:s9] =	ssyncset.done $0x0;
	s0 =	sshll.u32 s0, $0xD  }
0x60: {  	[sflag:s9] =	ssyncadd.s32 $0xFFFFC000;
	s2 =	sadd.s32 @!p1 $0x20FF, s0  }
0x61: {  	[spmem:s14] =	stream.linear.scatter @!p1 [tilespmem:s2], [sflag:$0x1], $0x1, $0x38;
	[tilespmem:$0x12120] =	vst v63  }
0x62: {  	s2 =	simm.s32 @!p1 $0x1  }
0x63: {  	_ =	swait.ge @!p1 [sflag:s2], $0x1  }
0x64: {  	s4 =	sshll.u32 s25, $0x4;
	[sflag:s2] =	ssyncset.done @!p1 $0x0  }
0x65: {  	s26 =	sand.u32 $0x10, s4;
	[sflag:s2] =	ssyncadd.s32 @!p1 $0xFFFFFFFF  }
0x66: {  	s2 =	sxor.u32 $0x10, s26;
	v4 =	vld [tilespmem:s26+$0x10]  }
0x67: {  	v5 =	vld [tilespmem:s2+$0x60]  }
0x68: {  	v3 =	vld [tilespmem:$0x80];
	_ =	sdelay $0x2  }
0x69: {  	(v2sf) =	vpush v4, $0x0  }
0x6a: {  	(v2sf) =	vpush v5, $0x0  }
0x6b: {  	(v2sf) =	vpush v3, $0x0;
	_ =	sdelay $0xc  }
0x6c: {  	s4 =	spop (v2sf)  }
0x6d: {  	s23 =	spop (v2sf)  }
0x6e: {  	s29 =	spop (v2sf)  }
0x6f: {  	p2 =	seq.s32 s4, s23;
	p3 =	seq.s32 s29, s4  }
0x70: {  	p3 =	por p2, p3  }
0x71: {  	v4 =	vpsel p3, $0xFFFFFFFF, v4  }
0x72: {  	s23 =	sand.u32 $0x1, s25;
	[tilespmem:s26+$0x10] =	vst.msk $0x1, v4  }
0x73: {  	s30 =	sshll.u32 s23, $0xD;
	v4 =	vld [tilespmem:$0x30]  }
0x74: {  	v5 =	vld [tilespmem:s30+$0xA100]  }
0x75: {  	v6 =	vld [tilespmem:s26+$0x40];
	_ =	sdelay $0x3  }
0x76: {  	vm4 =	vmmov vm1;
	v5 =	vadd.f32 v5, v4  }
0x77: {  	vm5 =	vmmov vm2;
	vm4 =	vmmov @p2 vm2;
	s4 =	sshll.u32 s23, $0x4;
	v4 =	vadd.f32 v6, v4  }
0x78: {  	s28 =	sor.u32 $0x12100, s4;
	vm5 =	vmmov @p3 vm1;
	[tilespmem:s30+$0xA100] =	vst.msk vm4, v5  }
0x79: {  	[tilespmem:s28+$0x0] =	vst.msk vm5, v4  }
0x7a: {  	v4 =	vld [tilespmem:s30+$0x80F0];
	_ =	sdelay $0x3  }
0x7b: {  	v5 =	vimm.f32 $0.0e+00  }
0x7c: {  	v4 =	vshift.insert v4, v5, s22  }
0x7d: {  	s23 =	sor.u32 $0x40, s2  }
0x7e: {  	[tilespmem:s23+$0x0] =	vst.msk $0x1, v4  }
0x7f: {  	[tilespmem:s30+$0x80FF] =	vst.msk $0x1, v5  }
0x80: {  	v4 =	vld [tilespmem:s0+$0x20F0];
	_ =	sdelay $0x1  }
0x81: {  	s23 =	smulhi.u32 $0xAAAAAAAB, s21;
	_ =	sdelay $0x1  }
0x82: {  	s4 =	simm.s32 $0x1;
	s0 =	sshrl.u32 s23, $0x1  }
0x83: {  	s4 =	simm.s32 @!p0 $0x0;
	s0 =	smul.u32 $0xFFFE8000, s0;
	v4 =	vshift.insert v4, v1, s22  }
0x84: {  	s4 =	sshll.u32 s4, $0xD  }
0x85: {  	s31 =	sadd.s32 $0xA100, s4;
	s0 =	sshra.s32 s0, $0x2;
	[tilespmem:s2+$0x10] =	vst.msk $0x1, v4  }
0x86: {  	s23 =	sadd.s32 s0, s20;
	v6 =	vld [tilespmem:s31+$0x0]  }
0x87: {  	v7 =	vld [tilespmem:s23+$0x0];
	_ =	sdelay $0x3  }
0x88: {  	v5 =	vadd.f32 v6, v5  }
0x89: {  	vm4 =	vne.s32 v7, $0xFFFFFFFF  }
0x8a: {  	(xrf2) =	vadd.seg.scan.f32 vm4, v5;
	_ =	sdelay $0x3  }
0x8b: {  	s0 =	sadd.s32 $0x6100, s4;
	v5 =	vperm.xlane v4, v1  }
0x8c: {  	v6 =	vld [tilespmem:s0+$0x0]  }
0x8d: {  	vm5 =	veq.s32 v7, v3;
	vm6 =	veq.s32 v7, v5  }
0x8e: {  	vm7 =	vgt.u32 v7, $0xFFFFFFFD;
	vm6 =	vmor vm6, vm5  }
0x8f: {  	vm6 =	vmor vm6, vm7  }
0x90: {  	v9 =	vld [tilespmem:$0xA0];
	v7 =	vsel vm6, $0xFFFFFFFF, v7  }
0x91: {  	v10 =	vld [tilespmem:$0x90];
	v6 =	vsel vm5, $0x0, v6;
	v8, _, _ =	vpop (xrf2)  }
0x92: {  	v6 =	vadd.f32 v8, v6  }
0x93: {  	s2 =	sadd.s32 $0xE100, s4  }
0x94: {  	vm4 =	vmand vm4, vm3;
	[tilespmem:s2+$0x0] =	vst v6;
	(ifvalue) =	ssetifvalue $0xFFFFFFFF  }
0x95: {  	vm6 =	veq.s32 v9, $0x1;
	[hbm4b:s1+s16] =	stream.indirect_vreg.scatter [tilespmem:s2], [sflag:$0x2], $0x1, v7, vm0, $0x4038;
	v7 =	vsel vm4, $0x0, v8;
	[tilespmem:$0x12120] =	vst v63  }
0x96: {  	s4 =	simm.s32 $0x0;
	s23 =	sadd.s32 $0x10, s23;
	vm4 =	vmor vm6, vm5;
	v6 =	vsel vm5, v8, v10;
	v7 =	vshift.insert v7, v0, s22  }
.LBB2_7:
0x97: {  	v8 =	vld [tilespmem:s23+$0x0];
	s31 =	sadd.s32 $0x10, s31  }
0x98: {  	s0 =	sadd.s32 $0x10, s0;
	v9 =	vld [tilespmem:s31+$0x0]  }
0x99: {  	s4 =	sadd.s32 $0x10, s4;
	v10 =	vld [tilespmem:s0+$0x0]  }
0x9a: {  	p2 =	slt.u32 s4, $0x1FF0;
	_ =	sdelay $0x2  }
0x9b: {  	v7 =	vadd.f32 v9, v7  }
0x9c: {  	vm5 =	vne.s32 v8, $0xFFFFFFFF  }
0x9d: {  	vm6 =	vmand vm5, vm3;
	(xrf2) =	vadd.seg.scan.f32 vm5, v7;
	_ =	sdelay $0x5  }
0x9e: {  	vm7 =	veq.s32 v8, v5;
	vm5 =	veq.s32 v8, v3  }
0x9f: {  	vm8 =	vgt.u32 v8, $0xFFFFFFFD;
	vm4 =	vmor vm4, vm5;
	vm7 =	vmor vm7, vm5  }
0xa0: {  	vm7 =	vmor vm7, vm8  }
0xa1: {  	v8 =	vsel vm7, $0xFFFFFFFF, v8  }
.Ltmp5:
0xa2: {  	v7 =	vsel vm5, $0x0, v10;
	v9, _, _ =	vpop (xrf2);
	(pc) =	sbr.rel @p2 .LBB2_7-.Ltmp5, $4  }
0xa3: {  	v6 =	vsel vm5, v9, v6;
	v10 =	vadd.f32 v9, v7;
	v7 =	vsel vm6, $0x0, v9  }
0xa4: {  	s2 =	sadd.s32 $0x10, s2;
	v7 =	vshift.insert v7, v0, s22  }
0xa5: {  	s23 =	sadd.s32 $0x10, s23;
	[tilespmem:s2+$0x0] =	vst v10;
	(ifvalue) =	ssetifvalue $0xFFFFFFFF  }
0xa6: {  	[hbm4b:s1+s16] =	stream.indirect_vreg.scatter [tilespmem:s2], [sflag:$0x2], $0x1, v8, vm0, $0x4038;
	[tilespmem:$0x12120] =	vst v63  }
0xa7: {  	v3 =	vld [tilespmem:s30+$0x100F0];
	_ =	sdelay $0x4  }
0xa8: {  	v3 =	vshift.insert v3, v0, s22  }
0xa9: {  	s0 =	simm.s32 $0x30  }
0xaa: {  	[tilespmem:s0+$0x0] =	vst.msk $0x1, v3  }
0xab: {  	v3 =	vsel vm4, $0x1, v1;
	[tilespmem:$0x90] =	vst v6  }
0xac: {  	s0 =	sadd.s32 @!p1 $0x100FF, s30;
	[tilespmem:$0xA0] =	vst v3  }
0xad: {  	[spmem:s15] =	stream.linear.scatter @!p1 [tilespmem:s0], [sflag:$0x1], $0x1, $0x38;
	[tilespmem:$0x12120] =	vst v63  }
0xae: {  	s0 =	simm.s32 @!p1 $0x1  }
0xaf: {  	v3 =	vmctz.xlane @!p1 vm4;
	_ =	swait.ge @!p1 [sflag:s0], $0x1  }
0xb0: {  	(v2sf) =	vpush @!p1 v4, $0x0  }
0xb1: {  	(v2sf) =	vpush @!p1 v3, $0x0;
	_ =	sdelay $0xd  }
0xb2: {  	s2 =	spop @!p1 (v2sf)  }
0xb3: {  	s4 =	spop @!p1 (v2sf)  }
0xb4: {  	p2 =	sne.s32 @!p1 s29, s2;
	p3 =	slt.s32 @!p1 s4, $0xF  }
0xb5: {  	[sflag:s0] =	ssyncset.done @!p1 $0x0;
	p2 =	por p2, p1;
	p3 =	por !p3, p1  }
0xb6: {  	[sflag:s0] =	ssyncadd.s32 @!p1 $0xFFFFFFFF;
	v3 =	vimm.s32 @!p2 $0xFFFFFFFF;
	s4 =	simm.s32 @p3 $0xF  }
0xb7: {  	[tilespmem:$0x80] =	vst @!p2 v3;
	s2 =	sadd.s32 @!p1 $0x90, s4  }
0xb8: {  	[spmem:s5] =	stream.linear.scatter @!p1 [tilespmem:s2], [sflag:$0x1], $0x1, $0x38;
	[tilespmem:$0x12120] =	vst v63  }
0xb9: {  	_ =	swait.ge @!p1 [sflag:s0], $0x1  }
0xba: {  	[sflag:s0] =	ssyncset.done @!p1 $0x0  }
0xbb: {  	s2 =	simm.s32 @!p1 $0x80;
	[sflag:s0] =	ssyncadd.s32 @!p1 $0xFFFFFFFF  }
0xbc: {  	[spmem:s13] =	stream.linear.scatter @!p1 [tilespmem:s2], [sflag:$0x1], $0x1, $0x38;
	[tilespmem:$0x12120] =	vst v63  }
0xbd: {  	_ =	swait.ge @!p1 [sflag:s0], $0x1  }
0xbe: {  	[sflag:s0] =	ssyncset.done @!p1 $0x0  }
0xbf: {  	[sflag:s0] =	ssyncadd.s32 @!p1 $0xFFFFFFFF;
	(ifvalue) =	ssetifvalue $0xFFFFFFFF;
	v3 =	vld [tilespmem:s26+$0x10];
	_ =	sdelay $0x3  }
.Ltmp6:
0xc0: {  	_ = 	snop;
	(pc) =	sbr.rel .LBB2_9-.Ltmp6, $3  }
0xc1: {  	_ =	sdelay $0x1  }
0xc2: {  	(ifvalue) =	ssetifvalue $0xFFFFFFFF  }
0xc3: {  	[hbm4b:s1+s16] =	stream.indirect_vreg.scatter [tilespmem:s28], [sflag:$0x9], $0x1, v3, vm0, $0x4038;
	[tilespmem:$0x12120] =	vst v63  }
.LBB2_10:
0xc4: {  	_ =	sfence.sel $0x180000  }
0xc5: {  	s0 =	simm.s32 $0x7;
	[bflag:$0x0] =	sbarrier.arrive $0xFFFF  }
0xc6: {  	s26 =	simm.s32 $0x8;
	[sflag:s0] =	ssyncpa.u1 $0x1  }
0xc7: {  	s28 =	simm.s32 $0x9;
	[sflag:s26] =	ssyncpa.u1 $0x1  }
0xc8: {  	[sflag:s28] =	ssyncpa.u1 $0x1  }
0xc9: {  	_ =	sfence.stream.spmem  }
0xca: {  	s29 =	simm.s32 $0x3;
	[bflag:$0x0] =	sbarrier.arrive $0xFFFF  }
0xcb: {  	s30 =	simm.s32 $0x4;
	[sflag:s29] =	ssyncpa.u1 $0x1  }
0xcc: {  	s31 =	simm.s32 $0x3C;
	s2 =	stileid.u32;
	[sflag:s30] =	ssyncpa.u1 $0x1  }
0xcd: {  	p0 =	sne.s32 s2, $0x0;
	[sflag:s31] =	ssyncpa.u1 $0x1  }
0xce: {  	s0 =	simm.s32 @p0 $0x1;
	_ =	sfence @p0  }
0xcf: {  	[sflag:s0] =	ssyncpa.u1 @p0 $0x1;
	s0 =	simm.s32 @p0 $0x2  }
0xd0: {  	[sflag:s0] =	ssyncpa.u1 @p0 $0x1  }
0xd1: {  	_ =	strace @p0 $0x90000053  }
0xd2: {  	[bflag:$0x2] =	sbarrier.arrive @p0 $0xFFFF  }
0xd3: {  	_ =	shalt @p0  }
.LBB2_11:
0xd4: {  	_ =	sfence.stream.spmem;
	s0 =	simm.s32 $0x5  }
0xd5: {  	s2 =	simm.s32 $0x80;
	s3 =	simm.s32 $0xC0;
	[sflag:s0] =	ssyncpa.u1 $0x0  }
0xd6: {  	[tilespmem:s3], [sflag:$0x5] =	stream.linear.gather [spmem:s2], $0x20, $0x38;
	[tilespmem:$0x12120] =	vst v63  }
0xd7: {  	s2 =	simm.s32 $0x0;
	s3 =	simm.s32 $0xE0  }
0xd8: {  	[tilespmem:s3], [sflag:$0x5] =	stream.linear.gather [spmem:s2], $0x20, $0x38;
	[tilespmem:$0x12120] =	vst v63  }
.Ltmp7:
0xd9: {  	_ = 	snop;
	(pc) =	sbr.rel .LBB2_12-.Ltmp7, $4  }
0xda: {  	_ =	swait.ge [sflag:s0], $0x40  }
0xdb: {  	[sflag:s0] =	ssyncset.done $0x0  }
0xdc: {  	s31 =	simm.s32 $0x6;
	[sflag:s0] =	ssyncadd.s32 $0xFFFFFFC0  }
0xdd: {  	s4 =	simm.s32 $0x0;
	[sflag:s31] =	ssyncpa.u1 $0x0  }
.LBB2_17:
0xde: {  	p0 =	sgt.u32 s0, $0x3FFF  }
0xdf: {  	s5 =	sshrl.u32 @!p0 s0, $0x3  }
0xe0: {  	s0 =	sand.u32 @!p0 $0x7, s0;
	s6 =	simm.s32 @!p0 $0xB0;
	s5 =	sadd.s32 @!p0 s1, s5  }
0xe1: {  	[tilespmem:s6], [sflag:$0x6] =	stream.linear.gather @!p0 [hbm4b:s5+s0], $0x1, $0x38;
	[tilespmem:$0x12120] =	vst v63  }
0xe2: {  	s0 =	simm.s32 @!p0 $0x6  }
0xe3: {  	_ =	swait.ge @!p0 [sflag:s0], $0x1  }
0xe4: {  	[sflag:s0] =	ssyncset.done @!p0 $0x0  }
0xe5: {  	[sflag:s0] =	ssyncadd.s32 @!p0 $0xFFFFFFFF  }
0xe6: {  	v2 =	vmov @!p0 s4;
	v1 =	vld.msk @!p0 [tilespmem:$0xB0], $0x1;
	_ =	sdelay $0x3  }
0xe7: {  	s0 =	simm.s32 @!p0 $0xE0  }
0xe8: {  	[tilespmem:v2+s0+$0x0], v1 =	vst.idx.ret.add.f32.msk @!p0 $0x1, v1  }
0xe9: {  	[tilespmem:s2+$0xC0] =	vst.msk $0x1, v0  }
0xea: {  	v0 =	vld.msk [tilespmem:s4+$0xE0], $0x1;
	_ =	sdelay $0x4  }
0xeb: {  	[tilespmem:s2+$0xE0] =	vst.msk $0x1, v0;
	s2 =	sadd.s32 $0x1, s2  }
.LBB2_19:
0xec: {  	s4 =	sadd.s32 $0x1, s4  }
0xed: {  	p0 =	sne.s32 s4, $0x20  }
.Ltmp8:
0xee: {  	_ = 	snop;
	(pc) =	sbr.rel @!p0 .LBB2_20-.Ltmp8, $1  }
0xef: {  	_ =	sdelay $0x3  }
.LBB2_12:
0xf0: {  	v0 =	vld.msk [tilespmem:s4+$0xC0], $0x1;
	_ =	sdelay $0x4  }
0xf1: {  	(v2sf) =	vpush v0, $0x0;
	_ =	sdelay $0xe  }
0xf2: {  	s0 =	spop (v2sf)  }
0xf3: {  	p0 =	seq.s32 s0, $0xFFFFFFFF  }
.Ltmp9:
0xf4: {  	_ = 	snop;
	(pc) =	sbr.rel @p0 .LBB2_19-.Ltmp9, $1  }
0xf5: {  	_ =	sdelay $0x3  }
0xf6: {  	p0 =	slt.s32 s2, $0x1  }
.Ltmp10:
0xf7: {  	_ = 	snop;
	(pc) =	sbr.rel @p0 .LBB2_17-.Ltmp10, $1  }
0xf8: {  	_ =	sdelay $0x3  }
0xf9: {  	s5 =	simm.s32 $0xC0;
	p0 =	por $0x0, $0x0  }
0xfa: {  	v1 =	vld.msk @!p0 [tilespmem:s5+$0x0], $0x1;
	_ =	sdelay $0x4  }
0xfb: {  	(v2sf) =	vpush @!p0 v1, $0x0;
	_ =	sdelay $0xd  }
0xfc: {  	p2 =	sne.s32 s2, $0x1  }
.Ltmp11:
0xfd: {  	s6 =	spop @!p0 (v2sf);
	(pc) =	sbr.rel @!p2 .LBB2_16-.Ltmp11, $4  }
0xfe: {  	p1 =	seq.s32 @!p0 s0, s6  }
0xff: {  	s6 =	simm.s32 $0x0;
	p1 =	por !p1, p0  }
0x100: {  	s8 =	simm.s32 $0xFFFFFFFF;
	s6 =	simm.s32 @p1 $0xFFFFFFFF  }
0x101: {  	s7 =	simm.s32 $0x1;
	s6 =	smov.u32 @p0 s8  }
.LBB2_15:
0x102: {  	s8 =	smov.u32 s6;
	p0 =	sne.s32 s6, $0xFFFFFFFF  }
0x103: {  	s5 =	sadd.s32 $0x1, s5;
	s6 =	smov.u32 s7;
	s7 =	sadd.s32 $0x1, s7  }
0x104: {  	p1 =	sne.s32 s2, s7;
	v1 =	vld.msk @!p0 [tilespmem:s5+$0x0], $0x1;
	_ =	sdelay $0x4  }
0x105: {  	(v2sf) =	vpush @!p0 v1, $0x0;
	_ =	sdelay $0xe  }
.Ltmp12:
0x106: {  	s9 =	spop @!p0 (v2sf);
	(pc) =	sbr.rel @p1 .LBB2_15-.Ltmp12, $4  }
0x107: {  	p2 =	seq.s32 @!p0 s0, s9  }
0x108: {  	p2 =	por !p2, p0  }
0x109: {  	s6 =	simm.s32 @p2 $0xFFFFFFFF  }
0x10a: {  	s6 =	smov.u32 @p0 s8  }
.LBB2_16:
0x10b: {  	p0 =	sne.s32 s6, $0xFFFFFFFF  }
.Ltmp13:
0x10c: {  	_ = 	snop;
	(pc) =	sbr.rel @!p0 .LBB2_17-.Ltmp13, $1  }
0x10d: {  	_ =	sdelay $0x3  }
0x10e: {  	v0 =	vld.msk [tilespmem:s4+$0xE0], $0x1;
	v1 =	vmov s6  }
.Ltmp14:
0x10f: {  	_ = 	snop;
	(pc) =	sbr.rel .LBB2_19-.Ltmp14, $2  }
0x110: {  	_ =	sdelay $0x2  }
0x111: {  	[tilespmem:v1+s3+$0x0], v0 =	vst.idx.ret.add.f32.msk $0x1, v0  }
.LBB2_20:
0x112: {  	p0 =	slt.s32 s2, $0x1  }
.Ltmp15:
0x113: {  	_ = 	snop;
	(pc) =	sbr.rel @p0 .LBB2_24-.Ltmp15, $3  }
0x114: {  	_ =	sdelay $0x1  }
0x115: {  	s0 =	simm.s32 $0x6  }
0x116: {  	[sflag:s0] =	ssyncpa.u1 $0x1;
	s0 =	simm.s32 $0x0  }
0x117: {  	s3 =	simm.s32 $0xC0  }
0x118: {  	v0 =	vld.msk [tilespmem:s3+$0x0], $0x1;
	_ =	sdelay $0x4  }
0x119: {  	(v2sf) =	vpush v0, $0x0;
	_ =	sdelay $0xe  }
0x11a: {  	s2 =	sadd.s32 $0xFFFFFFFF, s2;
	s4 =	spop (v2sf)  }
0x11b: {  	p1 =	sne.s32 s2, $0x0;
	p0 =	sgt.u32 s4, $0x3FFF  }
.Ltmp16:
0x11c: {  	s5 =	sshrl.u32 @!p0 s4, $0x3;
	(pc) =	sbr.rel @!p1 .LBB2_23-.Ltmp16, $4  }
0x11d: {  	s3 =	simm.s32 $0xE0;
	s4 =	sand.u32 @!p0 $0x7, s4;
	s5 =	sadd.s32 @!p0 s1, s5  }
0x11e: {  	[hbm4b:s5+s4] =	stream.linear.scatter @!p0 [tilespmem:s3], [sflag:$0x5], $0x1, $0x38;
	[tilespmem:$0x12120] =	vst v63  }
0x11f: {  	s5 =	simm.s32 $0x0  }
0x120: {  	s4 =	simm.s32 $0xC1;
	s5 =	simm.s32 @!p0 $0x4  }
.LBB2_22:
0x121: {  	v0 =	vld.msk [tilespmem:s4+$0x0], $0x1;
	s2 =	sadd.s32 $0xFFFFFFFF, s2;
	s0 =	sadd.s32 s0, s5  }
0x122: {  	p0 =	sne.s32 s2, $0x0;
	_ =	sdelay $0x3  }
0x123: {  	(v2sf) =	vpush v0, $0x0;
	_ =	sdelay $0xe  }
.Ltmp17:
0x124: {  	s6 =	spop (v2sf);
	(pc) =	sbr.rel @p0 .LBB2_22-.Ltmp17, $4  }
0x125: {  	s5 =	simm.s32 $0x0;
	p1 =	sgt.u32 s6, $0x3FFF  }
0x126: {  	s3 =	sadd.s32 $0x1, s3;
	s5 =	simm.s32 @!p1 $0x4;
	s7 =	sshrl.u32 @!p1 s6, $0x3  }
0x127: {  	s4 =	sadd.s32 $0x1, s4;
	s6 =	sand.u32 @!p1 $0x7, s6;
	s7 =	sadd.s32 @!p1 s1, s7  }
0x128: {  	[hbm4b:s7+s6] =	stream.linear.scatter @!p1 [tilespmem:s3], [sflag:$0x5], $0x1, $0x38;
	[tilespmem:$0x12120] =	vst v63  }
.LBB2_23:
0x129: {  	s0 =	sadd.s32 s0, s5  }
0x12a: {  	s0 =	sshrl.u32 s0, $0x2  }
.LBB2_24:
0x12b: {  	s1 =	simm.s32 $0x5  }
0x12c: {  	_ =	swait.ge [sflag:s1], s0  }
0x12d: {  	s28 =	ssub.s32 $0x0, s0;
	[sflag:s1] =	ssyncset.done $0x0  }
0x12e: {  	[sflag:s1] =	ssyncadd.s32 s28  }
0x12f: {  	[sflag:s1] =	ssyncpa.u1 $0x1  }
0x130: {  	s29 =	simm.s32 $0x1;
	_ =	sfence  }
0x131: {  	s30 =	simm.s32 $0x2;
	[sflag:s29] =	ssyncpa.u1 $0x1  }
0x132: {  	[sflag:s30] =	ssyncpa.u1 $0x1  }
0x133: {  	_ =	strace $0x90000053  }
0x134: {  	[bflag:$0x2] =	sbarrier.arrive $0xFFFF  }
0x135: {  	s31 =	rddreg [dreg:$0x3]  }
0x136: {  	s0 =	sadd.s32 $0x100000, s31  }
0x137: {  	[sflag:s0] =	ssyncadd.tile.s32 $0x1;
	_ =	shalt  }
.Lfunc_end2:
_tile_overlayer_lowered:
.L_overlay_start_2:
0x138: {  	(tag) =	ssettag $0x2  }
0x139: {  	s0 =	rddreg [dreg:$0x0];
	s2 =	stileid.u32  }
0x13a: {  	s1 =	rddreg [dreg:$0x1];
	p0 =	sne.s32 s2, $0x0  }
0x13b: {  	s3 =	rddreg [dreg:$0x2];
	[bflag:$0x3] =	sbarrier.arrive $0xFFFF;
	s2 =	simm.s32 @!p0 $0x1C01  }
0x13c: {  	[timem:s3], [sflag:s2] =	dma.local @!p0 [hbm:s0], s1  }
0x13d: {  	s0 =	simm.s32 @!p0 $0x1  }
0x13e: {  	_ =	swait.ge @!p0 [sflag:s0], s1  }
0x13f: {  	s1 =	ssub.s32 @!p0 $0x0, s1;
	[sflag:s0] =	ssyncset.done @!p0 $0x0  }
0x140: {  	[sflag:s0] =	ssyncadd.s32 @!p0 s1  }
0x141: {  	[bflag:$0x3] =	sbarrier.arrive $0xFFFF  }
0x142: {  	_ =	shalt  }

// kernel: scatter_offload_async_start
scs
__scs_entry_jumppad:
0x0: {  	(pc) =	sbr.rel $0x88, $3  }
0x1: {  	(tag) =	ssettag $0x0;
	lr =	simm.s32 $0x1  }
0x2: {  	[smem:$0x3F94] =	sst lr;
	_ =	strace $0xD0000000  }
0x3: {  	_ = 	snop  }
0x4: {  	_ = 	snop  }
0x5: {  	_ = 	snop  }
0x6: {  	_ = 	snop  }
0x7: {  	_ = 	snop  }
__scs_overlays_trampoline_lowered:
0x8: {  	[smem:$0x3FA3] =	sst s0  }
0x9: {  	[smem:$0x3FA4] =	sst s1  }
0xa: {  	[smem:$0x3FA5] =	sst s2  }
0xb: {  	[smem:$0x3FA6] =	sst s3  }
0xc: {  	[smem:$0x3FA7] =	sst s4  }
0xd: {  	[smem:$0x3FA8] =	sst s5  }
0xe: {  	[smem:$0x3FA9] =	sst s6  }
0xf: {  	[smem:$0x3FAA] =	sst s7  }
0x10: {  	[smem:$0x3FAB] =	sst s8  }
0x11: {  	[smem:$0x3FAC] =	sst s9;
	s0 =	simm.s32 @!p0 $0x0  }
0x12: {  	s1 =	sld [smem:$0x3F92];
	s0 =	simm.s32 @p0 $0x1  }
0x13: {  	[smem:$0x3FAD] =	sst s0;
	s0 =	simm.s32 @!p1 $0x0  }
0x14: {  	s2 =	sld [smem:$0x3F91];
	s0 =	simm.s32 @p1 $0x1  }
0x15: {  	[smem:$0x3FAE] =	sst s0;
	s0 =	simm.s32 @!p2 $0x0  }
0x16: {  	s3 =	sld [smem:$0x3FDB];
	s0 =	simm.s32 @p2 $0x1  }
0x17: {  	s4 =	simm.s32 $0x1BF5;
	[smem:$0x3FB0] =	sst s0  }
0x18: {  	s0 =	sld [smem:$0x3F93];
	_ =	swait.ge [sflag:s4], $0x0  }
0x19: {  	s7 =	sld [smem:$0x3F94]  }
0x1a: {  	s8 =	sadd.s32 $0xFFFFE003, lr  }
0x1b: {  	s9 =	sadd.s32 $0xFFFFFEF7, lr;
	s5 =	simm.s32 $0xFFFFFFFF;
	p2 =	slt.u32 s8, $0xFFFFF086  }
0x1c: {  	p1 =	slt.u32 s9, $0xF7A;
	s5 =	simm.s32 @!p2 $0x0  }
0x1d: {  	s5 =	simm.s32 @p1 $0x1;
	p0 =	seq.s32 s7, s2  }
0x1e: {  	s7 =	smul.u32 @!p0 $0xF7A, s2;
	p2 =	seq.s32 @!p0 s5, $0x0  }
0x1f: {  	s9 =	smul.u32 $0xF7A, s1;
	s8 =	simm.s32 @!p0 $0x1BF5;
	p2 =	por !p2, p0  }
0x20: {  	[sflag:s8] =	ssyncset.s32 @!p0 $0xFFFFF086;
	s6 =	sadd.s32 @!p0 s3, s7;
	s7 =	simm.s32 @!p0 $0x108  }
0x21: {  	s3 =	sadd.s32 s3, s9;
	s6 =	sadd.s32 @!p0 $0x88, s6;
	s7 =	simm.s32 @p2 $0x1082  }
0x22: {  	[simem:s7], [sflag:s8] =	dma.local @!p0 [hbm:s6], $0xF7A  }
0x23: {  	s9 =	sor.u32 $0xD0000000, s2;
	s6 =	simm.s32 $0x108;
	_ =	swait.ge @!p0 [sflag:s8], $0x0  }
0x24: {  	s3 =	sadd.s32 $0x88, s3;
	s6 =	simm.s32 @!p1 $0x1082;
	[sflag:s4] =	ssyncset.s32 $0xFFFFF086  }
0x25: {  	[simem:s6], [sflag:s4] =	dma.local [hbm:s3], $0xF7A  }
0x26: {  	[smem:$0x3F94] =	sst s1;
	(tag) =	ssettag s2;
	_ =	strace s9  }
0x27: {  	s1 =	sld [smem:$0x3FA4]  }
0x28: {  	s2 =	sld [smem:$0x3FA5]  }
0x29: {  	s4 =	sld [smem:$0x3FA7]  }
0x2a: {  	p0 =	seq.s32 s5, $0x0;
	s5 =	sld [smem:$0x3FA8]  }
0x2b: {  	s6 =	sld [smem:$0x3FA9]  }
0x2c: {  	s7 =	sld [smem:$0x3FAA]  }
0x2d: {  	s3 =	simm.s32 $0x108;
	s8 =	sld [smem:$0x3FAB]  }
0x2e: {  	s3 =	simm.s32 @!p0 $0x1082;
	s9 =	sld [smem:$0x3FAC]  }
0x2f: {  	lr =	sadd.s32 s0, s3;
	s0 =	sld [smem:$0x3FA3]  }
0x30: {  	s3 =	sld [smem:$0x3FA6]  }
0x31: {  	[smem:$0x3FAF] =	sst s10  }
0x32: {  	s10 =	sld [smem:$0x3FAD];
	_ =	sdelay $0x3  }
0x33: {  	p0 =	seq.s32 s10, $0x1;
	s10 =	sld [smem:$0x3FAF];
	_ =	sdelay $0x3  }
0x34: {  	[smem:$0x3FAF] =	sst s10  }
0x35: {  	s10 =	sld [smem:$0x3FAE];
	_ =	sdelay $0x3  }
0x36: {  	p1 =	seq.s32 s10, $0x1;
	s10 =	sld [smem:$0x3FAF];
	_ =	sdelay $0x3  }
0x37: {  	[smem:$0x3FAF] =	sst s10  }
0x38: {  	s10 =	sld [smem:$0x3FB0]  }
0x39: {  	_ = 	snop;
	(pc) =	sbr.ind lr, $3  }
0x3a: {  	_ = 	snop  }
0x3b: {  	_ = 	snop  }
0x3c: {  	p2 =	seq.s32 s10, $0x1;
	s10 =	sld [smem:$0x3FAF]  }
0x3d: {  	_ =	shalt  }
0x3e: {  	_ =	shalt  }
0x3f: {  	_ =	shalt  }
0x40: {  	_ =	shalt  }
0x41: {  	_ =	shalt  }
0x42: {  	_ =	shalt  }
0x43: {  	_ =	shalt  }
0x44: {  	_ =	shalt  }
0x45: {  	_ =	shalt  }
0x46: {  	_ =	shalt  }
0x47: {  	_ =	shalt  }
0x48: {  	_ =	shalt  }
0x49: {  	_ =	shalt  }
0x4a: {  	_ =	shalt  }
0x4b: {  	_ =	shalt  }
0x4c: {  	_ =	shalt  }
0x4d: {  	_ =	shalt  }
0x4e: {  	_ =	shalt  }
0x4f: {  	_ =	shalt  }
0x50: {  	_ =	shalt  }
0x51: {  	_ =	shalt  }
0x52: {  	_ =	shalt  }
0x53: {  	_ =	shalt  }
0x54: {  	_ =	shalt  }
0x55: {  	_ =	shalt  }
0x56: {  	_ =	shalt  }
0x57: {  	_ =	shalt  }
0x58: {  	_ =	shalt  }
0x59: {  	_ =	shalt  }
0x5a: {  	_ =	shalt  }
0x5b: {  	_ =	shalt  }
0x5c: {  	_ =	shalt  }
0x5d: {  	_ =	shalt  }
0x5e: {  	_ =	shalt  }
0x5f: {  	_ =	shalt  }
0x60: {  	_ =	shalt  }
0x61: {  	_ =	shalt  }
0x62: {  	_ =	shalt  }
0x63: {  	_ =	shalt  }
0x64: {  	_ =	shalt  }
0x65: {  	_ =	shalt  }
0x66: {  	_ =	shalt  }
0x67: {  	_ =	shalt  }
0x68: {  	_ =	shalt  }
0x69: {  	_ =	shalt  }
0x6a: {  	_ =	shalt  }
0x6b: {  	_ =	shalt  }
0x6c: {  	_ =	shalt  }
0x6d: {  	_ =	shalt  }
0x6e: {  	_ =	shalt  }
0x6f: {  	_ =	shalt  }
0x70: {  	_ =	shalt  }
0x71: {  	_ =	shalt  }
0x72: {  	_ =	shalt  }
0x73: {  	_ =	shalt  }
0x74: {  	_ =	shalt  }
0x75: {  	_ =	shalt  }
0x76: {  	_ =	shalt  }
0x77: {  	_ =	shalt  }
0x78: {  	_ =	shalt  }
0x79: {  	_ =	shalt  }
0x7a: {  	_ =	shalt  }
0x7b: {  	_ =	shalt  }
0x7c: {  	_ =	shalt  }
0x7d: {  	_ =	shalt  }
0x7e: {  	_ =	shalt  }
0x7f: {  	_ =	shalt  }
0x80: {  	_ =	shalt  }
0x81: {  	_ =	shalt  }
0x82: {  	_ =	shalt  }
0x83: {  	_ =	shalt  }
0x84: {  	_ =	shalt  }
0x85: {  	_ =	shalt  }
0x86: {  	_ =	shalt  }
0x87: {  	_ =	shalt  }
.Lfunc_end0:
.L_simem_size_0:
called_computation_lowered:
.L_overlay_start_0:
0x88: {  	s2 =	sld [smem:$0x3FD9]  }
0x89: {  	s3 =	sld [smem:$0x3FFE];
	_ =	sdelay $0x1  }
0x8a: {  	s1 =	srdreg.scid  }
0x8b: {  	s0 =	sand.u32 $0x1, s1  }
0x8c: {  	s15 =	sshll.u32 s0, $0xA;
	s2 =	sadd.s32 s3, s2  }
0x8d: {  	s2 =	sadd.s32 s2, s15  }
0x8e: {  	[smem:$0x3FBB] =	sst s2  }
0x8f: {  	_ = 	snop  }
0x90: {  	s2 =	sld [smem:$0x3FD0];
	_ =	sdelay $0x2  }
0x91: {  	s4 =	simm.s32 $0xC;
	s16 =	simm.s32 $0x10  }
0x92: {  	[smem:s16], [sflag:s4] =	dma.local [hbm:s2], $0x1  }
0x93: {  	_ =	swait.eq [sflag:s4], $0x1  }
0x94: {  	[sflag:s4] =	ssyncset.done $0x0  }
0x95: {  	s17 =	sld [smem:$0x10];
	[sflag:s4] =	ssyncadd.s32 $0xFFFFFFFF  }
0x96: {  	s18 =	sld [smem:$0x11];
	(tm) =	ssettm $0x1  }
0x97: {  	s19 =	sld [smem:$0x3FFB];
	_ =	sdelay $0x3  }
0x98: {  	_ =	strace s19  }
0x99: {  	s2 =	sld [smem:$0x3FFC];
	_ =	sdelay $0x3  }
0x9a: {  	_ =	strace s2  }
0x9b: {  	s2 =	sld [smem:$0x3FFD];
	_ =	sdelay $0x3  }
0x9c: {  	_ =	strace s2  }
0x9d: {  	_ =	strace $0x8FFFFFFF  }
0x9e: {  	s20 =	sld [smem:$0x3FDB];
	_ =	sdelay $0x1  }
0x9f: {  	s5 =	simm.s32 $_scs_section_size  }
0xa0: {  	s6 =	simm.s32 $_size__tile_overlayer_lowered;
	s7 =	simm.s32 $_tile_overlayer_lowered  }
0xa1: {  	s8 =	simm.s32 $0x1BFF;
	s21 =	sshll.u32 s7, $0x1;
	s5 =	sadd.s32 s5, s20  }
0xa2: {  	s22 =	simm.s32 $0x0;
	s6 =	sshll.u32 s6, $0x1;
	s7 =	sadd.s32 s21, s5  }
0xa3: {  	[timem:s22], [sflag:s8] =	dma.local [hbm:s7], s6  }
0xa4: {  	_ =	swait.ge [sflag:s8], s6  }
0xa5: {  	s6 =	ssub.s32 $0x0, s6;
	[sflag:s8] =	ssyncset.done $0x0  }
0xa6: {  	[sflag:s8] =	ssyncadd.s32 s6;
	_ =	sdelay $0x1  }
0xa7: {  	s23 =	simm.s32 $0x1B8B  }
0xa8: {  	_ =	swait.ge [sflag:s23], $0x1  }
0xa9: {  	[sflag:s23] =	ssyncset.done $0x0  }
0xaa: {  	[sflag:s23] =	ssyncadd.s32 $0xFFFFFFFF  }
0xab: {  	s6 =	sld [smem:$0x0]  }
0xac: {  	s7 =	sand.u32 $0xFFFFFFFE, s1  }
0xad: {  	p0 =	sne.s32 s1, s7  }
0xae: {  	s7 =	sshll.u32 @p0 s7, $0xE  }
0xaf: {  	s7 =	sadd.s32 @p0 $0x11B8D, s7;
	s8 =	sshll.u32 @p0 s6, $0x11  }
0xb0: {  	s7 =	sor.u32 @p0 s8, s7  }
0xb1: {  	[sflag:s7] =	ssyncadd.remote.s32 @p0 $0x1;
	_ =	sdelay $0x1  }
0xb2: {  	s7 =	simm.s32 @p0 $0x1B8D  }
0xb3: {  	_ =	swait.eq @p0 [sflag:s7], $0x1  }
0xb4: {  	[sflag:s7] =	ssyncadd.s32 @p0 $0xFFFFFFFF  }
0xb5: {  	s8 =	sshll.u32 @!p0 s1, $0xE  }
0xb6: {  	s8 =	sor.u32 @!p0 $0x4000, s8;
	s7 =	simm.s32 @!p0 $0x1B8D  }
0xb7: {  	s9 =	sshll.u32 @!p0 s6, $0x11;
	s8 =	sadd.s32 @!p0 $0x11B8D, s8;
	_ =	swait.eq @!p0 [sflag:s7], $0x1  }
0xb8: {  	[sflag:s7] =	ssyncadd.s32 @!p0 $0xFFFFFFFF;
	s7 =	sor.u32 @!p0 s9, s8  }
0xb9: {  	s25 =	simm.s32 $0x1B8E;
	s24 =	sld [smem:$0x3FFE];
	[sflag:s7] =	ssyncadd.remote.s32 @!p0 $0x1  }
0xba: {  	s26 =	simm.s32 $execute0_lowered;
	[smem:$0x3FD2] =	sst s25  }
0xbb: {  	s8 =	sshll.u32 s26, $0x1;
	_ =	strace $0x8000004C;
	[dreg:$0x1] =	wrdreg $0xFFFFFFFF  }
0xbc: {  	s28 =	simm.s32 $_size_execute0_lowered;
	s5 =	sadd.s32 s5, s8;
	[dreg:$0x0] =	wrdreg $0x0  }
0xbd: {  	s8 =	sshll.u32 s28, $0x1;
	[dreg:$0x2] =	wrdreg s5  }
0xbe: {  	[dreg:$0x3] =	wrdreg s8  }
0xbf: {  	[dreg:$0x4] =	wrdreg $0xC0  }
0xc0: {  	_ =	task [dreg:s22], $0x5FFFF  }
0xc1: {  	[dreg:$0x1] =	wrdreg $0xFFFFFFFF  }
0xc2: {  	[dreg:$0x0] =	wrdreg $0x60  }
0xc3: {  	[dreg:$0x2] =	wrdreg s24  }
0xc4: {  	[dreg:$0x3] =	wrdreg s18  }
0xc5: {  	[dreg:$0x4] =	wrdreg s17  }
0xc6: {  	[dreg:$0x5] =	wrdreg s1  }
0xc7: {  	[dreg:$0x6] =	wrdreg s6  }
0xc8: {  	[dreg:$0x7] =	wrdreg $0x9  }
0xc9: {  	_ =	task.clear_ibuf [dreg:s22], $0x8FFFF;
	_ =	strace $0x9000004C  }
0xca: {  	s29 =	simm.s32 $0x9;
	_ =	strace $0x8000004E  }
0xcb: {  	_ =	swait.ge [sflag:s29], $0x1  }
0xcc: {  	[sflag:s29] =	ssyncadd.s32 $0xFFFFFFFF  }
0xcd: {  	_ =	strace $0x9000004E  }
0xce: {  	_ =	sfence  }
0xcf: {  	s30 =	sld [smem:$0x0];
	_ =	sdelay $0x2  }
0xd0: {  	s31 =	sshll.u32 s1, $0xD;
	s1 =	sshrl.u32 s1, $0x2  }
0xd1: {  	s4 =	sand.u32 $0x4000, s31;
	s1 =	sadd.s32 s1, s30  }
0xd2: {  	s0 =	sor.u32 s4, s0;
	s1 =	sshll.u32 s1, $0x11  }
0xd3: {  	s0 =	sor.u32 s1, s0  }
0xd4: {  	s0 =	sadd.s32 $0x8F2B, s0  }
0xd5: {  	[sflag:s0] =	ssyncadd.remote.s32 $0x1  }
0xd6: {  	_ =	sfence.sel $0xFFFF  }
0xd7: {  	[dreg:$0x0] =	wrdreg $0xFFFFFFFF;
	(pc) =	sbr.abs _section_cstart, $3  }
0xd8: {  	[dreg:$0x1] =	wrdreg $0xFFFFFFFF  }
0xd9: {  	_ =	task.clear_ibuf [dreg:s22], $0x2FFFF;
	_ =	strace $0x9FFFFFFF  }
0xda: {  	(tm) =	ssettm $0x7FFFFFFF  }
0xdb: {  	_ =	shalt  }
tec
execute0_lowered:
.L_overlay_start_1:
0x0: {  	(tag) =	ssettag $0x1  }
0x1: {  	s4 =	rddreg [dreg:$0x0]  }
0x2: {  	s0 =	rddreg [dreg:$0x1]  }
0x3: {  	s2 =	rddreg [dreg:$0x2]  }
0x4: {  	s5 =	rddreg [dreg:$0x3];
	_ =	strace $0x8000004D;
	s1 =	simm.s32 $0x1  }
0x5: {  	s3 =	simm.s32 $0x88;
	v0 =	vimm.s32 $0x0;
	[sflag:s1] =	ssyncpa.u1 $0x0  }
0x6: {  	[tilespmem:s3+$0x30] =	vst v0  }
0x7: {  	s1 =	sadd.s32 $0x515400, s4;
	[tilespmem:s3+$0x20] =	vst v0  }
0x8: {  	s6 =	sadd.s32 $0x15400, s4;
	s5 =	sand.u32 $0x1, s5;
	s4 =	simm.s32 $0x40;
	[tilespmem:s3+$0x10] =	vst v0  }
.LBB2_1:
0x9: {  	s4 =	sadd.s32 $0x40, s4  }
0xa: {  	[tilespmem:s3+$0x0] =	vst v0;
	s3 =	sadd.s32 $0x40, s3;
	p0 =	slt.u32 s4, $0x5040  }
.Ltmp0:
0xb: {  	(pc) =	sbr.rel @p0 .LBB2_1-.Ltmp0, $4  }
0xc: {  	_ = 	snop  }
0xd: {  	[tilespmem:s3+$0x30] =	vst v0  }
0xe: {  	[tilespmem:s3+$0x20] =	vst v0  }
0xf: {  	[tilespmem:s3+$0x10] =	vst v0  }
0x10: {  	s28 =	simm.s32 $0x2  }
0x11: {  	s4 =	stileid.u32;
	s29 =	simm.s32 $0x9;
	s30 =	simm.s32 $0xA  }
0x12: {  	s7 =	simm.s32 $0xB;
	[dreg:$0x6] =	wrdreg s5;
	s31 =	smul.u32 $0x5000, s5  }
0x13: {  	s16 =	simm.s32 $0x0;
	p0 =	por $0x1, $0x1;
	s17 =	simm.s32 $0xFF  }
0x14: {  	p1 =	por $0x0, $0x0;
	s18 =	simm.s32 $0x1;
	s12 =	simm.s32 $0xC  }
0x15: {  	s23 =	simm.s32 $0x0;
	s21 =	simm.s32 $0x0;
	s9 =	smul.u32 $0x2800, s4  }
.Ltmp1:
0x16: {  	s20 =	simm.s32 $0x0;
	s0 =	sadd.s32 s31, s0;
	(pc) =	sbr.rel .LBB2_3-.Ltmp1, $4  }
0x17: {  	[tilespmem:s3+$0x0] =	vst v0;
	v0 =	vimm.s32 $0xFFFFFFFF;
	[sflag:s28] =	ssyncpa.u1 $0x0;
	s15 =	sshll.u32 s4, $0x7;
	[dreg:$0xa] =	wrdreg s0  }
0x18: {  	[tilespmem:$0xA108] =	vst v0;
	[sflag:s29] =	ssyncpa.u1 $0x0;
	s11 =	sadd.s32 s31, s2;
	[dreg:$0x7] =	wrdreg s9  }
0x19: {  	[sflag:s30] =	ssyncpa.u1 $0x0;
	s10 =	sadd.s32 $0x2800, s9;
	[dreg:$0x9] =	wrdreg s11  }
0x1a: {  	v0 =	vlaneseq.u32;
	s22 =	smov.u32 s9;
	[sflag:s7] =	ssyncpa.u1 $0x0;
	[dreg:$0x8] =	wrdreg s10  }
.LBB2_22:
0x1b: {  	s2 =	sshrl.u32 s4, $0x2  }
.LBB2_24:
0x1c: {  	_ =	swait.ge [sflag:s12], s2  }
0x1d: {  	s31 =	ssub.s32 $0x0, s2;
	v1 =	vmov s26;
	vm0 =	veq.s32 v0, $0x0;
	[sflag:s12] =	ssyncset.done $0x0  }
0x1e: {  	vm15 =	veq.s32 v0, $0x2;
	v1 =	vsel vm0, s0, v1;
	[sflag:s12] =	ssyncadd.s32 s31  }
0x1f: {  	v1 =	vsel vm15, s23, v1;
	[sflag:s12] =	ssyncpa.u1 $0x1  }
0x20: {  	[tilespmem:$0xA108] =	vst v1  }
.LBB2_25:
0x21: {  	s0 =	sadd.s32 $0x140, s22  }
0x22: {  	s2 =	smov.u32 s9;
	s20 =	sadd.s32 $0x1, s20;
	p2 =	slt.s32 s0, s10  }
0x23: {  	s2 =	smov.u32 @p2 s0;
	p2 =	sne.s32 s20, $0x22  }
.Ltmp2:
0x24: {  	_ = 	snop;
	(pc) =	sbr.rel @!p2 .LBB2_26-.Ltmp2, $3  }
0x25: {  	_ =	sdelay $0x1  }
0x26: {  	s23 =	smov.u32 s21;
	s21 =	smov.u32 s22;
	p0 =	por !p0, !p0  }
0x27: {  	s17 =	sadd.s32 $0x1, s17;
	p1 =	por !p1, !p1;
	s22 =	smov.u32 s2  }
.LBB2_3:
0x28: {  	p2 =	sgt.u32 s20, $0x1F  }
0x29: {  	s0 =	smul.u32 @!p2 $0xAB, s20;
	_ =	sdelay $0x1  }
0x2a: {  	s0 =	sshrl.u32 @!p2 s0, $0x9  }
0x2b: {  	s2 =	smov.u32 s22;
	p3 =	sgt.s32 @!p2 s22, $0x27EC0;
	s0 =	sand.u32 @!p2 $0x7F, s0  }
0x2c: {  	s3 =	sshra.s32 @!p2 s22, $0x1F;
	p3 =	por !p3, p2;
	s0 =	smul.u32 @!p2 $0x3, s0  }
0x2d: {  	s3 =	sand.u32 @!p2 s3, s22;
	s2 =	simm.s32 @p3 $0x27EC0  }
0x2e: {  	s2 =	ssub.s32 @!p2 s2, s3;
	s0 =	ssub.s32 @!p2 s20, s0  }
0x2f: {  	s2 =	sadd.s32 @!p2 $0xFFFD8140, s2;
	s0 =	sand.u32 @!p2 $0xFF, s0  }
0x30: {  	s3 =	sshll.u32 @!p2 s2, $0x2;
	p3 =	sgt.s32 @!p2 s2, $0x13F;
	s0 =	smul.u32 @!p2 $0x500, s0  }
0x31: {  	s4 =	sand.u32 @!p2 $0x7, s22;
	s2 =	ssub.s32 @!p2 $0x500, s3;
	p3 =	por !p3, p2  }
0x32: {  	s3 =	sshrl.u32 @!p2 s22, $0x3;
	s2 =	sshrl.u32 @!p2 s2, $0x2;
	s0 =	sshrl.u32 @!p2 s0, $0x2  }
0x33: {  	s3 =	sadd.s32 @!p2 s3, s11;
	s2 =	simm.s32 @!p3 $0x0;
	s0 =	sadd.s32 @!p2 $0xA948, s0  }
0x34: {  	[tilespmem:s0], [sflag:$0xA] =	stream.linear.gather @!p2 [hbm4b:s3+s4], s2, $0x38;
	[tilespmem:$0x1EF88] =	vst v63  }
0x35: {  	s0 =	sadd.s32 $0xFFFFFFFF, s20  }
0x36: {  	p2 =	sgt.u32 s0, $0x1F  }
.Ltmp3:
0x37: {  	_ = 	snop;
	(pc) =	sbr.rel @p2 .LBB2_7-.Ltmp3, $1  }
0x38: {  	_ =	sdelay $0x3  }
0x39: {  	p2 =	sgt.s32 s21, $0x27EC0;
	s2 =	smov.u32 s21;
	s3 =	sshra.s32 s21, $0x1F  }
0x3a: {  	s4 =	sand.u32 $0xFF, s17;
	s2 =	simm.s32 @!p2 $0x27EC0;
	s3 =	sand.u32 s3, s21  }
0x3b: {  	s31 =	smulhi.u32 $0x55555556, s4;
	s2 =	ssub.s32 s2, s3  }
0x3c: {  	s0 =	sand.u32 $0x1, s0;
	s4 =	smul.u32 $0x500, s4;
	s2 =	sadd.s32 $0xFFFD8140, s2  }
0x3d: {  	s7 =	simm.s32 $0xA;
	s0 =	smul.u32 $0x500, s0;
	s5 =	sshll.u32 s2, $0x2  }
0x3e: {  	s9 =	sshrl.u32 s21, $0x3;
	s3 =	smul.u32 $0xF00, s31;
	s5 =	ssub.s32 $0x500, s5  }
0x3f: {  	s11 =	sand.u32 $0x7, s21;
	p2 =	sgt.s32 s2, $0x13F;
	s2 =	sshrl.u32 s5, $0x2  }
0x40: {  	s0 =	sshrl.u32 s0, $0x2;
	s3 =	ssub.s32 s4, s3;
	s2 =	simm.s32 @p2 $0x0  }
0x41: {  	s0 =	sadd.s32 $0xAD08, s0;
	s3 =	sshra.s32 s3, $0x2;
	_ =	swait.ge [sflag:s7], s2  }
0x42: {  	s8 =	ssub.s32 $0x0, s2;
	[sflag:s7] =	ssyncset.done $0x0;
	s10 =	rddreg [dreg:$0xa]  }
0x43: {  	s28 =	sadd.s32 $0xA948, s3;
	[sflag:s7] =	ssyncadd.s32 s8;
	s3 =	sadd.s32 s9, s10  }
0x44: {  	[tilespmem:s0], [sflag:$0xB] =	stream.linear.gather [hbm4b:s3+s11], s2, $0x38;
	[tilespmem:$0x1EF88] =	vst v63  }
0x45: {  	v1 =	vld.msk [tilespmem:s28+$0x0], $0xffff;
	_ =	sdelay $0x4  }
0x46: {  	v1 =	vshll.u32 v1, $0x4  }
0x47: {  	(v2sf) =	vpush v1, $0x0  }
0x48: {  	(v2sf) =	vpush v1, $0x1  }
0x49: {  	(v2sf) =	vpush v1, $0x2;
	_ =	sdelay $0x1  }
0x4a: {  	(v2sf) =	vpush v1, $0x3;
	_ =	sdelay $0x1  }
0x4b: {  	s0 =	simm.s32 $0x1;
	(v2sf) =	vpush v1, $0x4  }
0x4c: {  	s0 =	simm.s32 @!p0 $0x0  }
0x4d: {  	s0 =	smul.u32 $0x28000, s0;
	(v2sf) =	vpush v1, $0x5;
	_ =	sdelay $0x1  }
0x4e: {  	s0 =	sshrl.u32 s0, $0x2;
	(v2sf) =	vpush v1, $0x6  }
0x4f: {  	s24 =	sadd.s32 $0xB708, s0  }
0x50: {  	s28 =	sadd.s32 $0x10, s28;
	s0 =	sadd.s32 $0xFFFFFE80, s24;
	s2 =	sadd.s32 $0xFFFFFD00, s24;
	(v2sf) =	vpush v1, $0x7  }
0x51: {  	s4 =	sadd.s32 $0xFFFFFD80, s24;
	s3 =	sadd.s32 $0xFFFFFE00, s24;
	s5 =	sadd.s32 $0xFFFFFB80, s24  }
0x52: {  	s26 =	sadd.s32 $0xFFFFFA00, s24;
	s29 =	sadd.s32 $0xFFFFFA80, s24;
	s30 =	sadd.s32 $0xFFFFFB00, s24;
	(v2sf) =	vpush v1, $0x8  }
0x53: {  	s31 =	sadd.s32 $0xFFFFF900, s24;
	s7 =	sadd.s32 $0xFFFFF980, s24;
	s8 =	spop (v2sf)  }
0x54: {  	s10 =	sadd.s32 $0xFFFFF880, s24;
	(v2sf) =	vpush v1, $0x9;
	s8 =	sand.u32 $0x1FFFFFF0, s8;
	s11 =	spop (v2sf)  }
0x55: {  	s8 =	sadd.s32 s6, s8;
	s11 =	sand.u32 $0x1FFFFFF0, s11;
	s13 =	spop (v2sf)  }
0x56: {  	[tilespmem:s10], [sflag:$0x9] =	stream.linear.gather [hbm4b:s8+s16], $0x40, $0x38;
	[tilespmem:$0x1EF88] =	vst v63  }
0x57: {  	(v2sf) =	vpush v1, $0xA;
	s12 =	sadd.s32 s6, s11;
	s19 =	sand.u32 $0x1FFFFFF0, s13;
	s9 =	spop (v2sf)  }
0x58: {  	(v2sf) =	vpush v1, $0xB;
	[tilespmem:s31], [sflag:$0x9] =	stream.linear.gather [hbm4b:s12+s16], $0x40, $0x38;
	[tilespmem:$0x1EF88] =	vst v63  }
0x59: {  	s10 =	sadd.s32 s6, s19;
	s13 =	spop (v2sf);
	s12 =	sand.u32 $0x1FFFFFF0, s9  }
0x5a: {  	(v2sf) =	vpush v1, $0xC;
	[tilespmem:s7], [sflag:$0x9] =	stream.linear.gather [hbm4b:s10+s16], $0x40, $0x38;
	[tilespmem:$0x1EF88] =	vst v63  }
0x5b: {  	s31 =	sand.u32 $0x1FFFFFF0, s13;
	s9 =	spop (v2sf);
	s19 =	sadd.s32 s6, s12  }
0x5c: {  	(v2sf) =	vpush v1, $0xD;
	[tilespmem:s26], [sflag:$0x9] =	stream.linear.gather [hbm4b:s19+s16], $0x40, $0x38;
	[tilespmem:$0x1EF88] =	vst v63  }
0x5d: {  	s11 =	sadd.s32 s6, s31;
	s12 =	sand.u32 $0x1FFFFFF0, s9;
	s13 =	spop (v2sf)  }
0x5e: {  	(v2sf) =	vpush v1, $0xE;
	[tilespmem:s29], [sflag:$0x9] =	stream.linear.gather [hbm4b:s11+s16], $0x40, $0x38;
	[tilespmem:$0x1EF88] =	vst v63  }
0x5f: {  	s19 =	sadd.s32 s6, s12;
	s26 =	sand.u32 $0x1FFFFFF0, s13;
	s29 =	spop (v2sf)  }
0x60: {  	(v2sf) =	vpush v1, $0xF;
	[tilespmem:s30], [sflag:$0x9] =	stream.linear.gather [hbm4b:s19+s16], $0x40, $0x38;
	[tilespmem:$0x1EF88] =	vst v63  }
0x61: {  	s14 =	sadd.s32 $0xFFFFFC00, s24;
	s9 =	spop (v2sf);
	s30 =	sadd.s32 s6, s26  }
0x62: {  	[tilespmem:s5], [sflag:$0x9] =	stream.linear.gather [hbm4b:s30+s16], $0x40, $0x38;
	[tilespmem:$0x1EF88] =	vst v63  }
0x63: {  	s25 =	sadd.s32 $0xFFFFFC80, s24;
	s31 =	sand.u32 $0x1FFFFFF0, s29;
	s13 =	spop (v2sf)  }
0x64: {  	s11 =	sadd.s32 s6, s31;
	s12 =	sand.u32 $0x1FFFFFF0, s9;
	s19 =	sand.u32 $0x1FFFFFF0, s13  }
0x65: {  	[tilespmem:s14], [sflag:$0x9] =	stream.linear.gather [hbm4b:s11+s16], $0x40, $0x38;
	[tilespmem:$0x1EF88] =	vst v63  }
0x66: {  	s26 =	spop (v2sf);
	s14 =	sadd.s32 s6, s12;
	s29 =	sadd.s32 s6, s19  }
0x67: {  	s30 =	sand.u32 $0x1FFFFFF0, s26;
	s31 =	spop (v2sf);
	s19 =	sadd.s32 $0xFFFFFF00, s24  }
0x68: {  	[tilespmem:s25], [sflag:$0x9] =	stream.linear.gather [hbm4b:s14+s16], $0x40, $0x38;
	[tilespmem:$0x1EF88] =	vst v63  }
0x69: {  	s5 =	sadd.s32 s6, s30;
	s7 =	sand.u32 $0x1FFFFFF0, s31;
	s8 =	spop (v2sf)  }
0x6a: {  	[tilespmem:s2], [sflag:$0x9] =	stream.linear.gather [hbm4b:s29+s16], $0x40, $0x38;
	[tilespmem:$0x1EF88] =	vst v63  }
0x6b: {  	s31 =	sadd.s32 $0xFFFFFF80, s24;
	s10 =	sand.u32 $0x1FFFFFF0, s8;
	s11 =	spop (v2sf)  }
0x6c: {  	[tilespmem:s4], [sflag:$0x9] =	stream.linear.gather [hbm4b:s5+s16], $0x40, $0x38;
	[tilespmem:$0x1EF88] =	vst v63  }
0x6d: {  	s9 =	sadd.s32 s6, s7;
	s12 =	sadd.s32 s6, s10;
	s14 =	spop (v2sf)  }
0x6e: {  	[tilespmem:s3], [sflag:$0x9] =	stream.linear.gather [hbm4b:s9+s16], $0x40, $0x38;
	[tilespmem:$0x1EF88] =	vst v63  }
0x6f: {  	s13 =	sand.u32 $0x1FFFFFF0, s11;
	s26 =	sand.u32 $0x1FFFFFF0, s14;
	s29 =	spop (v2sf)  }
0x70: {  	[tilespmem:s0], [sflag:$0x9] =	stream.linear.gather [hbm4b:s12+s16], $0x40, $0x38;
	[tilespmem:$0x1EF88] =	vst v63  }
0x71: {  	s25 =	sadd.s32 s6, s13;
	s30 =	sadd.s32 s6, s26;
	s0 =	sand.u32 $0x1FFFFFF0, s29  }
0x72: {  	[tilespmem:s19], [sflag:$0x9] =	stream.linear.gather [hbm4b:s25+s16], $0x40, $0x38;
	[tilespmem:$0x1EF88] =	vst v63  }
0x73: {  	s26 =	sadd.s32 $0x800, s24;
	s0 =	sadd.s32 s6, s0;
	s25 =	simm.s32 $0x0  }
0x74: {  	[tilespmem:s31], [sflag:$0x9] =	stream.linear.gather [hbm4b:s30+s16], $0x40, $0x38;
	[tilespmem:$0x1EF88] =	vst v63  }
.LBB2_5:
0x75: {  	[tilespmem:s24], [sflag:$0x9] =	stream.linear.gather [hbm4b:s0+s16], $0x40, $0x38;
	[tilespmem:$0x1EF88] =	vst v63  }
0x76: {  	s25 =	sadd.s32 $0x10, s25;
	s24 =	smov.u32 s26  }
0x77: {  	p2 =	slt.u32 s25, $0x130;
	v1 =	vld.msk [tilespmem:s28+$0x0], $0xffff;
	_ =	sdelay $0x4  }
0x78: {  	v1 =	vshll.u32 v1, $0x4  }
0x79: {  	(v2sf) =	vpush v1, $0x0  }
0x7a: {  	(v2sf) =	vpush v1, $0x1  }
0x7b: {  	(v2sf) =	vpush v1, $0x2;
	_ =	sdelay $0x1  }
0x7c: {  	(v2sf) =	vpush v1, $0x3;
	_ =	sdelay $0x1  }
0x7d: {  	(v2sf) =	vpush v1, $0x4;
	_ =	sdelay $0x1  }
0x7e: {  	(v2sf) =	vpush v1, $0x5;
	_ =	sdelay $0x1  }
0x7f: {  	(v2sf) =	vpush v1, $0x6  }
0x80: {  	s30 =	sadd.s32 $0xFFFFFE80, s26;
	s29 =	sadd.s32 $0xFFFFFF00, s26  }
0x81: {  	s4 =	sadd.s32 $0xFFFFFD00, s26;
	s0 =	sadd.s32 $0xFFFFFD80, s26;
	s31 =	sadd.s32 $0xFFFFFE00, s26;
	(v2sf) =	vpush v1, $0x7  }
0x82: {  	s2 =	sadd.s32 $0xFFFFFB80, s26;
	s3 =	sadd.s32 $0xFFFFFC00, s26;
	s5 =	sadd.s32 $0xFFFFFC80, s26  }
0x83: {  	s7 =	sadd.s32 $0xFFFFFA00, s26;
	s8 =	sadd.s32 $0xFFFFFA80, s26;
	s10 =	sadd.s32 $0xFFFFFB00, s26;
	(v2sf) =	vpush v1, $0x8  }
0x84: {  	s11 =	sadd.s32 $0xFFFFF900, s26;
	s13 =	sadd.s32 $0xFFFFF980, s26;
	s14 =	spop (v2sf)  }
0x85: {  	s9 =	sadd.s32 $0xFFFFF880, s26;
	s14 =	sand.u32 $0x1FFFFFF0, s14;
	s19 =	spop (v2sf);
	(v2sf) =	vpush v1, $0x9  }
0x86: {  	s14 =	sadd.s32 s6, s14;
	s19 =	sand.u32 $0x1FFFFFF0, s19;
	s12 =	spop (v2sf)  }
0x87: {  	[tilespmem:s9], [sflag:$0x9] =	stream.linear.gather [hbm4b:s14+s16], $0x40, $0x38;
	(v2sf) =	vpush v1, $0xA;
	[tilespmem:$0x1EF88] =	vst v63  }
0x88: {  	s9 =	sadd.s32 s6, s19;
	s12 =	sand.u32 $0x1FFFFFF0, s12;
	s14 =	spop (v2sf)  }
0x89: {  	[tilespmem:s11], [sflag:$0x9] =	stream.linear.gather [hbm4b:s9+s16], $0x40, $0x38;
	(v2sf) =	vpush v1, $0xB;
	[tilespmem:$0x1EF88] =	vst v63  }
0x8a: {  	s9 =	sadd.s32 s6, s12;
	s11 =	sand.u32 $0x1FFFFFF0, s14;
	s12 =	spop (v2sf)  }
0x8b: {  	[tilespmem:s13], [sflag:$0x9] =	stream.linear.gather [hbm4b:s9+s16], $0x40, $0x38;
	(v2sf) =	vpush v1, $0xC;
	[tilespmem:$0x1EF88] =	vst v63  }
0x8c: {  	s9 =	sadd.s32 s6, s11;
	s11 =	sand.u32 $0x1FFFFFF0, s12;
	s12 =	spop (v2sf)  }
0x8d: {  	[tilespmem:s7], [sflag:$0x9] =	stream.linear.gather [hbm4b:s9+s16], $0x40, $0x38;
	(v2sf) =	vpush v1, $0xD;
	[tilespmem:$0x1EF88] =	vst v63  }
0x8e: {  	s7 =	sadd.s32 s6, s11;
	s9 =	sand.u32 $0x1FFFFFF0, s12;
	s11 =	spop (v2sf)  }
0x8f: {  	[tilespmem:s8], [sflag:$0x9] =	stream.linear.gather [hbm4b:s7+s16], $0x40, $0x38;
	(v2sf) =	vpush v1, $0xE;
	[tilespmem:$0x1EF88] =	vst v63  }
0x90: {  	s7 =	sadd.s32 s6, s9;
	s8 =	sand.u32 $0x1FFFFFF0, s11;
	s9 =	spop (v2sf)  }
0x91: {  	[tilespmem:s10], [sflag:$0x9] =	stream.linear.gather [hbm4b:s7+s16], $0x40, $0x38;
	(v2sf) =	vpush v1, $0xF;
	[tilespmem:$0x1EF88] =	vst v63  }
0x92: {  	s7 =	sadd.s32 s6, s8;
	s8 =	sand.u32 $0x1FFFFFF0, s9;
	s9 =	spop (v2sf)  }
0x93: {  	[tilespmem:s2], [sflag:$0x9] =	stream.linear.gather [hbm4b:s7+s16], $0x40, $0x38;
	[tilespmem:$0x1EF88] =	vst v63  }
0x94: {  	s2 =	sadd.s32 s6, s8;
	s7 =	sand.u32 $0x1FFFFFF0, s9;
	s8 =	spop (v2sf)  }
0x95: {  	[tilespmem:s3], [sflag:$0x9] =	stream.linear.gather [hbm4b:s2+s16], $0x40, $0x38;
	[tilespmem:$0x1EF88] =	vst v63  }
0x96: {  	s2 =	sadd.s32 s6, s7;
	s3 =	sand.u32 $0x1FFFFFF0, s8;
	s7 =	spop (v2sf)  }
0x97: {  	[tilespmem:s5], [sflag:$0x9] =	stream.linear.gather [hbm4b:s2+s16], $0x40, $0x38;
	[tilespmem:$0x1EF88] =	vst v63  }
0x98: {  	s2 =	sadd.s32 s6, s3;
	s3 =	sand.u32 $0x1FFFFFF0, s7;
	s5 =	spop (v2sf)  }
0x99: {  	[tilespmem:s4], [sflag:$0x9] =	stream.linear.gather [hbm4b:s2+s16], $0x40, $0x38;
	[tilespmem:$0x1EF88] =	vst v63  }
0x9a: {  	s2 =	sadd.s32 s6, s3;
	s3 =	sand.u32 $0x1FFFFFF0, s5;
	s4 =	spop (v2sf)  }
0x9b: {  	[tilespmem:s0], [sflag:$0x9] =	stream.linear.gather [hbm4b:s2+s16], $0x40, $0x38;
	[tilespmem:$0x1EF88] =	vst v63  }
0x9c: {  	s0 =	sadd.s32 s6, s3;
	s2 =	sand.u32 $0x1FFFFFF0, s4;
	s3 =	spop (v2sf)  }
0x9d: {  	[tilespmem:s31], [sflag:$0x9] =	stream.linear.gather [hbm4b:s0+s16], $0x40, $0x38;
	[tilespmem:$0x1EF88] =	vst v63  }
0x9e: {  	s0 =	sadd.s32 s6, s2;
	s2 =	sand.u32 $0x1FFFFFF0, s3;
	s3 =	spop (v2sf)  }
0x9f: {  	[tilespmem:s30], [sflag:$0x9] =	stream.linear.gather [hbm4b:s0+s16], $0x40, $0x38;
	[tilespmem:$0x1EF88] =	vst v63  }
0xa0: {  	s0 =	sadd.s32 s6, s2  }
.Ltmp4:
0xa1: {  	s2 =	sand.u32 $0x1FFFFFF0, s3;
	s3 =	spop (v2sf);
	(pc) =	sbr.rel @p2 .LBB2_5-.Ltmp4, $4  }
0xa2: {  	[tilespmem:s29], [sflag:$0x9] =	stream.linear.gather [hbm4b:s0+s16], $0x40, $0x38;
	[tilespmem:$0x1EF88] =	vst v63  }
0xa3: {  	s0 =	sadd.s32 s6, s2;
	s2 =	sadd.s32 $0xFFFFFF80, s26;
	s3 =	sand.u32 $0x1FFFFFF0, s3  }
0xa4: {  	[tilespmem:s2], [sflag:$0x9] =	stream.linear.gather [hbm4b:s0+s16], $0x40, $0x38;
	[tilespmem:$0x1EF88] =	vst v63  }
0xa5: {  	s28 =	sadd.s32 $0x10, s28;
	s26 =	sadd.s32 $0x800, s26;
	s0 =	sadd.s32 s6, s3  }
0xa6: {  	[tilespmem:s24], [sflag:$0x9] =	stream.linear.gather [hbm4b:s0+s16], $0x40, $0x38;
	[tilespmem:$0x1EF88] =	vst v63  }
0xa7: {  	s9 =	rddreg [dreg:$0x7]  }
0xa8: {  	s10 =	rddreg [dreg:$0x8]  }
0xa9: {  	s11 =	rddreg [dreg:$0x9];
	s12 =	simm.s32 $0xC  }
.LBB2_7:
0xaa: {  	p2 =	slt.u32 s20, $0x2  }
.Ltmp5:
0xab: {  	_ = 	snop;
	(pc) =	sbr.rel @p2 .LBB2_25-.Ltmp5, $1  }
0xac: {  	_ =	sdelay $0x3  }
0xad: {  	p2 =	sgt.s32 s23, $0x27EC0;
	s0 =	smov.u32 s23;
	s2 =	sshra.s32 s23, $0x1F  }
0xae: {  	s0 =	simm.s32 @!p2 $0x27EC0;
	s2 =	sand.u32 s2, s23  }
0xaf: {  	s0 =	ssub.s32 s0, s2  }
0xb0: {  	s0 =	sadd.s32 $0xFFFD8140, s0  }
0xb1: {  	s3 =	simm.s32 $0x9;
	s30 =	sshll.u32 s0, $0x2  }
0xb2: {  	_ =	swait.ge [sflag:s3], $0x5000;
	s2 =	ssub.s32 $0x500, s30  }
0xb3: {  	[sflag:s3] =	ssyncset.done $0x0;
	p2 =	sgt.s32 s0, $0x13F;
	s0 =	sshrl.u32 s2, $0x2  }
0xb4: {  	s31 =	simm.s32 $0xB;
	[sflag:s3] =	ssyncadd.s32 $0xFFFFB000;
	s0 =	simm.s32 @p2 $0x0  }
0xb5: {  	_ =	swait.ge [sflag:s31], s0  }
0xb6: {  	s0 =	ssub.s32 $0x0, s0;
	[sflag:s31] =	ssyncset.done $0x0  }
0xb7: {  	[sflag:s31] =	ssyncadd.s32 s0  }
0xb8: {  	v1 =	vld [tilespmem:$0xA108];
	_ =	sdelay $0x4  }
0xb9: {  	(v2sf) =	vpush v1, $0x0  }
0xba: {  	(v2sf) =	vpush v1, $0x1  }
0xbb: {  	(v2sf) =	vpush v1, $0x2;
	_ =	sdelay $0x3  }
0xbc: {  	s2 =	sadd.s32 $0x140, s23  }
0xbd: {  	s3 =	ssub.s32 $0x50000, s23;
	p2 =	slt.s32 s10, s2  }
0xbe: {  	s2 =	smov.u32 @p2 s10;
	p2 =	sgt.s32 s3, $0x0  }
0xbf: {  	s24 =	ssub.s32 s2, s23;
	s3 =	simm.s32 @!p2 $0x0  }
0xc0: {  	p2 =	slt.s32 s3, s24  }
0xc1: {  	s24 =	smov.u32 @p2 s3  }
0xc2: {  	s0 =	simm.s32 $0x1;
	p2 =	slt.s32 s24, $0x1  }
.Ltmp6:
0xc3: {  	s0 =	simm.s32 @!p1 $0x0;
	(pc) =	sbr.rel @p2 .LBB2_12-.Ltmp6, $4  }
0xc4: {  	s4 =	smul.u32 $0x500, s0  }
0xc5: {  	s2 =	spop (v2sf)  }
0xc6: {  	s4 =	sshrl.u32 s4, $0x2;
	s3 =	spop (v2sf)  }
0xc7: {  	s25 =	sadd.s32 $0xAD08, s4;
	s23 =	spop (v2sf)  }
0xc8: {  	s4 =	smin.u32 s24, $0x10  }
0xc9: {  	v1 =	vmov s4  }
0xca: {  	p3 =	sgt.s32 s24, $0x10;
	vm1 =	vgt.u32 v1, v0  }
.Ltmp7:
0xcb: {  	_ = 	snop;
	(pc) =	sbr.rel @!p3 .LBB2_11-.Ltmp7, $2  }
0xcc: {  	_ =	sdelay $0x2  }
0xcd: {  	s5 =	simm.s32 $0x10;
	s26 =	sadd.s32 $0xFFFFFFF0, s24;
	s4 =	smov.u32 s25;
	vm0 =	vmmov vm1  }
.LBB2_10:
0xce: {  	s7 =	smin.u32 s26, $0x10;
	s5 =	sadd.s32 $0x10, s5;
	v1 =	vld.msk [tilespmem:s4+$0x0 ss:$0x1], vm1  }
0xcf: {  	v2 =	vmov s7;
	p3 =	slt.s32 s5, s24  }
0xd0: {  	vm1 =	vgt.u32 v2, v0  }
.Ltmp8:
0xd1: {  	(pc) =	sbr.rel @p3 .LBB2_10-.Ltmp8, $3  }
0xd2: {  	_ =	sdelay $0x1  }
0xd3: {  	v1 =	vshll.u32 v1, $0x4  }
0xd4: {  	s26 =	sadd.s32 $0xFFFFFFF0, s26;
	[tilespmem:s4+$0x0] =	vst.msk vm0, v1;
	s4 =	sadd.s32 $0x10, s4;
	vm0 =	vmmov vm1  }
.LBB2_11:
0xd5: {  	_ =	sdelay $0x4  }
0xd6: {  	v1 =	vld.msk [tilespmem:s4+$0x0 ss:$0x1], vm1;
	_ =	sdelay $0x4  }
0xd7: {  	v1 =	vshll.u32 v1, $0x4  }
0xd8: {  	[tilespmem:s4+$0x0] =	vst.msk vm0, v1  }
.LBB2_12:
0xd9: {  	s4 =	sand.u32 $0x1, s20  }
0xda: {  	s4 =	smul.u32 $0x140, s4  }
0xdb: {  	p3 =	sne.s32 s3, $0xFFFFFFFF  }
0xdc: {  	v1 =	vld.msk @!p3 [tilespmem:s4+$0xAD08], $0x1;
	_ =	sdelay $0x4  }
0xdd: {  	(v2sf) =	vpush @!p3 v1, $0x0;
	_ =	sdelay $0xc  }
.Ltmp9:
0xde: {  	_ = 	snop;
	(pc) =	sbr.rel @p2 .LBB2_23-.Ltmp9, $4  }
0xdf: {  	_ = 	snop  }
0xe0: {  	s30 =	spop @!p3 (v2sf)  }
0xe1: {  	s23 =	simm.s32 @!p3 $0x0;
	s26 =	smov.u32 s30  }
0xe2: {  	[sflag:s12] =	ssyncpa.u1 $0x0;
	s30 =	smov.u32 @p3 s2;
	s26 =	smov.u32 @p3 s3  }
0xe3: {  	v1 =	vld.msk [tilespmem:s25+$0x0], $0x1;
	_ =	sdelay $0x4  }
0xe4: {  	(v2sf) =	vpush v1, $0x0;
	_ =	sdelay $0xe  }
0xe5: {  	s0 =	smul.u32 $0x28000, s0;
	s3 =	spop (v2sf)  }
0xe6: {  	p2 =	seq.s32 s30, s3  }
0xe7: {  	s2 =	smov.u32 s30;
	s0 =	sshrl.u32 s0, $0x2;
	p3 =	sgt.s32 @!p2 s30, $0x0  }
0xe8: {  	s28 =	sadd.s32 $0xAFA8, s0;
	s0 =	sadd.s32 $0xFFFFFFFF, s24;
	p3 =	por !p3, p2  }
0xe9: {  	s2 =	simm.s32 @p3 $0x0;
	p3 =	sne.s32 s0, $0x0  }
.Ltmp10:
0xea: {  	_ = 	snop;
	(pc) =	sbr.rel @!p3 .LBB2_15-.Ltmp10, $4  }
0xeb: {  	_ = 	snop  }
0xec: {  	s29 =	simm.s32 $0x0;
	s4 =	simm.s32 @!p2 $0x1;
	s2 =	smin.u32 @!p2 s2, $0x3FFF8  }
0xed: {  	s5 =	simm.s32 @!p2 $0x50C8;
	s4 =	smov.u32 @p2 s29;
	s7 =	sand.u32 @!p2 $0x3FFF8, s2  }
0xee: {  	s31 =	sand.u32 @!p2 $0x7, s2;
	s2 =	sadd.s32 $0x1, s25;
	s14 =	sadd.s32 @!p2 s1, s7  }
.LBB2_14:
0xef: {  	s7 =	smov.u32 s4  }
0xf0: {  	[tilespmem:s5], [sflag:$0x2] =	stream.linear.gather @!p2 [hbm4b:s14+s31], $0x40, $0x38;
	[tilespmem:$0x1EF88] =	vst v63  }
0xf1: {  	s0 =	sadd.s32 $0xFFFFFFFF, s0;
	s8 =	smov.u32 s3;
	v1 =	vld.msk [tilespmem:s2+$0x0], $0x1  }
0xf2: {  	p3 =	sne.s32 s0, $0x0;
	_ =	sdelay $0x3  }
0xf3: {  	(v2sf) =	vpush v1, $0x0;
	_ =	sdelay $0xe  }
0xf4: {  	s3 =	spop (v2sf)  }
0xf5: {  	p2 =	seq.s32 s8, s3  }
0xf6: {  	p4 =	sgt.s32 @!p2 s8, $0x0;
	s5 =	sshll.u32 @!p2 s4, $0x8;
	s4 =	sadd.s32 @!p2 $0x1, s4  }
.Ltmp11:
0xf7: {  	p4 =	por !p4, p2;
	s5 =	sshra.s32 @!p2 s5, $0x2;
	(pc) =	sbr.rel @p3 .LBB2_14-.Ltmp11, $4  }
0xf8: {  	s4 =	smov.u32 @p2 s7;
	s8 =	simm.s32 @p4 $0x0;
	s5 =	sadd.s32 @!p2 $0x50C8, s5  }
0xf9: {  	s7 =	smin.u32 @!p2 s8, $0x3FFF8  }
0xfa: {  	s8 =	sand.u32 @!p2 $0x3FFF8, s7;
	s31 =	sand.u32 @!p2 $0x7, s7  }
0xfb: {  	s2 =	sadd.s32 $0x1, s2;
	s14 =	sadd.s32 @!p2 s1, s8  }
.LBB2_15:
0xfc: {  	[tilespmem:s5], [sflag:$0x2] =	stream.linear.gather @!p2 [hbm4b:s14+s31], $0x40, $0x38;
	[tilespmem:$0x1EF88] =	vst v63  }
.Ltmp12:
0xfd: {  	s0 =	sshll.u32 s4, $0x6;
	(pc) =	sbr.rel .LBB2_16-.Ltmp12, $4  }
0xfe: {  	s2 =	simm.s32 $0x2;
	s0 =	sand.u32 $0x3FFFFFC0, s0  }
0xff: {  	_ =	swait.ge [sflag:s2], s0  }
0x100: {  	s0 =	ssub.s32 $0x0, s0;
	[sflag:s2] =	ssyncset.done $0x0  }
0x101: {  	s4 =	simm.s32 $0x0;
	[sflag:s2] =	ssyncadd.s32 s0  }
.LBB2_17:
0x102: {  	v1 =	vld [tilespmem:s28+$0xFFFFFFE0];
	_ =	sdelay $0x4  }
0x103: {  	[tilespmem:s2+$0x88] =	vst.add.f32.msk $0xffff, v1  }
0x104: {  	v1 =	vld [tilespmem:s28+$0xFFFFFFF0];
	_ =	sdelay $0x4  }
0x105: {  	[tilespmem:s2+$0x98] =	vst.add.f32.msk $0xffff, v1  }
0x106: {  	v1 =	vld [tilespmem:s28+$0x0];
	_ =	sdelay $0x4  }
0x107: {  	[tilespmem:s2+$0xA8] =	vst.add.f32.msk $0xffff, v1  }
0x108: {  	v1 =	vld [tilespmem:s28+$0x10];
	_ =	sdelay $0x4  }
0x109: {  	[tilespmem:s2+$0xB8] =	vst.add.f32.msk $0xffff, v1  }
.LBB2_21:
0x10a: {  	s24 =	sadd.s32 $0xFFFFFFFF, s24  }
0x10b: {  	p2 =	sne.s32 s24, $0x0  }
.Ltmp13:
0x10c: {  	_ = 	snop;
	(pc) =	sbr.rel @!p2 .LBB2_22-.Ltmp13, $2  }
0x10d: {  	_ =	sdelay $0x2  }
0x10e: {  	s28 =	sadd.s32 $0x80, s28;
	s25 =	sadd.s32 $0x1, s25;
	s30 =	smov.u32 s0  }
.LBB2_16:
0x10f: {  	v1 =	vld.msk [tilespmem:s25+$0x0], $0x1;
	_ =	sdelay $0x4  }
0x110: {  	(v2sf) =	vpush v1, $0x0;
	_ =	sdelay $0xe  }
0x111: {  	s0 =	spop (v2sf)  }
0x112: {  	p2 =	sne.s32 s30, s0  }
.Ltmp14:
0x113: {  	_ = 	snop;
	(pc) =	sbr.rel @!p2 .LBB2_17-.Ltmp14, $3  }
0x114: {  	_ =	sdelay $0x1  }
0x115: {  	s2 =	sshll.u32 s23, $0x8  }
0x116: {  	s2 =	sshra.s32 s2, $0x2  }
0x117: {  	p2 =	seq.s32 s30, s26  }
.Ltmp15:
0x118: {  	_ = 	snop;
	(pc) =	sbr.rel @!p2 .LBB2_19-.Ltmp15, $1  }
0x119: {  	_ =	sdelay $0x3  }
.Ltmp16:
0x11a: {  	s2 =	sadd.s32 $0x88, s2;
	(pc) =	sbr.rel .LBB2_20-.Ltmp16, $4  }
0x11b: {  	[spmem:s15] =	stream.linear.scatter [tilespmem:s2], [sflag:$0x1], $0x40, $0x38;
	[tilespmem:$0x1EF88] =	vst v63  }
0x11c: {  	_ =	swait.ge [sflag:s18], $0x40  }
0x11d: {  	[sflag:s18] =	ssyncset.done $0x0  }
0x11e: {  	[sflag:s18] =	ssyncadd.s32 $0xFFFFFFC0  }
.LBB2_19:
0x11f: {  	s3 =	sshll.u32 s29, $0x8  }
0x120: {  	s3 =	sshra.s32 s3, $0x2  }
0x121: {  	v1 =	vld [tilespmem:s3+$0x50C8];
	_ =	sdelay $0x4  }
0x122: {  	[tilespmem:s2+$0x88] =	vst.add.f32.msk $0xffff, v1  }
0x123: {  	v1 =	vld [tilespmem:s3+$0x50D8];
	_ =	sdelay $0x4  }
0x124: {  	[tilespmem:s2+$0x98] =	vst.add.f32.msk $0xffff, v1  }
0x125: {  	v1 =	vld [tilespmem:s3+$0x50E8];
	_ =	sdelay $0x4  }
0x126: {  	[tilespmem:s2+$0xA8] =	vst.add.f32.msk $0xffff, v1  }
0x127: {  	v1 =	vld [tilespmem:s3+$0x50F8];
	_ =	sdelay $0x2  }
0x128: {  	p2 =	sgt.u32 s30, $0x3FFF8  }
0x129: {  	s3 =	sand.u32 @!p2 $0x3FFF8, s30  }
0x12a: {  	s5 =	sadd.s32 $0x88, s2;
	[tilespmem:s2+$0xB8] =	vst.add.f32.msk $0xffff, v1;
	s2 =	sadd.s32 @!p2 s1, s3;
	s3 =	sand.u32 @!p2 $0x7, s30  }
0x12b: {  	[hbm4b:s2+s3] =	stream.linear.scatter @!p2 [tilespmem:s5], [sflag:$0xC], $0x40, $0x38;
	[tilespmem:$0x1EF88] =	vst v63  }
0x12c: {  	s2 =	simm.s32 $0x0  }
0x12d: {  	s2 =	simm.s32 @!p2 $0x100  }
0x12e: {  	s4 =	sadd.s32 s2, s4  }
.LBB2_20:
0x12f: {  	s2 =	sadd.s32 $0x1, s23  }
0x130: {  	s3 =	smulhi.u32 $0xCCCCCCCD, s2;
	_ =	sdelay $0x1  }
0x131: {  	v1 =	vld [tilespmem:s28+$0xFFFFFFE0];
	s3 =	sshrl.u32 s3, $0x8  }
0x132: {  	s3 =	smul.u32 $0x140, s3;
	_ =	sdelay $0x1  }
0x133: {  	s23 =	ssub.s32 s2, s3  }
0x134: {  	s2 =	sshll.u32 s23, $0x6  }
0x135: {  	[tilespmem:s2+$0x88] =	vst v1  }
0x136: {  	v1 =	vld [tilespmem:s28+$0xFFFFFFF0];
	_ =	sdelay $0x4  }
0x137: {  	[tilespmem:s2+$0x98] =	vst v1  }
0x138: {  	v1 =	vld [tilespmem:s28+$0x0];
	_ =	sdelay $0x4  }
0x139: {  	[tilespmem:s2+$0xA8] =	vst v1  }
0x13a: {  	v1 =	vld [tilespmem:s28+$0x10]  }
.Ltmp17:
0x13b: {  	_ = 	snop;
	(pc) =	sbr.rel .LBB2_21-.Ltmp17, $2  }
0x13c: {  	_ =	sdelay $0x2  }
0x13d: {  	s29 =	sadd.s32 $0x1, s29;
	[tilespmem:s2+$0xB8] =	vst v1  }
.LBB2_23:
.Ltmp18:
0x13e: {  	(pc) =	sbr.rel .LBB2_24-.Ltmp18, $4  }
0x13f: {  	_ = 	snop  }
0x140: {  	s0 =	simm.s32 $0x2  }
0x141: {  	_ =	swait.ge [sflag:s0], $0x0  }
0x142: {  	s2 =	simm.s32 $0x0;
	[sflag:s0] =	ssyncset.done $0x0;
	s0 =	smov.u32 s30  }
.LBB2_26:
0x143: {  	_ =	sfence.sel $0x180000  }
0x144: {  	s0 =	simm.s32 $0x9;
	[bflag:$0x0] =	sbarrier.arrive $0xFFFF  }
0x145: {  	s24 =	simm.s32 $0xA;
	[sflag:s0] =	ssyncpa.u1 $0x1  }
0x146: {  	s25 =	simm.s32 $0xB;
	[sflag:s24] =	ssyncpa.u1 $0x1  }
0x147: {  	s26 =	simm.s32 $0x2;
	[sflag:s25] =	ssyncpa.u1 $0x1  }
0x148: {  	[sflag:s26] =	ssyncpa.u1 $0x1  }
0x149: {  	v0 =	vld [tilespmem:$0xA108];
	_ =	sdelay $0x4  }
0x14a: {  	(v2sf) =	vpush v0, $0x0  }
0x14b: {  	(v2sf) =	vpush v0, $0x1;
	_ =	sdelay $0x1  }
0x14c: {  	(v2sf) =	vpush v0, $0x2;
	_ =	sdelay $0xb  }
0x14d: {  	s0 =	spop (v2sf)  }
0x14e: {  	s2 =	spop (v2sf)  }
0x14f: {  	s3 =	smov.u32 s0;
	p0 =	sne.s32 s0, s2  }
0x150: {  	s4 =	spop (v2sf);
	s3 =	simm.s32 @!p0 $0xFFFFFFFF  }
0x151: {  	v2 =	vimm.s32 $0x1;
	v3 =	vlaneseq.u32;
	p0 =	seq.s32 s4, $0xFFFFFFFF;
	v1 =	vmov s3  }
0x152: {  	s14 =	stileid.u32;
	v0 =	vperm.xlane v0, v2;
	p1 =	sne.s32 @!p0 s0, s2;
	v1 =	vperm.xlane v1, v3  }
0x153: {  	vm0 =	vcmask $0x3F04;
	s6 =	simm.s32 $0xA108;
	s0 =	simm.s32 @!p0 $0x1;
	p1 =	por !p1, p0  }
0x154: {  	s3 =	sshll.u32 s14, $0x1;
	s2 =	sshll.u32 @!p0 s4, $0x8;
	s0 =	simm.s32 @p1 $0x0;
	v0 =	vsel vm0, v1, v0  }
0x155: {  	s5 =	sor.u32 $0x800, s3;
	s2 =	sshra.s32 @!p0 s2, $0x2;
	s0 =	sor.u32 @!p0 s0, s3;
	[tilespmem:$0xA108] =	vst v0  }
0x156: {  	[spmem:s5] =	stream.linear.scatter [tilespmem:s6], [sflag:$0x1], $0x2, $0x38;
	[tilespmem:$0x1EF88] =	vst v63  }
0x157: {  	s2 =	sadd.s32 @!p0 $0x88, s2;
	s0 =	sshll.u32 @!p0 s0, $0x6  }
0x158: {  	[spmem:s0] =	stream.linear.scatter @!p0 [tilespmem:s2], [sflag:$0x1], $0x40, $0x38;
	[tilespmem:$0x1EF88] =	vst v63  }
0x159: {  	s0 =	simm.s32 @!p0 $0x42  }
0x15a: {  	s28 =	simm.s32 $0x1;
	s0 =	simm.s32 @p0 $0x2  }
0x15b: {  	_ =	swait.ge [sflag:s28], s0  }
0x15c: {  	s0 =	ssub.s32 $0x0, s0;
	[sflag:s28] =	ssyncset.done $0x0  }
0x15d: {  	p0 =	sne.s32 s14, $0x0;
	[sflag:s28] =	ssyncadd.s32 s0  }
.Ltmp19:
0x15e: {  	_ =	sfence.stream.spmem;
	(pc) =	sbr.rel @p0 .LBB2_43-.Ltmp19, $4  }
0x15f: {  	s29 =	simm.s32 $0x3;
	[bflag:$0x0] =	sbarrier.arrive $0xFFFF  }
0x160: {  	s30 =	simm.s32 $0x4;
	[sflag:s29] =	ssyncpa.u1 $0x1  }
0x161: {  	s31 =	simm.s32 $0x3C;
	[sflag:s30] =	ssyncpa.u1 $0x1  }
0x162: {  	s13 =	rddreg [dreg:$0x6];
	[sflag:s31] =	ssyncpa.u1 $0x1  }
0x163: {  	_ =	sfence.stream.spmem;
	s0 =	simm.s32 $0x5  }
0x164: {  	s2 =	simm.s32 $0x800;
	s3 =	simm.s32 $0xA118;
	[sflag:s0] =	ssyncpa.u1 $0x0  }
0x165: {  	[tilespmem:s3], [sflag:$0x5] =	stream.linear.gather [spmem:s2], $0x20, $0x38;
	[tilespmem:$0x1EF88] =	vst v63  }
0x166: {  	s26 =	simm.s32 $0x0;
	s28 =	simm.s32 $0xA138  }
0x167: {  	[tilespmem:s28], [sflag:$0x5] =	stream.linear.gather [spmem:s26], $0x800, $0x38;
	[tilespmem:$0x1EF88] =	vst v63  }
0x168: {  	_ =	swait.ge [sflag:s0], $0x820  }
0x169: {  	[sflag:s0] =	ssyncset.done $0x0  }
0x16a: {  	s29 =	simm.s32 $0x0;
	[sflag:s0] =	ssyncadd.s32 $0xFFFFF7E0  }
0x16b: {  	v0 =	vld.msk [tilespmem:s29+$0xA118], $0x1;
	_ =	sdelay $0x1  }
0x16c: {  	s30 =	simm.s32 $0x1  }
0x16d: {  	v1 =	vld.msk [tilespmem:s30+$0xA118], $0x1;
	_ =	sdelay $0x1  }
0x16e: {  	(v2sf) =	vpush v0, $0x0;
	_ =	sdelay $0x2  }
0x16f: {  	(v2sf) =	vpush v1, $0x0;
	_ =	sdelay $0x2  }
0x170: {  	s31 =	simm.s32 $0x2  }
0x171: {  	v0 =	vld.msk [tilespmem:s31+$0xA118], $0x1;
	_ =	sdelay $0x2  }
0x172: {  	s2 =	simm.s32 $0xFFFFFFFF;
	s3 =	simm.s32 $0xFFFFFFFF;
	s0 =	simm.s32 $0xC  }
.LBB2_28:
0x173: {  	s4 =	smov.u32 s3;
	s5 =	smov.u32 s2  }
0x174: {  	s2 =	sshra.s32 s0, $0x2;
	p1 =	sne.s32 s0, $0x7C;
	s0 =	sadd.s32 $0x4, s0;
	(v2sf) =	vpush v0, $0x0  }
0x175: {  	v0 =	vld.msk [tilespmem:s2+$0xA118], $0x1  }
.Ltmp20:
0x176: {  	(pc) =	sbr.rel @p1 .LBB2_28-.Ltmp20, $4  }
0x177: {  	s3 =	spop (v2sf)  }
0x178: {  	p2 =	sne.s32 s5, $0xFFFFFFFF;
	s2 =	smov.u32 s3  }
0x179: {  	p3 =	seq.s32 s3, $0xFFFFFFFF;
	s2 =	smov.u32 @p2 s5  }
0x17a: {  	s3 =	smov.u32 @p3 s4;
	s2 =	smov.u32 @p3 s5  }
0x17b: {  	(v2sf) =	vpush v0, $0x0;
	_ =	sdelay $0x8  }
0x17c: {  	s0 =	spop (v2sf)  }
0x17d: {  	p1 =	sne.s32 s2, $0xFFFFFFFF;
	s4 =	smov.u32 s0  }
0x17e: {  	s9 =	simm.s32 $0x6;
	p2 =	seq.s32 s0, $0xFFFFFFFF;
	s4 =	smov.u32 @p1 s2  }
0x17f: {  	s6 =	simm.s32 $0x0;
	s4 =	smov.u32 @p2 s2;
	s2 =	spop (v2sf)  }
0x180: {  	s0 =	smov.u32 @p2 s3;
	p1 =	sne.s32 s4, $0xFFFFFFFF;
	s5 =	smov.u32 s2  }
.Ltmp21:
0x181: {  	p2 =	seq.s32 s2, $0xFFFFFFFF;
	s5 =	smov.u32 @p1 s4;
	(pc) =	sbr.rel .LBB2_30-.Ltmp21, $4  }
0x182: {  	s10 =	simm.s32 $0xA0C8;
	s5 =	smov.u32 @p2 s4;
	s7 =	spop (v2sf)  }
0x183: {  	s11 =	simm.s32 $0x0;
	p1 =	sne.s32 s5, $0xFFFFFFFF;
	s8 =	smov.u32 s7  }
0x184: {  	s2 =	smov.u32 @p2 s0;
	p2 =	seq.s32 s7, $0xFFFFFFFF;
	s8 =	smov.u32 @p1 s5  }
0x185: {  	[sflag:s9] =	ssyncpa.u1 $0x0;
	s7 =	smov.u32 @p2 s2;
	s8 =	smov.u32 @p2 s5  }
.LBB2_36:
0x186: {  	p1 =	sgt.u32 s0, $0x3FFF8  }
0x187: {  	p2 =	seq.s32 @!p1 s0, s8  }
0x188: {  	p1 =	por p1, p2  }
0x189: {  	p2 =	sne.s32 @!p1 s0, s7  }
0x18a: {  	p1 =	por p1, !p2  }
0x18b: {  	s0 =	sshll.u32 @p1 s11, $0x8  }
0x18c: {  	s2 =	sand.u32 @!p1 $0x3FFF8, s0  }
0x18d: {  	s0 =	sand.u32 @!p1 $0x7, s0;
	s2 =	sadd.s32 @!p1 s1, s2  }
0x18e: {  	[tilespmem:s10], [sflag:$0x6] =	stream.linear.gather @!p1 [hbm4b:s2+s0], $0x40, $0x38;
	[tilespmem:$0x1EF88] =	vst v63  }
0x18f: {  	_ =	swait.ge @!p1 [sflag:s9], $0x40  }
0x190: {  	[sflag:s9] =	ssyncset.done @!p1 $0x0  }
0x191: {  	[sflag:s9] =	ssyncadd.s32 @!p1 $0xFFFFFFC0  }
0x192: {  	v1 =	vld @!p1 [tilespmem:$0xA0C8];
	_ =	sdelay $0x2  }
0x193: {  	s0 =	sshll.u32 @!p1 s11, $0x8  }
0x194: {  	s2 =	sshrl.u32 @!p1 s0, $0x2  }
0x195: {  	[tilespmem:s2+$0xA138] =	vst.add.f32.msk @!p1 $0xffff, v1  }
0x196: {  	v1 =	vld @!p1 [tilespmem:$0xA0D8];
	_ =	sdelay $0x4  }
0x197: {  	[tilespmem:s2+$0xA148] =	vst.add.f32.msk @!p1 $0xffff, v1  }
0x198: {  	v1 =	vld @!p1 [tilespmem:$0xA0E8];
	_ =	sdelay $0x4  }
0x199: {  	[tilespmem:s2+$0xA158] =	vst.add.f32.msk @!p1 $0xffff, v1  }
0x19a: {  	v1 =	vld @!p1 [tilespmem:$0xA0F8];
	_ =	sdelay $0x4  }
0x19b: {  	[tilespmem:s2+$0xA168] =	vst.add.f32.msk @!p1 $0xffff, v1  }
0x19c: {  	s0 =	sshrl.u32 s0, $0x2;
	[tilespmem:s6+$0xA118] =	vst.msk $0x1, v0  }
0x19d: {  	v0 =	vld [tilespmem:s0+$0xA138];
	_ =	sdelay $0x2  }
0x19e: {  	s31 =	sshll.u32 s6, $0x8  }
0x19f: {  	s2 =	sshra.s32 s31, $0x2  }
0x1a0: {  	[tilespmem:s2+$0xA138] =	vst v0  }
0x1a1: {  	v0 =	vld [tilespmem:s0+$0xA148];
	_ =	sdelay $0x4  }
0x1a2: {  	[tilespmem:s2+$0xA148] =	vst v0  }
0x1a3: {  	v0 =	vld [tilespmem:s0+$0xA158];
	_ =	sdelay $0x4  }
0x1a4: {  	[tilespmem:s2+$0xA158] =	vst v0  }
0x1a5: {  	v0 =	vld [tilespmem:s0+$0xA168];
	_ =	sdelay $0x4  }
0x1a6: {  	s6 =	sadd.s32 $0x1, s6;
	[tilespmem:s2+$0xA168] =	vst v0  }
.LBB2_37:
0x1a7: {  	s11 =	sadd.s32 $0x1, s11  }
0x1a8: {  	p1 =	sne.s32 s11, $0x20  }
.Ltmp22:
0x1a9: {  	_ = 	snop;
	(pc) =	sbr.rel @!p1 .LBB2_38-.Ltmp22, $1  }
0x1aa: {  	_ =	sdelay $0x3  }
.LBB2_30:
0x1ab: {  	v0 =	vld.msk [tilespmem:s11+$0xA118], $0x1;
	_ =	sdelay $0x4  }
0x1ac: {  	(v2sf) =	vpush v0, $0x0;
	_ =	sdelay $0xe  }
0x1ad: {  	s0 =	spop (v2sf)  }
0x1ae: {  	p1 =	seq.s32 s0, $0xFFFFFFFF  }
.Ltmp23:
0x1af: {  	_ = 	snop;
	(pc) =	sbr.rel @p1 .LBB2_37-.Ltmp23, $1  }
0x1b0: {  	_ =	sdelay $0x3  }
0x1b1: {  	p1 =	slt.s32 s6, $0x1  }
.Ltmp24:
0x1b2: {  	_ = 	snop;
	(pc) =	sbr.rel @p1 .LBB2_36-.Ltmp24, $1  }
0x1b3: {  	_ =	sdelay $0x3  }
0x1b4: {  	s2 =	simm.s32 $0xA118;
	p1 =	por $0x0, $0x0  }
0x1b5: {  	v1 =	vld.msk @!p1 [tilespmem:s2+$0x0], $0x1;
	_ =	sdelay $0x4  }
0x1b6: {  	(v2sf) =	vpush @!p1 v1, $0x0;
	_ =	sdelay $0xd  }
0x1b7: {  	p3 =	sne.s32 s6, $0x1  }
.Ltmp25:
0x1b8: {  	s3 =	spop @!p1 (v2sf);
	(pc) =	sbr.rel @!p3 .LBB2_34-.Ltmp25, $4  }
0x1b9: {  	p2 =	seq.s32 @!p1 s0, s3  }
0x1ba: {  	s3 =	simm.s32 $0x0;
	p2 =	por !p2, p1  }
0x1bb: {  	s5 =	simm.s32 $0xFFFFFFFF;
	s3 =	simm.s32 @p2 $0xFFFFFFFF  }
0x1bc: {  	s4 =	simm.s32 $0x1;
	s3 =	smov.u32 @p1 s5  }
.LBB2_33:
0x1bd: {  	s5 =	smov.u32 s3;
	p1 =	sne.s32 s3, $0xFFFFFFFF  }
0x1be: {  	s2 =	sadd.s32 $0x1, s2;
	s3 =	smov.u32 s4;
	s4 =	sadd.s32 $0x1, s4  }
0x1bf: {  	p2 =	sne.s32 s6, s4;
	v1 =	vld.msk @!p1 [tilespmem:s2+$0x0], $0x1;
	_ =	sdelay $0x4  }
0x1c0: {  	(v2sf) =	vpush @!p1 v1, $0x0;
	_ =	sdelay $0xe  }
.Ltmp26:
0x1c1: {  	s12 =	spop @!p1 (v2sf);
	(pc) =	sbr.rel @p2 .LBB2_33-.Ltmp26, $4  }
0x1c2: {  	p3 =	seq.s32 @!p1 s0, s12  }
0x1c3: {  	p3 =	por !p3, p1  }
0x1c4: {  	s3 =	simm.s32 @p3 $0xFFFFFFFF  }
0x1c5: {  	s3 =	smov.u32 @p1 s5  }
.LBB2_34:
0x1c6: {  	p1 =	seq.s32 s3, $0xFFFFFFFF  }
.Ltmp27:
0x1c7: {  	_ = 	snop;
	(pc) =	sbr.rel @p1 .LBB2_36-.Ltmp27, $1  }
0x1c8: {  	_ =	sdelay $0x3  }
0x1c9: {  	s0 =	sshll.u32 s11, $0x6  }
0x1ca: {  	s0 =	sand.u32 $0x3FFFFFC0, s0  }
0x1cb: {  	v0 =	vld [tilespmem:s0+$0xA138];
	_ =	sdelay $0x2  }
0x1cc: {  	s2 =	sshll.u32 s3, $0x8  }
0x1cd: {  	s2 =	sshra.s32 s2, $0x2  }
0x1ce: {  	[tilespmem:s2+$0xA138] =	vst.add.f32.msk $0xffff, v0  }
0x1cf: {  	v0 =	vld [tilespmem:s0+$0xA148];
	_ =	sdelay $0x4  }
0x1d0: {  	[tilespmem:s2+$0xA148] =	vst.add.f32.msk $0xffff, v0  }
0x1d1: {  	v0 =	vld [tilespmem:s0+$0xA158];
	_ =	sdelay $0x4  }
0x1d2: {  	[tilespmem:s2+$0xA158] =	vst.add.f32.msk $0xffff, v0  }
0x1d3: {  	v0 =	vld [tilespmem:s0+$0xA168]  }
.Ltmp28:
0x1d4: {  	_ = 	snop;
	(pc) =	sbr.rel .LBB2_37-.Ltmp28, $2  }
0x1d5: {  	_ =	sdelay $0x2  }
0x1d6: {  	[tilespmem:s2+$0xA168] =	vst.add.f32.msk $0xffff, v0  }
.LBB2_38:
0x1d7: {  	s0 =	simm.s32 $0x6;
	p1 =	seq.s32 s6, $0x0  }
0x1d8: {  	[sflag:s0] =	ssyncpa.u1 $0x1;
	v0 =	vimm.s32 @p1 $0xFFFFFFFF  }
0x1d9: {  	s0 =	sadd.s32 $0xFFFFFFFF, s6;
	[tilespmem:$0xA938] =	vst @p1 v0  }
0x1da: {  	v0 =	vld.msk @!p1 [tilespmem:s0+$0xA118], $0x1;
	_ =	sdelay $0x1  }
0x1db: {  	v1 =	vld.msk @!p1 [tilespmem:$0xA118], $0x1;
	_ =	sdelay $0x2  }
0x1dc: {  	p2 =	seq.s32 @!p1 s0, $0x0;
	v0 =	vbroadcast @!p1 v0, $0x0  }
0x1dd: {  	vm0 =	vmmov @!p1 $0x1;
	p2 =	por !p2, p1  }
0x1de: {  	v1 =	vnsel @!p1 vm0, $0xFFFFFFFF, v1;
	vm0 =	vcmask @!p1 $0x308;
	v0 =	vpsel !p2, $0xFFFFFFFF, v0  }
0x1df: {  	p2 =	sne.s32 @!p1 s8, s7;
	v0 =	vsel @!p1 vm0, v1, v0  }
0x1e0: {  	s2 =	simm.s32 @!p1 $0xA138;
	s3 =	simm.s32 @!p1 $0x0;
	p3 =	por !p2, p1;
	[tilespmem:$0xA938] =	vst @!p1 v0  }
0x1e1: {  	[spmem:s3] =	stream.linear.scatter @!p1 [tilespmem:s2], [sflag:$0x1], $0x40, $0x38;
	[tilespmem:$0x1EF88] =	vst v63  }
0x1e2: {  	s2 =	sshll.u32 @!p3 s0, $0x8  }
0x1e3: {  	s2 =	sshra.s32 @!p3 s2, $0x2  }
0x1e4: {  	s3 =	simm.s32 @!p3 $0x40;
	s2 =	sadd.s32 @!p3 $0xA138, s2  }
0x1e5: {  	[spmem:s3] =	stream.linear.scatter @!p3 [tilespmem:s2], [sflag:$0x1], $0x40, $0x38;
	[tilespmem:$0x1EF88] =	vst v63  }
0x1e6: {  	s2 =	simm.s32 @!p3 $0x1  }
0x1e7: {  	_ =	swait.ge @!p3 [sflag:s2], $0x80  }
0x1e8: {  	p1 =	por p2, p1;
	[sflag:s2] =	ssyncset.done @!p3 $0x0  }
0x1e9: {  	[sflag:s2] =	ssyncadd.s32 @!p3 $0xFFFFFF80;
	s2 =	simm.s32 @!p1 $0x1  }
0x1ea: {  	_ =	swait.ge @!p1 [sflag:s2], $0x40  }
0x1eb: {  	s29 =	simm.s32 $0xA938;
	[sflag:s2] =	ssyncset.done @!p1 $0x0  }
0x1ec: {  	s30 =	simm.s32 $0x800;
	s31 =	simm.s32 $0x1;
	[sflag:s2] =	ssyncadd.s32 @!p1 $0xFFFFFFC0  }
0x1ed: {  	[spmem:s30] =	stream.linear.scatter [tilespmem:s29], [sflag:$0x1], $0x10, $0x38;
	[tilespmem:$0x1EF88] =	vst v63  }
0x1ee: {  	_ =	swait.ge [sflag:s31], $0x10  }
0x1ef: {  	[sflag:s31] =	ssyncset.done $0x0  }
0x1f0: {  	p1 =	seq.s32 s13, $0x0;
	s9 =	rddreg [dreg:$0x3];
	[sflag:s31] =	ssyncadd.s32 $0xFFFFFFF0  }
0x1f1: {  	s3 =	sshll.u32 @p1 s9, $0xE;
	s8 =	rddreg [dreg:$0x4]  }
0x1f2: {  	s2 =	sadd.s32 @p1 $0x15C3C, s3;
	s3 =	sshll.u32 @p1 s8, $0x11  }
0x1f3: {  	_ =	sfence.stream.spmem;
	s2 =	sor.u32 @p1 s3, s2  }
0x1f4: {  	[sflag:s2] =	ssyncadd.remote.s32 @p1 $0x1;
	s2 =	simm.s32 @p1 $0x4  }
0x1f5: {  	s4 =	simm.s32 @!p1 $0x3C;
	s3 =	sand.u32 $0xFFFFFFFE, s9;
	_ =	swait.ge @p1 [sflag:s2], $0x12  }
0x1f6: {  	s5 =	simm.s32 @!p1 $0x0;
	s3 =	sadd.s32 @!p1 $0x4, s3;
	[sflag:s2] =	ssyncset.done @p1 $0x0  }
0x1f7: {  	s7 =	simm.s32 @!p1 $0x80;
	[sflag:s2] =	ssyncadd.s32 @p1 $0xFFFFFFEE;
	s2 =	sshll.u32 @!p1 s3, $0x1A  }
0x1f8: {  	s3 =	sshll.u32 @!p1 s3, $0xD;
	s2 =	sor.u32 @!p1 s2, s8;
	_ =	swait.eq @!p1 [sflag:s4], $0x1  }
0x1f9: {  	s3 =	sor.u32 @!p1 $0x1C04, s3;
	s4 =	simm.s32 @!p1 $0x1C03;
	s2 =	sor.u32 @!p1 $0x80004000, s2  }
0x1fa: {  	[spmem:s7], [sflag:s3] =	dma.general @!p1 [spmem:s5], [sflag:s4], length:$0x10, [dreg:$0x0], stride_count:$0x0, ici_dest:s2, dma_misc:DstOpCode:WRITE  }
0x1fb: {  	p2 =	slt.s32 s0, $0x2;
	s5 =	simm.s32 @!p1 $0x100;
	s7 =	simm.s32 @!p1 $0x102  }
0x1fc: {  	[spmem:s7], [sflag:s3] =	dma.general @!p1 [spmem:s5], [sflag:s4], length:$0x2, [dreg:$0x0], stride_count:$0x0, ici_dest:s2, dma_misc:DstOpCode:WRITE  }
.Ltmp29:
0x1fd: {  	s2 =	simm.s32 @!p1 $0x3;
	(pc) =	sbr.rel @p2 .LBB2_42-.Ltmp29, $4  }
0x1fe: {  	s3 =	sshll.u32 @!p1 s9, $0xE;
	_ =	swait.ge @!p1 [sflag:s2], $0x12  }
0x1ff: {  	s4 =	sshll.u32 @!p1 s8, $0x11;
	s3 =	sadd.s32 @!p1 $0x11C3C, s3;
	[sflag:s2] =	ssyncset.done @!p1 $0x0  }
0x200: {  	[sflag:s2] =	ssyncadd.s32 @!p1 $0xFFFFFFEE;
	s2 =	sor.u32 @!p1 s4, s3  }
0x201: {  	s0 =	simm.s32 $0x0;
	[sflag:s2] =	ssyncadd.remote.s32 @!p1 $0xFFFFFFFF  }
0x202: {  	s0 =	simm.s32 $0xA119  }
0x203: {  	v0 =	vld.msk [tilespmem:s0+$0x0], $0x1;
	_ =	sdelay $0x4  }
0x204: {  	(v2sf) =	vpush v0, $0x0;
	_ =	sdelay $0xc  }
0x205: {  	s2 =	sadd.s32 $0xFFFFFFFE, s6  }
0x206: {  	s2 =	sadd.s32 $0xFFFFFFFF, s2  }
0x207: {  	p2 =	sne.s32 s2, $0x0;
	s3 =	spop (v2sf)  }
.Ltmp30:
0x208: {  	p1 =	sgt.u32 s3, $0x3FFF8;
	(pc) =	sbr.rel @!p2 .LBB2_41-.Ltmp30, $4  }
0x209: {  	s5 =	simm.s32 $0x0;
	s4 =	sand.u32 @!p1 $0x3FFF8, s3  }
0x20a: {  	s0 =	simm.s32 $0xA178;
	s3 =	sand.u32 @!p1 $0x7, s3;
	s4 =	sadd.s32 @!p1 s1, s4  }
0x20b: {  	[hbm4b:s4+s3] =	stream.linear.scatter @!p1 [tilespmem:s0], [sflag:$0x5], $0x40, $0x38;
	[tilespmem:$0x1EF88] =	vst v63  }
0x20c: {  	s5 =	simm.s32 @!p1 $0x100;
	s3 =	simm.s32 $0x0;
	s4 =	simm.s32 $0xA11A  }
.LBB2_40:
0x20d: {  	v0 =	vld.msk [tilespmem:s4+$0x0], $0x1;
	s2 =	sadd.s32 $0xFFFFFFFF, s2;
	s3 =	sadd.s32 s3, s5  }
0x20e: {  	p1 =	sne.s32 s2, $0x0;
	_ =	sdelay $0x3  }
0x20f: {  	(v2sf) =	vpush v0, $0x0;
	_ =	sdelay $0xe  }
.Ltmp31:
0x210: {  	s6 =	spop (v2sf);
	(pc) =	sbr.rel @p1 .LBB2_40-.Ltmp31, $4  }
0x211: {  	s5 =	simm.s32 $0x0;
	p2 =	sgt.u32 s6, $0x3FFF8  }
0x212: {  	s0 =	sadd.s32 $0x40, s0;
	s5 =	simm.s32 @!p2 $0x100;
	s7 =	sand.u32 @!p2 $0x3FFF8, s6  }
0x213: {  	s4 =	sadd.s32 $0x1, s4;
	s6 =	sand.u32 @!p2 $0x7, s6;
	s7 =	sadd.s32 @!p2 s1, s7  }
0x214: {  	[hbm4b:s7+s6] =	stream.linear.scatter @!p2 [tilespmem:s0], [sflag:$0x5], $0x40, $0x38;
	[tilespmem:$0x1EF88] =	vst v63  }
.LBB2_41:
0x215: {  	s0 =	sadd.s32 s3, s5  }
0x216: {  	s0 =	sshrl.u32 s0, $0x2  }
.LBB2_42:
0x217: {  	s2 =	simm.s32 $0x5  }
0x218: {  	_ =	swait.ge [sflag:s2], s0  }
0x219: {  	s31 =	ssub.s32 $0x0, s0;
	[sflag:s2] =	ssyncset.done $0x0  }
0x21a: {  	[sflag:s2] =	ssyncadd.s32 s31  }
0x21b: {  	[sflag:s2] =	ssyncpa.u1 $0x1  }
.LBB2_43:
0x21c: {  	s0 =	sor.u32 s13, s14  }
0x21d: {  	p1 =	sne.s32 s0, $0x0  }
.Ltmp32:
0x21e: {  	_ = 	snop;
	(pc) =	sbr.rel @p1 .LBB2_58-.Ltmp32, $3  }
0x21f: {  	_ =	sdelay $0x1  }
0x220: {  	[bflag:$0x0] =	sbarrier.arrive $0xFFFF  }
0x221: {  	_ =	sfence  }
0x222: {  	s0 =	simm.s32 $0x7  }
0x223: {  	s2 =	simm.s32 $0x800;
	s3 =	simm.s32 $0xA118;
	[sflag:s0] =	ssyncpa.u1 $0x0  }
0x224: {  	[tilespmem:s3], [sflag:$0x7] =	stream.linear.gather [spmem:s2], $0x20, $0x38;
	[tilespmem:$0x1EF88] =	vst v63  }
0x225: {  	s30 =	simm.s32 $0xA138;
	s2 =	simm.s32 $0x0  }
0x226: {  	[tilespmem:s30], [sflag:$0x7] =	stream.linear.gather [spmem:s2], $0x800, $0x38;
	[tilespmem:$0x1EF88] =	vst v63  }
.Ltmp33:
0x227: {  	_ = 	snop;
	(pc) =	sbr.rel .LBB2_45-.Ltmp33, $4  }
0x228: {  	_ =	swait.ge [sflag:s0], $0x820  }
0x229: {  	[sflag:s0] =	ssyncset.done $0x0  }
0x22a: {  	s31 =	simm.s32 $0x8;
	[sflag:s0] =	ssyncadd.s32 $0xFFFFF7E0  }
0x22b: {  	s3 =	simm.s32 $0x0;
	[sflag:s31] =	ssyncpa.u1 $0x0  }
.LBB2_51:
0x22c: {  	p1 =	slt.u32 s0, $0x3FFF9  }
0x22d: {  	s4 =	sand.u32 @p1 $0x3FFF8, s0  }
0x22e: {  	s0 =	sand.u32 @p1 $0x7, s0;
	s5 =	simm.s32 @p1 $0xA0C8;
	s4 =	sadd.s32 @p1 s1, s4  }
0x22f: {  	[tilespmem:s5], [sflag:$0x8] =	stream.linear.gather @p1 [hbm4b:s4+s0], $0x40, $0x38;
	[tilespmem:$0x1EF88] =	vst v63  }
0x230: {  	s0 =	simm.s32 @p1 $0x8  }
0x231: {  	_ =	swait.ge @p1 [sflag:s0], $0x40  }
0x232: {  	[sflag:s0] =	ssyncset.done @p1 $0x0  }
0x233: {  	[sflag:s0] =	ssyncadd.s32 @p1 $0xFFFFFFC0  }
0x234: {  	v1 =	vld @p1 [tilespmem:$0xA0C8];
	_ =	sdelay $0x2  }
0x235: {  	s0 =	sshll.u32 @p1 s3, $0x8  }
0x236: {  	s4 =	sshrl.u32 @p1 s0, $0x2  }
0x237: {  	[tilespmem:s4+$0xA138] =	vst.add.f32.msk @p1 $0xffff, v1  }
0x238: {  	v1 =	vld @p1 [tilespmem:$0xA0D8];
	_ =	sdelay $0x4  }
0x239: {  	[tilespmem:s4+$0xA148] =	vst.add.f32.msk @p1 $0xffff, v1  }
0x23a: {  	v1 =	vld @p1 [tilespmem:$0xA0E8];
	_ =	sdelay $0x4  }
0x23b: {  	[tilespmem:s4+$0xA158] =	vst.add.f32.msk @p1 $0xffff, v1  }
0x23c: {  	v1 =	vld @p1 [tilespmem:$0xA0F8];
	_ =	sdelay $0x3  }
0x23d: {  	s5 =	sshll.u32 @!p1 s3, $0x8  }
0x23e: {  	s5 =	smov.u32 @p1 s0;
	[tilespmem:s4+$0xA168] =	vst.add.f32.msk @p1 $0xffff, v1  }
0x23f: {  	s0 =	sshrl.u32 s5, $0x2;
	[tilespmem:s2+$0xA118] =	vst.msk $0x1, v0  }
0x240: {  	v0 =	vld [tilespmem:s0+$0xA138];
	_ =	sdelay $0x2  }
0x241: {  	s31 =	sshll.u32 s2, $0x8  }
0x242: {  	s4 =	sshra.s32 s31, $0x2  }
0x243: {  	[tilespmem:s4+$0xA138] =	vst v0  }
0x244: {  	v0 =	vld [tilespmem:s0+$0xA148];
	_ =	sdelay $0x4  }
0x245: {  	[tilespmem:s4+$0xA148] =	vst v0  }
0x246: {  	v0 =	vld [tilespmem:s0+$0xA158];
	_ =	sdelay $0x4  }
0x247: {  	[tilespmem:s4+$0xA158] =	vst v0  }
0x248: {  	v0 =	vld [tilespmem:s0+$0xA168];
	_ =	sdelay $0x4  }
0x249: {  	s2 =	sadd.s32 $0x1, s2;
	[tilespmem:s4+$0xA168] =	vst v0  }
.LBB2_52:
0x24a: {  	s3 =	sadd.s32 $0x1, s3  }
0x24b: {  	p1 =	sne.s32 s3, $0x20  }
.Ltmp34:
0x24c: {  	_ = 	snop;
	(pc) =	sbr.rel @!p1 .LBB2_53-.Ltmp34, $1  }
0x24d: {  	_ =	sdelay $0x3  }
.LBB2_45:
0x24e: {  	v0 =	vld.msk [tilespmem:s3+$0xA118], $0x1;
	_ =	sdelay $0x4  }
0x24f: {  	(v2sf) =	vpush v0, $0x0;
	_ =	sdelay $0xe  }
0x250: {  	s0 =	spop (v2sf)  }
0x251: {  	p1 =	seq.s32 s0, $0xFFFFFFFF  }
.Ltmp35:
0x252: {  	_ = 	snop;
	(pc) =	sbr.rel @p1 .LBB2_52-.Ltmp35, $1  }
0x253: {  	_ =	sdelay $0x3  }
0x254: {  	p1 =	slt.s32 s2, $0x1  }
.Ltmp36:
0x255: {  	_ = 	snop;
	(pc) =	sbr.rel @p1 .LBB2_51-.Ltmp36, $1  }
0x256: {  	_ =	sdelay $0x3  }
0x257: {  	s4 =	simm.s32 $0xA118;
	p1 =	por $0x0, $0x0  }
0x258: {  	v1 =	vld.msk @!p1 [tilespmem:s4+$0x0], $0x1;
	_ =	sdelay $0x4  }
0x259: {  	(v2sf) =	vpush @!p1 v1, $0x0;
	_ =	sdelay $0xd  }
0x25a: {  	p3 =	sne.s32 s2, $0x1  }
.Ltmp37:
0x25b: {  	s5 =	spop @!p1 (v2sf);
	(pc) =	sbr.rel @!p3 .LBB2_49-.Ltmp37, $4  }
0x25c: {  	p2 =	seq.s32 @!p1 s0, s5  }
0x25d: {  	s5 =	simm.s32 $0x0;
	p2 =	por !p2, p1  }
0x25e: {  	s7 =	simm.s32 $0xFFFFFFFF;
	s5 =	simm.s32 @p2 $0xFFFFFFFF  }
0x25f: {  	s6 =	simm.s32 $0x1;
	s5 =	smov.u32 @p1 s7  }
.LBB2_48:
0x260: {  	s7 =	smov.u32 s5;
	p1 =	sne.s32 s5, $0xFFFFFFFF  }
0x261: {  	s4 =	sadd.s32 $0x1, s4;
	s5 =	smov.u32 s6;
	s6 =	sadd.s32 $0x1, s6  }
0x262: {  	p2 =	sne.s32 s2, s6;
	v1 =	vld.msk @!p1 [tilespmem:s4+$0x0], $0x1;
	_ =	sdelay $0x4  }
0x263: {  	(v2sf) =	vpush @!p1 v1, $0x0;
	_ =	sdelay $0xe  }
.Ltmp38:
0x264: {  	s8 =	spop @!p1 (v2sf);
	(pc) =	sbr.rel @p2 .LBB2_48-.Ltmp38, $4  }
0x265: {  	p3 =	seq.s32 @!p1 s0, s8  }
0x266: {  	p3 =	por !p3, p1  }
0x267: {  	s5 =	simm.s32 @p3 $0xFFFFFFFF  }
0x268: {  	s5 =	smov.u32 @p1 s7  }
.LBB2_49:
0x269: {  	p1 =	seq.s32 s5, $0xFFFFFFFF  }
.Ltmp39:
0x26a: {  	_ = 	snop;
	(pc) =	sbr.rel @p1 .LBB2_51-.Ltmp39, $1  }
0x26b: {  	_ =	sdelay $0x3  }
0x26c: {  	s0 =	sshll.u32 s3, $0x6  }
0x26d: {  	s0 =	sand.u32 $0x3FFFFFC0, s0  }
0x26e: {  	v0 =	vld [tilespmem:s0+$0xA138];
	_ =	sdelay $0x2  }
0x26f: {  	s4 =	sshll.u32 s5, $0x8  }
0x270: {  	s4 =	sshra.s32 s4, $0x2  }
0x271: {  	[tilespmem:s4+$0xA138] =	vst.add.f32.msk $0xffff, v0  }
0x272: {  	v0 =	vld [tilespmem:s0+$0xA148];
	_ =	sdelay $0x4  }
0x273: {  	[tilespmem:s4+$0xA148] =	vst.add.f32.msk $0xffff, v0  }
0x274: {  	v0 =	vld [tilespmem:s0+$0xA158];
	_ =	sdelay $0x4  }
0x275: {  	[tilespmem:s4+$0xA158] =	vst.add.f32.msk $0xffff, v0  }
0x276: {  	v0 =	vld [tilespmem:s0+$0xA168]  }
.Ltmp40:
0x277: {  	_ = 	snop;
	(pc) =	sbr.rel .LBB2_52-.Ltmp40, $2  }
0x278: {  	_ =	sdelay $0x2  }
0x279: {  	[tilespmem:s4+$0xA168] =	vst.add.f32.msk $0xffff, v0  }
.LBB2_53:
0x27a: {  	p1 =	slt.s32 s2, $0x1  }
.Ltmp41:
0x27b: {  	_ = 	snop;
	(pc) =	sbr.rel @p1 .LBB2_57-.Ltmp41, $3  }
0x27c: {  	_ =	sdelay $0x1  }
0x27d: {  	s0 =	simm.s32 $0x8  }
0x27e: {  	[sflag:s0] =	ssyncpa.u1 $0x1;
	s0 =	simm.s32 $0x0  }
0x27f: {  	s3 =	simm.s32 $0xA118  }
0x280: {  	v0 =	vld.msk [tilespmem:s3+$0x0], $0x1;
	_ =	sdelay $0x4  }
0x281: {  	(v2sf) =	vpush v0, $0x0;
	_ =	sdelay $0xe  }
0x282: {  	s2 =	sadd.s32 $0xFFFFFFFF, s2;
	s4 =	spop (v2sf)  }
0x283: {  	p2 =	sne.s32 s2, $0x0;
	p1 =	sgt.u32 s4, $0x3FFF8  }
.Ltmp42:
0x284: {  	s5 =	sand.u32 @!p1 $0x3FFF8, s4;
	(pc) =	sbr.rel @!p2 .LBB2_56-.Ltmp42, $4  }
0x285: {  	s3 =	simm.s32 $0xA138;
	s4 =	sand.u32 @!p1 $0x7, s4;
	s5 =	sadd.s32 @!p1 s1, s5  }
0x286: {  	[hbm4b:s5+s4] =	stream.linear.scatter @!p1 [tilespmem:s3], [sflag:$0x7], $0x40, $0x38;
	[tilespmem:$0x1EF88] =	vst v63  }
0x287: {  	s5 =	simm.s32 $0x0  }
0x288: {  	s4 =	simm.s32 $0xA119;
	s5 =	simm.s32 @!p1 $0x100  }
.LBB2_55:
0x289: {  	v0 =	vld.msk [tilespmem:s4+$0x0], $0x1;
	s2 =	sadd.s32 $0xFFFFFFFF, s2;
	s0 =	sadd.s32 s0, s5  }
0x28a: {  	p1 =	sne.s32 s2, $0x0;
	_ =	sdelay $0x3  }
0x28b: {  	(v2sf) =	vpush v0, $0x0;
	_ =	sdelay $0xe  }
.Ltmp43:
0x28c: {  	s6 =	spop (v2sf);
	(pc) =	sbr.rel @p1 .LBB2_55-.Ltmp43, $4  }
0x28d: {  	s5 =	simm.s32 $0x0;
	p2 =	sgt.u32 s6, $0x3FFF8  }
0x28e: {  	s3 =	sadd.s32 $0x40, s3;
	s5 =	simm.s32 @!p2 $0x100;
	s7 =	sand.u32 @!p2 $0x3FFF8, s6  }
0x28f: {  	s4 =	sadd.s32 $0x1, s4;
	s6 =	sand.u32 @!p2 $0x7, s6;
	s7 =	sadd.s32 @!p2 s1, s7  }
0x290: {  	[hbm4b:s7+s6] =	stream.linear.scatter @!p2 [tilespmem:s3], [sflag:$0x7], $0x40, $0x38;
	[tilespmem:$0x1EF88] =	vst v63  }
.LBB2_56:
0x291: {  	s0 =	sadd.s32 s0, s5  }
0x292: {  	s0 =	sshrl.u32 s0, $0x2  }
.LBB2_57:
0x293: {  	s1 =	simm.s32 $0x7  }
0x294: {  	_ =	swait.ge [sflag:s1], s0  }
0x295: {  	s31 =	ssub.s32 $0x0, s0;
	[sflag:s1] =	ssyncset.done $0x0  }
0x296: {  	[sflag:s1] =	ssyncadd.s32 s31  }
0x297: {  	[sflag:s1] =	ssyncpa.u1 $0x1  }
.LBB2_58:
0x298: {  	_ =	sfence;
	s0 =	simm.s32 $0x1  }
0x299: {  	[sflag:s0] =	ssyncpa.u1 $0x1  }
0x29a: {  	_ =	strace $0x9000004D  }
0x29b: {  	[bflag:$0x2] =	sbarrier.arrive $0xFFFF  }
0x29c: {  	s0 =	rddreg [dreg:$0x5]  }
0x29d: {  	s0 =	sadd.s32 @!p0 $0x100000, s0  }
0x29e: {  	[sflag:s0] =	ssyncadd.tile.s32 @!p0 $0x1;
	_ =	shalt  }
.Lfunc_end2:
_tile_overlayer_lowered:
.L_overlay_start_2:
0x29f: {  	(tag) =	ssettag $0x2  }
0x2a0: {  	s0 =	rddreg [dreg:$0x0];
	s2 =	stileid.u32  }
0x2a1: {  	s1 =	rddreg [dreg:$0x1];
	p0 =	sne.s32 s2, $0x0  }
0x2a2: {  	s3 =	rddreg [dreg:$0x2];
	[bflag:$0x3] =	sbarrier.arrive $0xFFFF;
	s2 =	simm.s32 @!p0 $0x1C01  }
0x2a3: {  	[timem:s3], [sflag:s2] =	dma.local @!p0 [hbm:s0], s1  }
0x2a4: {  	s0 =	simm.s32 @!p0 $0x1  }
0x2a5: {  	_ =	swait.ge @!p0 [sflag:s0], s1  }
0x2a6: {  	s1 =	ssub.s32 @!p0 $0x0, s1;
	[sflag:s0] =	ssyncset.done @!p0 $0x0  }
0x2a7: {  	[sflag:s0] =	ssyncadd.s32 @!p0 s1  }
0x2a8: {  	[bflag:$0x3] =	sbarrier.arrive $0xFFFF  }
0x2a9: {  	_ =	shalt  }

</sc_bundles>
